<compile_context>
chip_gen: v7x
topology: tpu7x:2x2x1
jax: 0.10.2.dev20260603
libtpu: 0.0.44.dev20260713+nightly
codegen_flags: <defaults>
</compile_context>

<pallas_src>
import functools

import jax
import jax.numpy as jnp
from jax import lax
from jax.experimental import pallas as pl
from jax.experimental.pallas import tpu as pltpu
from jax.experimental.pallas import tpu_sc as plsc

VOCAB = 1000000
EMBDIM = 32
B = 4096
L = 200

_LGROUPS = 4
_BGROUPS = 8
_LL = L // _LGROUPS
_WB = B // _BGROUPS
_NBT = _WB // 128
_DT = EMBDIM // 8


@functools.partial(
    pl.kernel,
    out_type=jax.ShapeDtypeStruct((L, _DT, B // 128, 8, 128), jnp.float32),
    mesh=plsc.VectorSubcoreMesh(core_axis_name="c", subcore_axis_name="s"),
    compiler_params=pltpu.CompilerParams(
        use_tc_tiling_on_sc=False, needs_layout_passes=False
    ),
    scratch_types=[
        pltpu.VMEM((_LL, _WB), jnp.int32),
        pltpu.VMEM((2, _WB, EMBDIM), jnp.float32),
        pltpu.VMEM((2, _NBT, _DT, 8, 129), jnp.float32),
        pltpu.SemaphoreType.DMA((2,)),
        pltpu.SemaphoreType.DMA((2,)),
    ],
)
def _emb_gather(idx_hbm, table_hbm, out_hbm, idx_v, rows_v, tr_v, gsem, osem):
  wid = lax.axis_index("s") * 2 + lax.axis_index("c")
  lg = wid // jnp.int32(_BGROUPS)
  bg = wid % jnp.int32(_BGROUPS)
  l0 = lg * jnp.int32(_LL)
  b0 = pl.multiple_of(bg * jnp.int32(_WB), _WB)
  bt0 = bg * jnp.int32(_NBT)
  lanes = lax.iota(jnp.int32, 16)

  pltpu.sync_copy(idx_hbm.at[pl.ds(l0, _LL), pl.ds(b0, _WB)], idx_v)

  def gather_start(j, b):
    pltpu.async_copy(
        table_hbm.at[idx_v.at[j]],
        rows_v.at[b],
        gsem.at[b],
    )

  def gather_wait(b):
    pltpu.make_async_copy(
        table_hbm.at[idx_v.at[jnp.int32(0)]],
        rows_v.at[b],
        gsem.at[b],
    ).wait()

  def out_start(j, b):
    for bt in range(_NBT):
      pltpu.async_copy(
          tr_v.at[b, jnp.int32(bt), pl.ds(0, _DT), pl.ds(0, 8), pl.ds(0, 128)],
          out_hbm.at[l0 + j, pl.ds(0, _DT), bt0 + jnp.int32(bt)],
          osem.at[b],
      )

  def out_wait(b):
    for bt in range(_NBT):
      pltpu.make_async_copy(
          tr_v.at[b, jnp.int32(bt), pl.ds(0, _DT), pl.ds(0, 8), pl.ds(0, 128)],
          out_hbm.at[jnp.int32(0), pl.ds(0, _DT), jnp.int32(bt)],
          osem.at[b],
      ).wait()

  dtv_lo = lanes // jnp.int32(8)
  dtv_hi = dtv_lo + jnp.int32(2)
  subv = lanes % jnp.int32(8)
  zeros = lanes * jnp.int32(0)

  def transpose_chunk(b):
    for bt in range(_NBT):
      trb = tr_v.at[b, jnp.int32(bt)]

      def per_lane(_, li):
        bi = jnp.int32(bt * 128) + li
        lanev = zeros + li
        vlo = rows_v[b, bi, pl.ds(0, 16)]
        vhi = rows_v[b, bi, pl.ds(16, 16)]
        plsc.store_scatter(trb, [dtv_lo, subv, lanev], vlo)
        plsc.store_scatter(trb, [dtv_hi, subv, lanev], vhi)
        return li + jnp.int32(1)

      lax.fori_loop(0, 128, per_lane, jnp.int32(0), unroll=8)

  gather_start(jnp.int32(0), jnp.int32(0))

  def chunk(_, j):
    b = j & jnp.int32(1)
    nb = jnp.int32(1) - b

    @pl.when(j < jnp.int32(_LL - 1))
    def _():
      gather_start(j + jnp.int32(1), nb)

    gather_wait(b)

    @pl.when(j >= jnp.int32(2))
    def _():
      out_wait(b)

    transpose_chunk(b)
    out_start(j, b)
    return j + jnp.int32(1)

  lax.fori_loop(0, _LL, chunk, jnp.int32(0), unroll=False)
  out_wait(jnp.int32(0))
  out_wait(jnp.int32(1))


def kernel(indexseq, table):
  idxt = jnp.asarray(indexseq, jnp.int32).T
  out5d = _emb_gather(idxt, table)
  return out5d.transpose(0, 1, 3, 2, 4).reshape(L, EMBDIM, B).transpose(0, 2, 1)

# --- scband reference (transcript-rebuilt; emitter-appended) ---
"""Pipeline reference for scband-word-embeddings-75823352644340 (READ-ONLY COPY).

The authoritative reference and input builder live on the scoring server;
editing this copy changes nothing except your own understanding.
"""

import jax, jax.numpy as jnp
import numpy as np

jax.config.update("jax_enable_x64", True)

VOCAB = 1000000
EMBDIM = 32
B = 4096
L = 200


def setup_inputs(seed: int = 0) -> dict:
    key = jax.random.key(seed)
    k_idx, k_tab = jax.random.split(key)
    indexseq = jax.random.randint(k_idx, (B, L), 0, VOCAB, dtype=jnp.int64)
    # Embedding table (nn.Embedding weight). padding_idx=0 -> row 0 initialized to zeros.
    table = jax.random.normal(k_tab, (VOCAB, EMBDIM), dtype=jnp.float32)
    table = table.at[0].set(0.0)
    return {"indexseq": indexseq, "table": table}


def reference(indexseq, table):
    # nn.Embedding lookup: [B, L] -> [B, L, D], then permute(1, 0, 2) -> [L, B, D]
    emb = jnp.take(table, indexseq, axis=0)
    return jnp.transpose(emb, (1, 0, 2))

if __name__ == "__main__":
    import jax
    _d = setup_inputs()
    print(jax.jit(kernel)(*tuple(_d.values())))

</pallas_src>

<mosaic_0001>
#map = affine_map<(d0, d1) -> (0, 0)>
#map1 = affine_map<(d0, d1) -> (0, 0, 0, 0, 0)>
module attributes {stable_mosaic.version = 14 : i64} {
  func.func @_emb_gather(%arg0: i32, %arg1: i32, %arg2: memref<200x4096xi32, #tpu.memory_space<hbm>>, %arg3: memref<1000000x32xf32, #tpu.memory_space<hbm>>, %arg4: memref<200x4x32x8x128xf32, #tpu.memory_space<hbm>>, %arg5: memref<50x512xi32, #tpu.memory_space<vmem>>, %arg6: memref<2x512x32xf32, #tpu.memory_space<vmem>>, %arg7: memref<2x4x4x8x129xf32, #tpu.memory_space<vmem>>, %arg8: memref<2x!tpu.dma_semaphore, #tpu.memory_space<semaphore_mem>>, %arg9: memref<2x!tpu.dma_semaphore, #tpu.memory_space<semaphore_mem>>) attributes {dimension_semantics = [#tpu.dimension_semantics<core_parallel>, #tpu.dimension_semantics<subcore_parallel>], iteration_bounds = array<i64: 2, 16>, scalar_prefetch = 0 : i64, scratch_operands = 5 : i64, tpu.core_type = #tpu.core_type<sc_vector_subcore>, window_params = [{transform_indices = #map}, {transform_indices = #map}, {transform_indices = #map1}]} {
    %mul3A = arith.constant 2 : i32
    %mul3A_0 = arith.muli %arg1, %mul3A : i32
    %add3A = arith.addi %mul3A_0, %arg0 : i32
    %jit3A = arith.constant 8 : i32
    %div3A = arith.divsi %add3A, %jit3A : i32
    %sign3A = arith.constant 0 : i32
    %sign3A_1 = arith.cmpi sgt, %add3A, %sign3A : i32
    %sign3A_2 = arith.extui %sign3A_1 : i1 to i32
    %sign3A_3 = arith.constant 0 : i32
    %sign3A_4 = arith.cmpi slt, %add3A, %sign3A_3 : i32
    %sign3A_5 = arith.extui %sign3A_4 : i1 to i32
    %sign3A_6 = arith.subi %sign3A_2, %sign3A_5 : i32
    %sign3A_7 = arith.constant 0 : i32
    %sign3A_8 = arith.cmpi sgt, %jit3A, %sign3A_7 : i32
    %sign3A_9 = arith.extui %sign3A_8 : i1 to i32
    %sign3A_10 = arith.constant 0 : i32
    %sign3A_11 = arith.cmpi slt, %jit3A, %sign3A_10 : i32
    %sign3A_12 = arith.extui %sign3A_11 : i1 to i32
    %sign3A_13 = arith.subi %sign3A_9, %sign3A_12 : i32
    %ne3A = arith.cmpi ne, %sign3A_6, %sign3A_13 : i32
    %rem3A = arith.remsi %add3A, %jit3A : i32
    %ne3A_14 = arith.constant 0 : i32
    %ne3A_15 = arith.cmpi ne, %rem3A, %ne3A_14 : i32
    %and3A = arith.andi %ne3A, %ne3A_15 : i1
    %sub3A = arith.constant 1 : i32
    %sub3A_16 = arith.subi %div3A, %sub3A : i32
    %select_n3A = arith.select %and3A, %sub3A_16, %div3A : i32
    %jit3A_17 = arith.constant 8 : i32
    %eq3A = arith.constant 0 : i32
    %eq3A_18 = arith.cmpi eq, %jit3A_17, %eq3A : i32
    %jit3A_19 = arith.constant 1 : i32
    %select_n3A_20 = arith.select %eq3A_18, %jit3A_19, %jit3A_17 : i32
    %rem3A_21 = arith.remsi %add3A, %select_n3A_20 : i32
    %ne3A_22 = arith.constant 0 : i32
    %ne3A_23 = arith.cmpi ne, %rem3A_21, %ne3A_22 : i32
    %lt3A = arith.constant 0 : i32
    %lt3A_24 = arith.cmpi slt, %rem3A_21, %lt3A : i32
    %lt3A_25 = arith.constant 0 : i32
    %lt3A_26 = arith.cmpi slt, %select_n3A_20, %lt3A_25 : i32
    %ne3A_27 = arith.xori %lt3A_24, %lt3A_26 : i1
    %and3A_28 = arith.andi %ne3A_27, %ne3A_23 : i1
    %add3A_29 = arith.addi %rem3A_21, %select_n3A_20 : i32
    %select_n3A_30 = arith.select %and3A_28, %add3A_29, %rem3A_21 : i32
    %mul3A_31 = arith.constant 50 : i32
    %mul3A_32 = arith.muli %select_n3A, %mul3A_31 : i32
    %mul3A_33 = arith.constant 512 : i32
    %mul3A_34 = arith.muli %select_n3A_30, %mul3A_33 : i32
    %multiple_of3A = tpu.assume_multiple %mul3A_34, 512 : i32
    %mul3A_35 = arith.constant 4 : i32
    %mul3A_36 = arith.muli %select_n3A_30, %mul3A_35 : i32
    %iota3A = tpu.iota {dimensions = array<i32: 0>} : vector<16xi32>
    "tpu.region"() ({
      %run_scoped3A = tpu.sem_alloc : memref<!tpu.dma_semaphore, #tpu.memory_space<semaphore_mem>>
      %dma_start3A_331 = tpu.memref_slice %arg2[%mul3A_32, %multiple_of3A] : memref<200x4096xi32, #tpu.memory_space<hbm>> -> memref<50x512xi32, #tpu.memory_space<hbm>>
      %dma_start3A_332 = tpu.memref_slice %arg2[%mul3A_32, %multiple_of3A] : memref<200x4096xi32, #tpu.memory_space<hbm>> -> memref<50x512xi32, #tpu.memory_space<hbm>>
      tpu.enqueue_dma source(%dma_start3A_332 : memref<50x512xi32, #tpu.memory_space<hbm>>) target(%arg5 : memref<50x512xi32, #tpu.memory_space<vmem>>) target_semaphore(%run_scoped3A : memref<!tpu.dma_semaphore, #tpu.memory_space<semaphore_mem>>)
      %dma_wait3A_333 = tpu.memref_slice %arg2[%mul3A_32, %multiple_of3A] : memref<200x4096xi32, #tpu.memory_space<hbm>> -> memref<50x512xi32, #tpu.memory_space<hbm>>
      %dma_wait3A_334 = tpu.memref_slice %arg2[%mul3A_32, %multiple_of3A] : memref<200x4096xi32, #tpu.memory_space<hbm>> -> memref<50x512xi32, #tpu.memory_space<hbm>>
      tpu.wait_dma2 semaphore(%run_scoped3A : memref<!tpu.dma_semaphore, #tpu.memory_space<semaphore_mem>>) src(%dma_wait3A_334 : memref<50x512xi32, #tpu.memory_space<hbm>>) dst(%arg5 : memref<50x512xi32, #tpu.memory_space<vmem>>)
      tpu.yield
    }) : () -> ()
    %jit3A_37 = arith.constant 8 : i32
    %div3A_38 = vector.broadcast %jit3A_37 : i32 to vector<16xi32>
    %div3A_39 = arith.divsi %iota3A, %div3A_38 : vector<16xi32>
    %sign3A_40 = arith.constant 0 : i32
    %sign3A_41 = vector.broadcast %sign3A_40 : i32 to vector<16xi32>
    %sign3A_42 = arith.cmpi sgt, %iota3A, %sign3A_41 : vector<16xi32>
    %sign3A_43 = arith.extui %sign3A_42 : vector<16xi1> to vector<16xi32>
    %sign3A_44 = arith.constant 0 : i32
    %sign3A_45 = vector.broadcast %sign3A_44 : i32 to vector<16xi32>
    %sign3A_46 = arith.cmpi slt, %iota3A, %sign3A_45 : vector<16xi32>
    %sign3A_47 = arith.extui %sign3A_46 : vector<16xi1> to vector<16xi32>
    %sign3A_48 = arith.subi %sign3A_43, %sign3A_47 : vector<16xi32>
    %sign3A_49 = arith.constant 0 : i32
    %sign3A_50 = arith.cmpi sgt, %jit3A_37, %sign3A_49 : i32
    %sign3A_51 = arith.extui %sign3A_50 : i1 to i32
    %sign3A_52 = arith.constant 0 : i32
    %sign3A_53 = arith.cmpi slt, %jit3A_37, %sign3A_52 : i32
    %sign3A_54 = arith.extui %sign3A_53 : i1 to i32
    %sign3A_55 = arith.subi %sign3A_51, %sign3A_54 : i32
    %ne3A_56 = vector.broadcast %sign3A_55 : i32 to vector<16xi32>
    %ne3A_57 = arith.cmpi ne, %sign3A_48, %ne3A_56 : vector<16xi32>
    %rem3A_58 = vector.broadcast %jit3A_37 : i32 to vector<16xi32>
    %rem3A_59 = arith.remsi %iota3A, %rem3A_58 : vector<16xi32>
    %ne3A_60 = arith.constant 0 : i32
    %ne3A_61 = vector.broadcast %ne3A_60 : i32 to vector<16xi32>
    %ne3A_62 = arith.cmpi ne, %rem3A_59, %ne3A_61 : vector<16xi32>
    %and3A_63 = arith.andi %ne3A_57, %ne3A_62 : vector<16xi1>
    %sub3A_64 = arith.constant 1 : i32
    %sub3A_65 = vector.broadcast %sub3A_64 : i32 to vector<16xi32>
    %sub3A_66 = arith.subi %div3A_39, %sub3A_65 : vector<16xi32>
    %select_n3A_67 = arith.select %and3A_63, %sub3A_66, %div3A_39 : vector<16xi1>, vector<16xi32>
    %add3A_68 = arith.constant 2 : i32
    %add3A_69 = vector.broadcast %add3A_68 : i32 to vector<16xi32>
    %add3A_70 = arith.addi %select_n3A_67, %add3A_69 : vector<16xi32>
    %jit3A_71 = arith.constant 8 : i32
    %eq3A_72 = arith.constant 0 : i32
    %eq3A_73 = arith.cmpi eq, %jit3A_71, %eq3A_72 : i32
    %jit3A_74 = arith.constant 1 : i32
    %select_n3A_75 = arith.select %eq3A_73, %jit3A_74, %jit3A_71 : i32
    %rem3A_76 = vector.broadcast %select_n3A_75 : i32 to vector<16xi32>
    %rem3A_77 = arith.remsi %iota3A, %rem3A_76 : vector<16xi32>
    %ne3A_78 = arith.constant 0 : i32
    %ne3A_79 = vector.broadcast %ne3A_78 : i32 to vector<16xi32>
    %ne3A_80 = arith.cmpi ne, %rem3A_77, %ne3A_79 : vector<16xi32>
    %lt3A_81 = arith.constant 0 : i32
    %lt3A_82 = vector.broadcast %lt3A_81 : i32 to vector<16xi32>
    %lt3A_83 = arith.cmpi slt, %rem3A_77, %lt3A_82 : vector<16xi32>
    %lt3A_84 = arith.constant 0 : i32
    %lt3A_85 = arith.cmpi slt, %select_n3A_75, %lt3A_84 : i32
    %ne3A_86 = vector.broadcast %lt3A_85 : i1 to vector<16xi1>
    %ne3A_87 = vector.broadcast %ne3A_86 : vector<16xi1> to vector<16xi1>
    %ne3A_88 = arith.xori %lt3A_83, %ne3A_87 : vector<16xi1>
    %and3A_89 = arith.andi %ne3A_88, %ne3A_80 : vector<16xi1>
    %add3A_90 = vector.broadcast %select_n3A_75 : i32 to vector<16xi32>
    %add3A_91 = arith.addi %rem3A_77, %add3A_90 : vector<16xi32>
    %select_n3A_92 = arith.select %and3A_89, %add3A_91, %rem3A_77 : vector<16xi1>, vector<16xi32>
    %mul3A_93 = arith.constant 0 : i32
    %mul3A_94 = vector.broadcast %mul3A_93 : i32 to vector<16xi32>
    %mul3A_95 = arith.muli %iota3A, %mul3A_94 : vector<16xi32>
    %dma_start3A = arith.constant 0 : i32
    %dma_start3A_96 = arith.constant 0 : i32
    %dma_start3A_97 = arith.constant 0 : i32
    %dma_start3A_98 = arith.constant 0 : i32
    %dma_start3A_99 = arith.constant 0 : i32
    %dma_start3A_100 = tpu.memref_slice %arg6[%dma_start3A_96, %dma_start3A_98, %dma_start3A_99] : memref<2x512x32xf32, #tpu.memory_space<vmem>> -> memref<1x512x32xf32, #tpu.memory_space<vmem>>
    %dma_start3A_101 = tpu.memref_squeeze %dma_start3A_100 : memref<1x512x32xf32, #tpu.memory_space<vmem>> -> memref<512x32xf32, #tpu.memory_space<vmem>>
    %dma_start3A_102 = arith.constant 0 : i32
    %dma_start3A_103 = tpu.memref_slice %arg5[%dma_start3A, %dma_start3A_102] : memref<50x512xi32, #tpu.memory_space<vmem>> -> memref<1x512xi32, #tpu.memory_space<vmem>>
    %dma_start3A_104 = tpu.memref_squeeze %dma_start3A_103 : memref<1x512xi32, #tpu.memory_space<vmem>> -> memref<512xi32, #tpu.memory_space<vmem>>
    %dma_start3A_105 = arith.constant 0 : i32
    %dma_start3A_106 = arith.constant 0 : i32
    %dma_start3A_107 = tpu.memref_slice %arg3[%dma_start3A_105, %dma_start3A_106] : memref<1000000x32xf32, #tpu.memory_space<hbm>> -> memref<1000000x32xf32, #tpu.memory_space<hbm>>
    %dma_start3A_108 = tpu.memref_slice %arg8[%dma_start3A_97] : memref<2x!tpu.dma_semaphore, #tpu.memory_space<semaphore_mem>> -> memref<1x!tpu.dma_semaphore, #tpu.memory_space<semaphore_mem>>
    %dma_start3A_109 = tpu.memref_squeeze %dma_start3A_108 : memref<1x!tpu.dma_semaphore, #tpu.memory_space<semaphore_mem>> -> memref<!tpu.dma_semaphore, #tpu.memory_space<semaphore_mem>>
    tpu.enqueue_indirect_dma source(%dma_start3A_107 : memref<1000000x32xf32, #tpu.memory_space<hbm>>) target(%dma_start3A_101 : memref<512x32xf32, #tpu.memory_space<vmem>>) offsets(%dma_start3A_104 : memref<512xi32, #tpu.memory_space<vmem>>) semaphore(%dma_start3A_109 : memref<!tpu.dma_semaphore, #tpu.memory_space<semaphore_mem>>)
    %scan3A = arith.constant 0 : i32
    %scan3A_110 = arith.constant 0 : i32
    %scan3A_111 = arith.constant 50 : i32
    %scan3A_112 = arith.addi %scan3A_110, %scan3A_111 : i32
    %scan3A_113 = arith.constant 1 : i32
    %scan3A_114 = scf.for %scan3A_331 = %scan3A_110 to %scan3A_112 step %scan3A_113 iter_args(%scan3A_332 = %scan3A) -> (i32)  : i32 {
      %and3A_333 = arith.constant 1 : i32
      %and3A_334 = arith.andi %scan3A_332, %and3A_333 : i32
      %sub3A_335 = arith.constant 1 : i32
      %sub3A_336 = arith.subi %sub3A_335, %and3A_334 : i32
      %lt3A_337 = arith.constant 49 : i32
      %lt3A_338 = arith.cmpi slt, %scan3A_332, %lt3A_337 : i32
      %convert_element_type3A = arith.extui %lt3A_338 : i1 to i32
      %cond3A = arith.constant 0 : i32
      %cond3A_339 = arith.cmpi ne, %convert_element_type3A, %cond3A : i32
      scf.if %cond3A_339 {
        %add3A_495 = arith.constant 1 : i32
        %add3A_496 = arith.addi %scan3A_332, %add3A_495 : i32
        %dma_start3A_497 = arith.constant 0 : i32
        %dma_start3A_498 = arith.constant 0 : i32
        %dma_start3A_499 = tpu.memref_slice %arg6[%sub3A_336, %dma_start3A_497, %dma_start3A_498] : memref<2x512x32xf32, #tpu.memory_space<vmem>> -> memref<1x512x32xf32, #tpu.memory_space<vmem>>
        %dma_start3A_500 = tpu.memref_squeeze %dma_start3A_499 : memref<1x512x32xf32, #tpu.memory_space<vmem>> -> memref<512x32xf32, #tpu.memory_space<vmem>>
        %dma_start3A_501 = arith.constant 0 : i32
        %dma_start3A_502 = tpu.memref_slice %arg5[%add3A_496, %dma_start3A_501] : memref<50x512xi32, #tpu.memory_space<vmem>> -> memref<1x512xi32, #tpu.memory_space<vmem>>
        %dma_start3A_503 = tpu.memref_squeeze %dma_start3A_502 : memref<1x512xi32, #tpu.memory_space<vmem>> -> memref<512xi32, #tpu.memory_space<vmem>>
        %dma_start3A_504 = arith.constant 0 : i32
        %dma_start3A_505 = arith.constant 0 : i32
        %dma_start3A_506 = tpu.memref_slice %arg3[%dma_start3A_504, %dma_start3A_505] : memref<1000000x32xf32, #tpu.memory_space<hbm>> -> memref<1000000x32xf32, #tpu.memory_space<hbm>>
        %dma_start3A_507 = tpu.memref_slice %arg8[%sub3A_336] : memref<2x!tpu.dma_semaphore, #tpu.memory_space<semaphore_mem>> -> memref<1x!tpu.dma_semaphore, #tpu.memory_space<semaphore_mem>>
        %dma_start3A_508 = tpu.memref_squeeze %dma_start3A_507 : memref<1x!tpu.dma_semaphore, #tpu.memory_space<semaphore_mem>> -> memref<!tpu.dma_semaphore, #tpu.memory_space<semaphore_mem>>
        tpu.enqueue_indirect_dma source(%dma_start3A_506 : memref<1000000x32xf32, #tpu.memory_space<hbm>>) target(%dma_start3A_500 : memref<512x32xf32, #tpu.memory_space<vmem>>) offsets(%dma_start3A_503 : memref<512xi32, #tpu.memory_space<vmem>>) semaphore(%dma_start3A_508 : memref<!tpu.dma_semaphore, #tpu.memory_space<semaphore_mem>>)
      } else {
      }
      %dma_wait3A_340 = arith.constant 0 : i32
      %dma_wait3A_341 = arith.constant 0 : i32
      %dma_wait3A_342 = arith.constant 0 : i32
      %dma_wait3A_343 = tpu.memref_slice %arg6[%and3A_334, %dma_wait3A_341, %dma_wait3A_342] : memref<2x512x32xf32, #tpu.memory_space<vmem>> -> memref<1x512x32xf32, #tpu.memory_space<vmem>>
      %dma_wait3A_344 = tpu.memref_squeeze %dma_wait3A_343 : memref<1x512x32xf32, #tpu.memory_space<vmem>> -> memref<512x32xf32, #tpu.memory_space<vmem>>
      %dma_wait3A_345 = arith.constant 0 : i32
      %dma_wait3A_346 = tpu.memref_slice %arg5[%dma_wait3A_340, %dma_wait3A_345] : memref<50x512xi32, #tpu.memory_space<vmem>> -> memref<1x512xi32, #tpu.memory_space<vmem>>
      %dma_wait3A_347 = tpu.memref_squeeze %dma_wait3A_346 : memref<1x512xi32, #tpu.memory_space<vmem>> -> memref<512xi32, #tpu.memory_space<vmem>>
      %dma_wait3A_348 = arith.constant 0 : i32
      %dma_wait3A_349 = arith.constant 0 : i32
      %dma_wait3A_350 = tpu.memref_slice %arg3[%dma_wait3A_348, %dma_wait3A_349] : memref<1000000x32xf32, #tpu.memory_space<hbm>> -> memref<1000000x32xf32, #tpu.memory_space<hbm>>
      %dma_wait3A_351 = tpu.memref_slice %arg8[%and3A_334] : memref<2x!tpu.dma_semaphore, #tpu.memory_space<semaphore_mem>> -> memref<1x!tpu.dma_semaphore, #tpu.memory_space<semaphore_mem>>
      %dma_wait3A_352 = tpu.memref_squeeze %dma_wait3A_351 : memref<1x!tpu.dma_semaphore, #tpu.memory_space<semaphore_mem>> -> memref<!tpu.dma_semaphore, #tpu.memory_space<semaphore_mem>>
      tpu.wait_indirect_dma semaphore(%dma_wait3A_352 : memref<!tpu.dma_semaphore, #tpu.memory_space<semaphore_mem>>) src(%dma_wait3A_350 : memref<1000000x32xf32, #tpu.memory_space<hbm>>) dst(%dma_wait3A_344 : memref<512x32xf32, #tpu.memory_space<vmem>>)
      %ge3A = arith.constant 2 : i32
      %ge3A_353 = arith.cmpi sge, %scan3A_332, %ge3A : i32
      %convert_element_type3A_354 = arith.extui %ge3A_353 : i1 to i32
      %cond3A_355 = arith.constant 0 : i32
      %cond3A_356 = arith.cmpi ne, %convert_element_type3A_354, %cond3A_355 : i32
      scf.if %cond3A_356 {
        %dma_wait3A_495 = arith.constant 0 : i32
        %dma_wait3A_496 = arith.constant 0 : i32
        %dma_wait3A_497 = arith.constant 0 : i32
        %dma_wait3A_498 = arith.constant 0 : i32
        %dma_wait3A_499 = arith.constant 0 : i32
        %dma_wait3A_500 = arith.constant 0 : i32
        %dma_wait3A_501 = tpu.memref_slice %arg7[%and3A_334, %dma_wait3A_495, %dma_wait3A_498, %dma_wait3A_499, %dma_wait3A_500] : memref<2x4x4x8x129xf32, #tpu.memory_space<vmem>> -> memref<1x1x4x8x128xf32, #tpu.memory_space<vmem>>
        %dma_wait3A_502 = tpu.memref_squeeze %dma_wait3A_501 : memref<1x1x4x8x128xf32, #tpu.memory_space<vmem>> -> memref<4x8x128xf32, #tpu.memory_space<vmem>>
        %dma_wait3A_503 = arith.constant 0 : i32
        %dma_wait3A_504 = arith.constant 0 : i32
        %dma_wait3A_505 = arith.constant 0 : i32
        %dma_wait3A_506 = tpu.memref_slice %arg4[%dma_wait3A_496, %dma_wait3A_503, %dma_wait3A_497, %dma_wait3A_504, %dma_wait3A_505] : memref<200x4x32x8x128xf32, #tpu.memory_space<hbm>> -> memref<1x4x1x8x128xf32, #tpu.memory_space<hbm>>
        %dma_wait3A_507 = tpu.memref_squeeze %dma_wait3A_506 : memref<1x4x1x8x128xf32, #tpu.memory_space<hbm>> -> memref<4x8x128xf32, #tpu.memory_space<hbm>>
        %dma_wait3A_508 = tpu.memref_slice %arg9[%and3A_334] : memref<2x!tpu.dma_semaphore, #tpu.memory_space<semaphore_mem>> -> memref<1x!tpu.dma_semaphore, #tpu.memory_space<semaphore_mem>>
        %dma_wait3A_509 = tpu.memref_squeeze %dma_wait3A_508 : memref<1x!tpu.dma_semaphore, #tpu.memory_space<semaphore_mem>> -> memref<!tpu.dma_semaphore, #tpu.memory_space<semaphore_mem>>
        %dma_wait3A_510 = arith.constant 0 : i32
        %dma_wait3A_511 = arith.constant 0 : i32
        %dma_wait3A_512 = arith.constant 0 : i32
        %dma_wait3A_513 = tpu.memref_slice %arg4[%dma_wait3A_496, %dma_wait3A_510, %dma_wait3A_497, %dma_wait3A_511, %dma_wait3A_512] : memref<200x4x32x8x128xf32, #tpu.memory_space<hbm>> -> memref<1x4x1x8x128xf32, #tpu.memory_space<hbm>>
        %dma_wait3A_514 = tpu.memref_squeeze %dma_wait3A_513 : memref<1x4x1x8x128xf32, #tpu.memory_space<hbm>> -> memref<4x8x128xf32, #tpu.memory_space<hbm>>
        %dma_wait3A_515 = arith.constant 0 : i32
        %dma_wait3A_516 = arith.constant 0 : i32
        %dma_wait3A_517 = arith.constant 0 : i32
        %dma_wait3A_518 = tpu.memref_slice %arg7[%and3A_334, %dma_wait3A_495, %dma_wait3A_515, %dma_wait3A_516, %dma_wait3A_517] : memref<2x4x4x8x129xf32, #tpu.memory_space<vmem>> -> memref<1x1x4x8x128xf32, #tpu.memory_space<vmem>>
        %dma_wait3A_519 = tpu.memref_squeeze %dma_wait3A_518 : memref<1x1x4x8x128xf32, #tpu.memory_space<vmem>> -> memref<4x8x128xf32, #tpu.memory_space<vmem>>
        tpu.wait_dma2 semaphore(%dma_wait3A_509 : memref<!tpu.dma_semaphore, #tpu.memory_space<semaphore_mem>>) src(%dma_wait3A_519 : memref<4x8x128xf32, #tpu.memory_space<vmem>>) dst(%dma_wait3A_514 : memref<4x8x128xf32, #tpu.memory_space<hbm>>)
        %dma_wait3A_520 = arith.constant 1 : i32
        %dma_wait3A_521 = arith.constant 0 : i32
        %dma_wait3A_522 = arith.constant 1 : i32
        %dma_wait3A_523 = arith.constant 0 : i32
        %dma_wait3A_524 = arith.constant 0 : i32
        %dma_wait3A_525 = arith.constant 0 : i32
        %dma_wait3A_526 = tpu.memref_slice %arg7[%and3A_334, %dma_wait3A_520, %dma_wait3A_523, %dma_wait3A_524, %dma_wait3A_525] : memref<2x4x4x8x129xf32, #tpu.memory_space<vmem>> -> memref<1x1x4x8x128xf32, #tpu.memory_space<vmem>>
        %dma_wait3A_527 = tpu.memref_squeeze %dma_wait3A_526 : memref<1x1x4x8x128xf32, #tpu.memory_space<vmem>> -> memref<4x8x128xf32, #tpu.memory_space<vmem>>
        %dma_wait3A_528 = arith.constant 0 : i32
        %dma_wait3A_529 = arith.constant 0 : i32
        %dma_wait3A_530 = arith.constant 0 : i32
        %dma_wait3A_531 = tpu.memref_slice %arg4[%dma_wait3A_521, %dma_wait3A_528, %dma_wait3A_522, %dma_wait3A_529, %dma_wait3A_530] : memref<200x4x32x8x128xf32, #tpu.memory_space<hbm>> -> memref<1x4x1x8x128xf32, #tpu.memory_space<hbm>>
        %dma_wait3A_532 = tpu.memref_squeeze %dma_wait3A_531 : memref<1x4x1x8x128xf32, #tpu.memory_space<hbm>> -> memref<4x8x128xf32, #tpu.memory_space<hbm>>
        %dma_wait3A_533 = tpu.memref_slice %arg9[%and3A_334] : memref<2x!tpu.dma_semaphore, #tpu.memory_space<semaphore_mem>> -> memref<1x!tpu.dma_semaphore, #tpu.memory_space<semaphore_mem>>
        %dma_wait3A_534 = tpu.memref_squeeze %dma_wait3A_533 : memref<1x!tpu.dma_semaphore, #tpu.memory_space<semaphore_mem>> -> memref<!tpu.dma_semaphore, #tpu.memory_space<semaphore_mem>>
        %dma_wait3A_535 = arith.constant 0 : i32
        %dma_wait3A_536 = arith.constant 0 : i32
        %dma_wait3A_537 = arith.constant 0 : i32
        %dma_wait3A_538 = tpu.memref_slice %arg4[%dma_wait3A_521, %dma_wait3A_535, %dma_wait3A_522, %dma_wait3A_536, %dma_wait3A_537] : memref<200x4x32x8x128xf32, #tpu.memory_space<hbm>> -> memref<1x4x1x8x128xf32, #tpu.memory_space<hbm>>
        %dma_wait3A_539 = tpu.memref_squeeze %dma_wait3A_538 : memref<1x4x1x8x128xf32, #tpu.memory_space<hbm>> -> memref<4x8x128xf32, #tpu.memory_space<hbm>>
        %dma_wait3A_540 = arith.constant 0 : i32
        %dma_wait3A_541 = arith.constant 0 : i32
        %dma_wait3A_542 = arith.constant 0 : i32
        %dma_wait3A_543 = tpu.memref_slice %arg7[%and3A_334, %dma_wait3A_520, %dma_wait3A_540, %dma_wait3A_541, %dma_wait3A_542] : memref<2x4x4x8x129xf32, #tpu.memory_space<vmem>> -> memref<1x1x4x8x128xf32, #tpu.memory_space<vmem>>
        %dma_wait3A_544 = tpu.memref_squeeze %dma_wait3A_543 : memref<1x1x4x8x128xf32, #tpu.memory_space<vmem>> -> memref<4x8x128xf32, #tpu.memory_space<vmem>>
        tpu.wait_dma2 semaphore(%dma_wait3A_534 : memref<!tpu.dma_semaphore, #tpu.memory_space<semaphore_mem>>) src(%dma_wait3A_544 : memref<4x8x128xf32, #tpu.memory_space<vmem>>) dst(%dma_wait3A_539 : memref<4x8x128xf32, #tpu.memory_space<hbm>>)
        %dma_wait3A_545 = arith.constant 2 : i32
        %dma_wait3A_546 = arith.constant 0 : i32
        %dma_wait3A_547 = arith.constant 2 : i32
        %dma_wait3A_548 = arith.constant 0 : i32
        %dma_wait3A_549 = arith.constant 0 : i32
        %dma_wait3A_550 = arith.constant 0 : i32
        %dma_wait3A_551 = tpu.memref_slice %arg7[%and3A_334, %dma_wait3A_545, %dma_wait3A_548, %dma_wait3A_549, %dma_wait3A_550] : memref<2x4x4x8x129xf32, #tpu.memory_space<vmem>> -> memref<1x1x4x8x128xf32, #tpu.memory_space<vmem>>
        %dma_wait3A_552 = tpu.memref_squeeze %dma_wait3A_551 : memref<1x1x4x8x128xf32, #tpu.memory_space<vmem>> -> memref<4x8x128xf32, #tpu.memory_space<vmem>>
        %dma_wait3A_553 = arith.constant 0 : i32
        %dma_wait3A_554 = arith.constant 0 : i32
        %dma_wait3A_555 = arith.constant 0 : i32
        %dma_wait3A_556 = tpu.memref_slice %arg4[%dma_wait3A_546, %dma_wait3A_553, %dma_wait3A_547, %dma_wait3A_554, %dma_wait3A_555] : memref<200x4x32x8x128xf32, #tpu.memory_space<hbm>> -> memref<1x4x1x8x128xf32, #tpu.memory_space<hbm>>
        %dma_wait3A_557 = tpu.memref_squeeze %dma_wait3A_556 : memref<1x4x1x8x128xf32, #tpu.memory_space<hbm>> -> memref<4x8x128xf32, #tpu.memory_space<hbm>>
        %dma_wait3A_558 = tpu.memref_slice %arg9[%and3A_334] : memref<2x!tpu.dma_semaphore, #tpu.memory_space<semaphore_mem>> -> memref<1x!tpu.dma_semaphore, #tpu.memory_space<semaphore_mem>>
        %dma_wait3A_559 = tpu.memref_squeeze %dma_wait3A_558 : memref<1x!tpu.dma_semaphore, #tpu.memory_space<semaphore_mem>> -> memref<!tpu.dma_semaphore, #tpu.memory_space<semaphore_mem>>
        %dma_wait3A_560 = arith.constant 0 : i32
        %dma_wait3A_561 = arith.constant 0 : i32
        %dma_wait3A_562 = arith.constant 0 : i32
        %dma_wait3A_563 = tpu.memref_slice %arg4[%dma_wait3A_546, %dma_wait3A_560, %dma_wait3A_547, %dma_wait3A_561, %dma_wait3A_562] : memref<200x4x32x8x128xf32, #tpu.memory_space<hbm>> -> memref<1x4x1x8x128xf32, #tpu.memory_space<hbm>>
        %dma_wait3A_564 = tpu.memref_squeeze %dma_wait3A_563 : memref<1x4x1x8x128xf32, #tpu.memory_space<hbm>> -> memref<4x8x128xf32, #tpu.memory_space<hbm>>
        %dma_wait3A_565 = arith.constant 0 : i32
        %dma_wait3A_566 = arith.constant 0 : i32
        %dma_wait3A_567 = arith.constant 0 : i32
        %dma_wait3A_568 = tpu.memref_slice %arg7[%and3A_334, %dma_wait3A_545, %dma_wait3A_565, %dma_wait3A_566, %dma_wait3A_567] : memref<2x4x4x8x129xf32, #tpu.memory_space<vmem>> -> memref<1x1x4x8x128xf32, #tpu.memory_space<vmem>>
        %dma_wait3A_569 = tpu.memref_squeeze %dma_wait3A_568 : memref<1x1x4x8x128xf32, #tpu.memory_space<vmem>> -> memref<4x8x128xf32, #tpu.memory_space<vmem>>
        tpu.wait_dma2 semaphore(%dma_wait3A_559 : memref<!tpu.dma_semaphore, #tpu.memory_space<semaphore_mem>>) src(%dma_wait3A_569 : memref<4x8x128xf32, #tpu.memory_space<vmem>>) dst(%dma_wait3A_564 : memref<4x8x128xf32, #tpu.memory_space<hbm>>)
        %dma_wait3A_570 = arith.constant 3 : i32
        %dma_wait3A_571 = arith.constant 0 : i32
        %dma_wait3A_572 = arith.constant 3 : i32
        %dma_wait3A_573 = arith.constant 0 : i32
        %dma_wait3A_574 = arith.constant 0 : i32
        %dma_wait3A_575 = arith.constant 0 : i32
        %dma_wait3A_576 = tpu.memref_slice %arg7[%and3A_334, %dma_wait3A_570, %dma_wait3A_573, %dma_wait3A_574, %dma_wait3A_575] : memref<2x4x4x8x129xf32, #tpu.memory_space<vmem>> -> memref<1x1x4x8x128xf32, #tpu.memory_space<vmem>>
        %dma_wait3A_577 = tpu.memref_squeeze %dma_wait3A_576 : memref<1x1x4x8x128xf32, #tpu.memory_space<vmem>> -> memref<4x8x128xf32, #tpu.memory_space<vmem>>
        %dma_wait3A_578 = arith.constant 0 : i32
        %dma_wait3A_579 = arith.constant 0 : i32
        %dma_wait3A_580 = arith.constant 0 : i32
        %dma_wait3A_581 = tpu.memref_slice %arg4[%dma_wait3A_571, %dma_wait3A_578, %dma_wait3A_572, %dma_wait3A_579, %dma_wait3A_580] : memref<200x4x32x8x128xf32, #tpu.memory_space<hbm>> -> memref<1x4x1x8x128xf32, #tpu.memory_space<hbm>>
        %dma_wait3A_582 = tpu.memref_squeeze %dma_wait3A_581 : memref<1x4x1x8x128xf32, #tpu.memory_space<hbm>> -> memref<4x8x128xf32, #tpu.memory_space<hbm>>
        %dma_wait3A_583 = tpu.memref_slice %arg9[%and3A_334] : memref<2x!tpu.dma_semaphore, #tpu.memory_space<semaphore_mem>> -> memref<1x!tpu.dma_semaphore, #tpu.memory_space<semaphore_mem>>
        %dma_wait3A_584 = tpu.memref_squeeze %dma_wait3A_583 : memref<1x!tpu.dma_semaphore, #tpu.memory_space<semaphore_mem>> -> memref<!tpu.dma_semaphore, #tpu.memory_space<semaphore_mem>>
        %dma_wait3A_585 = arith.constant 0 : i32
        %dma_wait3A_586 = arith.constant 0 : i32
        %dma_wait3A_587 = arith.constant 0 : i32
        %dma_wait3A_588 = tpu.memref_slice %arg4[%dma_wait3A_571, %dma_wait3A_585, %dma_wait3A_572, %dma_wait3A_586, %dma_wait3A_587] : memref<200x4x32x8x128xf32, #tpu.memory_space<hbm>> -> memref<1x4x1x8x128xf32, #tpu.memory_space<hbm>>
        %dma_wait3A_589 = tpu.memref_squeeze %dma_wait3A_588 : memref<1x4x1x8x128xf32, #tpu.memory_space<hbm>> -> memref<4x8x128xf32, #tpu.memory_space<hbm>>
        %dma_wait3A_590 = arith.constant 0 : i32
        %dma_wait3A_591 = arith.constant 0 : i32
        %dma_wait3A_592 = arith.constant 0 : i32
        %dma_wait3A_593 = tpu.memref_slice %arg7[%and3A_334, %dma_wait3A_570, %dma_wait3A_590, %dma_wait3A_591, %dma_wait3A_592] : memref<2x4x4x8x129xf32, #tpu.memory_space<vmem>> -> memref<1x1x4x8x128xf32, #tpu.memory_space<vmem>>
        %dma_wait3A_594 = tpu.memref_squeeze %dma_wait3A_593 : memref<1x1x4x8x128xf32, #tpu.memory_space<vmem>> -> memref<4x8x128xf32, #tpu.memory_space<vmem>>
        tpu.wait_dma2 semaphore(%dma_wait3A_584 : memref<!tpu.dma_semaphore, #tpu.memory_space<semaphore_mem>>) src(%dma_wait3A_594 : memref<4x8x128xf32, #tpu.memory_space<vmem>>) dst(%dma_wait3A_589 : memref<4x8x128xf32, #tpu.memory_space<hbm>>)
      } else {
      }
      %scan3A_357 = arith.constant 0 : i32
      %scan3A_358 = arith.constant 0 : i32
      %scan3A_359 = arith.constant 0 : i32
      %scan3A_360 = arith.constant 128 : i32
      %scan3A_361 = arith.addi %scan3A_359, %scan3A_360 : i32
      %scan3A_362 = arith.constant 8 : i32
      %scan3A_363 = scf.for %scan3A_495 = %scan3A_359 to %scan3A_361 step %scan3A_362 iter_args(%scan3A_496 = %scan3A_358) -> (i32)  : i32 {
        %add3A_497 = arith.constant 0 : i32
        %add3A_498 = arith.addi %add3A_497, %scan3A_496 : i32
        %add3A_499 = vector.broadcast %scan3A_496 : i32 to vector<16xi32>
        %add3A_500 = arith.addi %mul3A_95, %add3A_499 : vector<16xi32>
        %get3A = arith.index_cast %and3A_334 : i32 to index
        %get3A_501 = arith.index_cast %add3A_498 : i32 to index
        %get3A_502 = arith.constant 0 : index
        %get3A_503 = tpu.vector_load %arg6[%get3A, %get3A_501, %get3A_502] {strides = array<i32>} : memref<2x512x32xf32, #tpu.memory_space<vmem>>, vector<16xf32>,
        %get3A_504 = arith.index_cast %and3A_334 : i32 to index
        %get3A_505 = arith.index_cast %add3A_498 : i32 to index
        %get3A_506 = arith.constant 16 : index
        %get3A_507 = tpu.vector_load %arg6[%get3A_504, %get3A_505, %get3A_506] {strides = array<i32>} : memref<2x512x32xf32, #tpu.memory_space<vmem>>, vector<16xf32>,
        %scatter3A = arith.constant 0 : i32
        %scatter3A_508 = arith.constant 0 : i32
        %scatter3A_509 = arith.constant 0 : i32
        %scatter3A_510 = tpu.memref_slice %arg7[%and3A_334, %scan3A_357, %scatter3A, %scatter3A_508, %scatter3A_509] : memref<2x4x4x8x129xf32, #tpu.memory_space<vmem>> -> memref<1x1x4x8x129xf32, #tpu.memory_space<vmem>>
        %scatter3A_511 = tpu.memref_squeeze %scatter3A_510 : memref<1x1x4x8x129xf32, #tpu.memory_space<vmem>> -> memref<4x8x129xf32, #tpu.memory_space<vmem>>
        tpu.vector_store_idx %scatter3A_511[%select_n3A_67, %select_n3A_92, %add3A_500], %get3A_503 : memref<4x8x129xf32, #tpu.memory_space<vmem>>[vector<16xi32>, vector<16xi32>, vector<16xi32>], vector<16xf32>,
        %scatter3A_512 = arith.constant 0 : i32
        %scatter3A_513 = arith.constant 0 : i32
        %scatter3A_514 = arith.constant 0 : i32
        %scatter3A_515 = tpu.memref_slice %arg7[%and3A_334, %scan3A_357, %scatter3A_512, %scatter3A_513, %scatter3A_514] : memref<2x4x4x8x129xf32, #tpu.memory_space<vmem>> -> memref<1x1x4x8x129xf32, #tpu.memory_space<vmem>>
        %scatter3A_516 = tpu.memref_squeeze %scatter3A_515 : memref<1x1x4x8x129xf32, #tpu.memory_space<vmem>> -> memref<4x8x129xf32, #tpu.memory_space<vmem>>
        tpu.vector_store_idx %scatter3A_516[%add3A_70, %select_n3A_92, %add3A_500], %get3A_507 : memref<4x8x129xf32, #tpu.memory_space<vmem>>[vector<16xi32>, vector<16xi32>, vector<16xi32>], vector<16xf32>,
        %add3A_517 = arith.constant 1 : i32
        %add3A_518 = arith.addi %scan3A_496, %add3A_517 : i32
        %scan3A_519 = arith.constant 1 : i32
        %scan3A_520 = arith.addi %scan3A_495, %scan3A_519 : i32
        %add3A_521 = arith.constant 0 : i32
        %add3A_522 = arith.addi %add3A_521, %add3A_518 : i32
        %add3A_523 = vector.broadcast %add3A_518 : i32 to vector<16xi32>
        %add3A_524 = arith.addi %mul3A_95, %add3A_523 : vector<16xi32>
        %get3A_525 = arith.index_cast %and3A_334 : i32 to index
        %get3A_526 = arith.index_cast %add3A_522 : i32 to index
        %get3A_527 = arith.constant 0 : index
        %get3A_528 = tpu.vector_load %arg6[%get3A_525, %get3A_526, %get3A_527] {strides = array<i32>} : memref<2x512x32xf32, #tpu.memory_space<vmem>>, vector<16xf32>,
        %get3A_529 = arith.index_cast %and3A_334 : i32 to index
        %get3A_530 = arith.index_cast %add3A_522 : i32 to index
        %get3A_531 = arith.constant 16 : index
        %get3A_532 = tpu.vector_load %arg6[%get3A_529, %get3A_530, %get3A_531] {strides = array<i32>} : memref<2x512x32xf32, #tpu.memory_space<vmem>>, vector<16xf32>,
        %scatter3A_533 = arith.constant 0 : i32
        %scatter3A_534 = arith.constant 0 : i32
        %scatter3A_535 = arith.constant 0 : i32
        %scatter3A_536 = tpu.memref_slice %arg7[%and3A_334, %scan3A_357, %scatter3A_533, %scatter3A_534, %scatter3A_535] : memref<2x4x4x8x129xf32, #tpu.memory_space<vmem>> -> memref<1x1x4x8x129xf32, #tpu.memory_space<vmem>>
        %scatter3A_537 = tpu.memref_squeeze %scatter3A_536 : memref<1x1x4x8x129xf32, #tpu.memory_space<vmem>> -> memref<4x8x129xf32, #tpu.memory_space<vmem>>
        tpu.vector_store_idx %scatter3A_537[%select_n3A_67, %select_n3A_92, %add3A_524], %get3A_528 : memref<4x8x129xf32, #tpu.memory_space<vmem>>[vector<16xi32>, vector<16xi32>, vector<16xi32>], vector<16xf32>,
        %scatter3A_538 = arith.constant 0 : i32
        %scatter3A_539 = arith.constant 0 : i32
        %scatter3A_540 = arith.constant 0 : i32
        %scatter3A_541 = tpu.memref_slice %arg7[%and3A_334, %scan3A_357, %scatter3A_538, %scatter3A_539, %scatter3A_540] : memref<2x4x4x8x129xf32, #tpu.memory_space<vmem>> -> memref<1x1x4x8x129xf32, #tpu.memory_space<vmem>>
        %scatter3A_542 = tpu.memref_squeeze %scatter3A_541 : memref<1x1x4x8x129xf32, #tpu.memory_space<vmem>> -> memref<4x8x129xf32, #tpu.memory_space<vmem>>
        tpu.vector_store_idx %scatter3A_542[%add3A_70, %select_n3A_92, %add3A_524], %get3A_532 : memref<4x8x129xf32, #tpu.memory_space<vmem>>[vector<16xi32>, vector<16xi32>, vector<16xi32>], vector<16xf32>,
        %add3A_543 = arith.constant 1 : i32
        %add3A_544 = arith.addi %add3A_518, %add3A_543 : i32
        %scan3A_545 = arith.constant 2 : i32
        %scan3A_546 = arith.addi %scan3A_495, %scan3A_545 : i32
        %add3A_547 = arith.constant 0 : i32
        %add3A_548 = arith.addi %add3A_547, %add3A_544 : i32
        %add3A_549 = vector.broadcast %add3A_544 : i32 to vector<16xi32>
        %add3A_550 = arith.addi %mul3A_95, %add3A_549 : vector<16xi32>
        %get3A_551 = arith.index_cast %and3A_334 : i32 to index
        %get3A_552 = arith.index_cast %add3A_548 : i32 to index
        %get3A_553 = arith.constant 0 : index
        %get3A_554 = tpu.vector_load %arg6[%get3A_551, %get3A_552, %get3A_553] {strides = array<i32>} : memref<2x512x32xf32, #tpu.memory_space<vmem>>, vector<16xf32>,
        %get3A_555 = arith.index_cast %and3A_334 : i32 to index
        %get3A_556 = arith.index_cast %add3A_548 : i32 to index
        %get3A_557 = arith.constant 16 : index
        %get3A_558 = tpu.vector_load %arg6[%get3A_555, %get3A_556, %get3A_557] {strides = array<i32>} : memref<2x512x32xf32, #tpu.memory_space<vmem>>, vector<16xf32>,
        %scatter3A_559 = arith.constant 0 : i32
        %scatter3A_560 = arith.constant 0 : i32
        %scatter3A_561 = arith.constant 0 : i32
        %scatter3A_562 = tpu.memref_slice %arg7[%and3A_334, %scan3A_357, %scatter3A_559, %scatter3A_560, %scatter3A_561] : memref<2x4x4x8x129xf32, #tpu.memory_space<vmem>> -> memref<1x1x4x8x129xf32, #tpu.memory_space<vmem>>
        %scatter3A_563 = tpu.memref_squeeze %scatter3A_562 : memref<1x1x4x8x129xf32, #tpu.memory_space<vmem>> -> memref<4x8x129xf32, #tpu.memory_space<vmem>>
        tpu.vector_store_idx %scatter3A_563[%select_n3A_67, %select_n3A_92, %add3A_550], %get3A_554 : memref<4x8x129xf32, #tpu.memory_space<vmem>>[vector<16xi32>, vector<16xi32>, vector<16xi32>], vector<16xf32>,
        %scatter3A_564 = arith.constant 0 : i32
        %scatter3A_565 = arith.constant 0 : i32
        %scatter3A_566 = arith.constant 0 : i32
        %scatter3A_567 = tpu.memref_slice %arg7[%and3A_334, %scan3A_357, %scatter3A_564, %scatter3A_565, %scatter3A_566] : memref<2x4x4x8x129xf32, #tpu.memory_space<vmem>> -> memref<1x1x4x8x129xf32, #tpu.memory_space<vmem>>
        %scatter3A_568 = tpu.memref_squeeze %scatter3A_567 : memref<1x1x4x8x129xf32, #tpu.memory_space<vmem>> -> memref<4x8x129xf32, #tpu.memory_space<vmem>>
        tpu.vector_store_idx %scatter3A_568[%add3A_70, %select_n3A_92, %add3A_550], %get3A_558 : memref<4x8x129xf32, #tpu.memory_space<vmem>>[vector<16xi32>, vector<16xi32>, vector<16xi32>], vector<16xf32>,
        %add3A_569 = arith.constant 1 : i32
        %add3A_570 = arith.addi %add3A_544, %add3A_569 : i32
        %scan3A_571 = arith.constant 3 : i32
        %scan3A_572 = arith.addi %scan3A_495, %scan3A_571 : i32
        %add3A_573 = arith.constant 0 : i32
        %add3A_574 = arith.addi %add3A_573, %add3A_570 : i32
        %add3A_575 = vector.broadcast %add3A_570 : i32 to vector<16xi32>
        %add3A_576 = arith.addi %mul3A_95, %add3A_575 : vector<16xi32>
        %get3A_577 = arith.index_cast %and3A_334 : i32 to index
        %get3A_578 = arith.index_cast %add3A_574 : i32 to index
        %get3A_579 = arith.constant 0 : index
        %get3A_580 = tpu.vector_load %arg6[%get3A_577, %get3A_578, %get3A_579] {strides = array<i32>} : memref<2x512x32xf32, #tpu.memory_space<vmem>>, vector<16xf32>,
        %get3A_581 = arith.index_cast %and3A_334 : i32 to index
        %get3A_582 = arith.index_cast %add3A_574 : i32 to index
        %get3A_583 = arith.constant 16 : index
        %get3A_584 = tpu.vector_load %arg6[%get3A_581, %get3A_582, %get3A_583] {strides = array<i32>} : memref<2x512x32xf32, #tpu.memory_space<vmem>>, vector<16xf32>,
        %scatter3A_585 = arith.constant 0 : i32
        %scatter3A_586 = arith.constant 0 : i32
        %scatter3A_587 = arith.constant 0 : i32
        %scatter3A_588 = tpu.memref_slice %arg7[%and3A_334, %scan3A_357, %scatter3A_585, %scatter3A_586, %scatter3A_587] : memref<2x4x4x8x129xf32, #tpu.memory_space<vmem>> -> memref<1x1x4x8x129xf32, #tpu.memory_space<vmem>>
        %scatter3A_589 = tpu.memref_squeeze %scatter3A_588 : memref<1x1x4x8x129xf32, #tpu.memory_space<vmem>> -> memref<4x8x129xf32, #tpu.memory_space<vmem>>
        tpu.vector_store_idx %scatter3A_589[%select_n3A_67, %select_n3A_92, %add3A_576], %get3A_580 : memref<4x8x129xf32, #tpu.memory_space<vmem>>[vector<16xi32>, vector<16xi32>, vector<16xi32>], vector<16xf32>,
        %scatter3A_590 = arith.constant 0 : i32
        %scatter3A_591 = arith.constant 0 : i32
        %scatter3A_592 = arith.constant 0 : i32
        %scatter3A_593 = tpu.memref_slice %arg7[%and3A_334, %scan3A_357, %scatter3A_590, %scatter3A_591, %scatter3A_592] : memref<2x4x4x8x129xf32, #tpu.memory_space<vmem>> -> memref<1x1x4x8x129xf32, #tpu.memory_space<vmem>>
        %scatter3A_594 = tpu.memref_squeeze %scatter3A_593 : memref<1x1x4x8x129xf32, #tpu.memory_space<vmem>> -> memref<4x8x129xf32, #tpu.memory_space<vmem>>
        tpu.vector_store_idx %scatter3A_594[%add3A_70, %select_n3A_92, %add3A_576], %get3A_584 : memref<4x8x129xf32, #tpu.memory_space<vmem>>[vector<16xi32>, vector<16xi32>, vector<16xi32>], vector<16xf32>,
        %add3A_595 = arith.constant 1 : i32
        %add3A_596 = arith.addi %add3A_570, %add3A_595 : i32
        %scan3A_597 = arith.constant 4 : i32
        %scan3A_598 = arith.addi %scan3A_495, %scan3A_597 : i32
        %add3A_599 = arith.constant 0 : i32
        %add3A_600 = arith.addi %add3A_599, %add3A_596 : i32
        %add3A_601 = vector.broadcast %add3A_596 : i32 to vector<16xi32>
        %add3A_602 = arith.addi %mul3A_95, %add3A_601 : vector<16xi32>
        %get3A_603 = arith.index_cast %and3A_334 : i32 to index
        %get3A_604 = arith.index_cast %add3A_600 : i32 to index
        %get3A_605 = arith.constant 0 : index
        %get3A_606 = tpu.vector_load %arg6[%get3A_603, %get3A_604, %get3A_605] {strides = array<i32>} : memref<2x512x32xf32, #tpu.memory_space<vmem>>, vector<16xf32>,
        %get3A_607 = arith.index_cast %and3A_334 : i32 to index
        %get3A_608 = arith.index_cast %add3A_600 : i32 to index
        %get3A_609 = arith.constant 16 : index
        %get3A_610 = tpu.vector_load %arg6[%get3A_607, %get3A_608, %get3A_609] {strides = array<i32>} : memref<2x512x32xf32, #tpu.memory_space<vmem>>, vector<16xf32>,
        %scatter3A_611 = arith.constant 0 : i32
        %scatter3A_612 = arith.constant 0 : i32
        %scatter3A_613 = arith.constant 0 : i32
        %scatter3A_614 = tpu.memref_slice %arg7[%and3A_334, %scan3A_357, %scatter3A_611, %scatter3A_612, %scatter3A_613] : memref<2x4x4x8x129xf32, #tpu.memory_space<vmem>> -> memref<1x1x4x8x129xf32, #tpu.memory_space<vmem>>
        %scatter3A_615 = tpu.memref_squeeze %scatter3A_614 : memref<1x1x4x8x129xf32, #tpu.memory_space<vmem>> -> memref<4x8x129xf32, #tpu.memory_space<vmem>>
        tpu.vector_store_idx %scatter3A_615[%select_n3A_67, %select_n3A_92, %add3A_602], %get3A_606 : memref<4x8x129xf32, #tpu.memory_space<vmem>>[vector<16xi32>, vector<16xi32>, vector<16xi32>], vector<16xf32>,
        %scatter3A_616 = arith.constant 0 : i32
        %scatter3A_617 = arith.constant 0 : i32
        %scatter3A_618 = arith.constant 0 : i32
        %scatter3A_619 = tpu.memref_slice %arg7[%and3A_334, %scan3A_357, %scatter3A_616, %scatter3A_617, %scatter3A_618] : memref<2x4x4x8x129xf32, #tpu.memory_space<vmem>> -> memref<1x1x4x8x129xf32, #tpu.memory_space<vmem>>
        %scatter3A_620 = tpu.memref_squeeze %scatter3A_619 : memref<1x1x4x8x129xf32, #tpu.memory_space<vmem>> -> memref<4x8x129xf32, #tpu.memory_space<vmem>>
        tpu.vector_store_idx %scatter3A_620[%add3A_70, %select_n3A_92, %add3A_602], %get3A_610 : memref<4x8x129xf32, #tpu.memory_space<vmem>>[vector<16xi32>, vector<16xi32>, vector<16xi32>], vector<16xf32>,
        %add3A_621 = arith.constant 1 : i32
        %add3A_622 = arith.addi %add3A_596, %add3A_621 : i32
        %scan3A_623 = arith.constant 5 : i32
        %scan3A_624 = arith.addi %scan3A_495, %scan3A_623 : i32
        %add3A_625 = arith.constant 0 : i32
        %add3A_626 = arith.addi %add3A_625, %add3A_622 : i32
        %add3A_627 = vector.broadcast %add3A_622 : i32 to vector<16xi32>
        %add3A_628 = arith.addi %mul3A_95, %add3A_627 : vector<16xi32>
        %get3A_629 = arith.index_cast %and3A_334 : i32 to index
        %get3A_630 = arith.index_cast %add3A_626 : i32 to index
        %get3A_631 = arith.constant 0 : index
        %get3A_632 = tpu.vector_load %arg6[%get3A_629, %get3A_630, %get3A_631] {strides = array<i32>} : memref<2x512x32xf32, #tpu.memory_space<vmem>>, vector<16xf32>,
        %get3A_633 = arith.index_cast %and3A_334 : i32 to index
        %get3A_634 = arith.index_cast %add3A_626 : i32 to index
        %get3A_635 = arith.constant 16 : index
        %get3A_636 = tpu.vector_load %arg6[%get3A_633, %get3A_634, %get3A_635] {strides = array<i32>} : memref<2x512x32xf32, #tpu.memory_space<vmem>>, vector<16xf32>,
        %scatter3A_637 = arith.constant 0 : i32
        %scatter3A_638 = arith.constant 0 : i32
        %scatter3A_639 = arith.constant 0 : i32
        %scatter3A_640 = tpu.memref_slice %arg7[%and3A_334, %scan3A_357, %scatter3A_637, %scatter3A_638, %scatter3A_639] : memref<2x4x4x8x129xf32, #tpu.memory_space<vmem>> -> memref<1x1x4x8x129xf32, #tpu.memory_space<vmem>>
        %scatter3A_641 = tpu.memref_squeeze %scatter3A_640 : memref<1x1x4x8x129xf32, #tpu.memory_space<vmem>> -> memref<4x8x129xf32, #tpu.memory_space<vmem>>
        tpu.vector_store_idx %scatter3A_641[%select_n3A_67, %select_n3A_92, %add3A_628], %get3A_632 : memref<4x8x129xf32, #tpu.memory_space<vmem>>[vector<16xi32>, vector<16xi32>, vector<16xi32>], vector<16xf32>,
        %scatter3A_642 = arith.constant 0 : i32
        %scatter3A_643 = arith.constant 0 : i32
        %scatter3A_644 = arith.constant 0 : i32
        %scatter3A_645 = tpu.memref_slice %arg7[%and3A_334, %scan3A_357, %scatter3A_642, %scatter3A_643, %scatter3A_644] : memref<2x4x4x8x129xf32, #tpu.memory_space<vmem>> -> memref<1x1x4x8x129xf32, #tpu.memory_space<vmem>>
        %scatter3A_646 = tpu.memref_squeeze %scatter3A_645 : memref<1x1x4x8x129xf32, #tpu.memory_space<vmem>> -> memref<4x8x129xf32, #tpu.memory_space<vmem>>
        tpu.vector_store_idx %scatter3A_646[%add3A_70, %select_n3A_92, %add3A_628], %get3A_636 : memref<4x8x129xf32, #tpu.memory_space<vmem>>[vector<16xi32>, vector<16xi32>, vector<16xi32>], vector<16xf32>,
        %add3A_647 = arith.constant 1 : i32
        %add3A_648 = arith.addi %add3A_622, %add3A_647 : i32
        %scan3A_649 = arith.constant 6 : i32
        %scan3A_650 = arith.addi %scan3A_495, %scan3A_649 : i32
        %add3A_651 = arith.constant 0 : i32
        %add3A_652 = arith.addi %add3A_651, %add3A_648 : i32
        %add3A_653 = vector.broadcast %add3A_648 : i32 to vector<16xi32>
        %add3A_654 = arith.addi %mul3A_95, %add3A_653 : vector<16xi32>
        %get3A_655 = arith.index_cast %and3A_334 : i32 to index
        %get3A_656 = arith.index_cast %add3A_652 : i32 to index
        %get3A_657 = arith.constant 0 : index
        %get3A_658 = tpu.vector_load %arg6[%get3A_655, %get3A_656, %get3A_657] {strides = array<i32>} : memref<2x512x32xf32, #tpu.memory_space<vmem>>, vector<16xf32>,
        %get3A_659 = arith.index_cast %and3A_334 : i32 to index
        %get3A_660 = arith.index_cast %add3A_652 : i32 to index
        %get3A_661 = arith.constant 16 : index
        %get3A_662 = tpu.vector_load %arg6[%get3A_659, %get3A_660, %get3A_661] {strides = array<i32>} : memref<2x512x32xf32, #tpu.memory_space<vmem>>, vector<16xf32>,
        %scatter3A_663 = arith.constant 0 : i32
        %scatter3A_664 = arith.constant 0 : i32
        %scatter3A_665 = arith.constant 0 : i32
        %scatter3A_666 = tpu.memref_slice %arg7[%and3A_334, %scan3A_357, %scatter3A_663, %scatter3A_664, %scatter3A_665] : memref<2x4x4x8x129xf32, #tpu.memory_space<vmem>> -> memref<1x1x4x8x129xf32, #tpu.memory_space<vmem>>
        %scatter3A_667 = tpu.memref_squeeze %scatter3A_666 : memref<1x1x4x8x129xf32, #tpu.memory_space<vmem>> -> memref<4x8x129xf32, #tpu.memory_space<vmem>>
        tpu.vector_store_idx %scatter3A_667[%select_n3A_67, %select_n3A_92, %add3A_654], %get3A_658 : memref<4x8x129xf32, #tpu.memory_space<vmem>>[vector<16xi32>, vector<16xi32>, vector<16xi32>], vector<16xf32>,
        %scatter3A_668 = arith.constant 0 : i32
        %scatter3A_669 = arith.constant 0 : i32
        %scatter3A_670 = arith.constant 0 : i32
        %scatter3A_671 = tpu.memref_slice %arg7[%and3A_334, %scan3A_357, %scatter3A_668, %scatter3A_669, %scatter3A_670] : memref<2x4x4x8x129xf32, #tpu.memory_space<vmem>> -> memref<1x1x4x8x129xf32, #tpu.memory_space<vmem>>
        %scatter3A_672 = tpu.memref_squeeze %scatter3A_671 : memref<1x1x4x8x129xf32, #tpu.memory_space<vmem>> -> memref<4x8x129xf32, #tpu.memory_space<vmem>>
        tpu.vector_store_idx %scatter3A_672[%add3A_70, %select_n3A_92, %add3A_654], %get3A_662 : memref<4x8x129xf32, #tpu.memory_space<vmem>>[vector<16xi32>, vector<16xi32>, vector<16xi32>], vector<16xf32>,
        %add3A_673 = arith.constant 1 : i32
        %add3A_674 = arith.addi %add3A_648, %add3A_673 : i32
        %scan3A_675 = arith.constant 7 : i32
        %scan3A_676 = arith.addi %scan3A_495, %scan3A_675 : i32
        %add3A_677 = arith.constant 0 : i32
        %add3A_678 = arith.addi %add3A_677, %add3A_674 : i32
        %add3A_679 = vector.broadcast %add3A_674 : i32 to vector<16xi32>
        %add3A_680 = arith.addi %mul3A_95, %add3A_679 : vector<16xi32>
        %get3A_681 = arith.index_cast %and3A_334 : i32 to index
        %get3A_682 = arith.index_cast %add3A_678 : i32 to index
        %get3A_683 = arith.constant 0 : index
        %get3A_684 = tpu.vector_load %arg6[%get3A_681, %get3A_682, %get3A_683] {strides = array<i32>} : memref<2x512x32xf32, #tpu.memory_space<vmem>>, vector<16xf32>,
        %get3A_685 = arith.index_cast %and3A_334 : i32 to index
        %get3A_686 = arith.index_cast %add3A_678 : i32 to index
        %get3A_687 = arith.constant 16 : index
        %get3A_688 = tpu.vector_load %arg6[%get3A_685, %get3A_686, %get3A_687] {strides = array<i32>} : memref<2x512x32xf32, #tpu.memory_space<vmem>>, vector<16xf32>,
        %scatter3A_689 = arith.constant 0 : i32
        %scatter3A_690 = arith.constant 0 : i32
        %scatter3A_691 = arith.constant 0 : i32
        %scatter3A_692 = tpu.memref_slice %arg7[%and3A_334, %scan3A_357, %scatter3A_689, %scatter3A_690, %scatter3A_691] : memref<2x4x4x8x129xf32, #tpu.memory_space<vmem>> -> memref<1x1x4x8x129xf32, #tpu.memory_space<vmem>>
        %scatter3A_693 = tpu.memref_squeeze %scatter3A_692 : memref<1x1x4x8x129xf32, #tpu.memory_space<vmem>> -> memref<4x8x129xf32, #tpu.memory_space<vmem>>
        tpu.vector_store_idx %scatter3A_693[%select_n3A_67, %select_n3A_92, %add3A_680], %get3A_684 : memref<4x8x129xf32, #tpu.memory_space<vmem>>[vector<16xi32>, vector<16xi32>, vector<16xi32>], vector<16xf32>,
        %scatter3A_694 = arith.constant 0 : i32
        %scatter3A_695 = arith.constant 0 : i32
        %scatter3A_696 = arith.constant 0 : i32
        %scatter3A_697 = tpu.memref_slice %arg7[%and3A_334, %scan3A_357, %scatter3A_694, %scatter3A_695, %scatter3A_696] : memref<2x4x4x8x129xf32, #tpu.memory_space<vmem>> -> memref<1x1x4x8x129xf32, #tpu.memory_space<vmem>>
        %scatter3A_698 = tpu.memref_squeeze %scatter3A_697 : memref<1x1x4x8x129xf32, #tpu.memory_space<vmem>> -> memref<4x8x129xf32, #tpu.memory_space<vmem>>
        tpu.vector_store_idx %scatter3A_698[%add3A_70, %select_n3A_92, %add3A_680], %get3A_688 : memref<4x8x129xf32, #tpu.memory_space<vmem>>[vector<16xi32>, vector<16xi32>, vector<16xi32>], vector<16xf32>,
        %add3A_699 = arith.constant 1 : i32
        %add3A_700 = arith.addi %add3A_674, %add3A_699 : i32
        scf.yield %add3A_700 : i32
      }
      %scan3A_364 = arith.constant 128 : i32
      %scan3A_365 = arith.constant 1 : i32
      %scan3A_366 = arith.constant 0 : i32
      %scan3A_367 = arith.constant 0 : i32
      %scan3A_368 = arith.constant 128 : i32
      %scan3A_369 = arith.addi %scan3A_367, %scan3A_368 : i32
      %scan3A_370 = arith.constant 8 : i32
      %scan3A_371 = scf.for %scan3A_495 = %scan3A_367 to %scan3A_369 step %scan3A_370 iter_args(%scan3A_496 = %scan3A_366) -> (i32)  : i32 {
        %add3A_497 = arith.constant 128 : i32
        %add3A_498 = arith.addi %add3A_497, %scan3A_496 : i32
        %add3A_499 = vector.broadcast %scan3A_496 : i32 to vector<16xi32>
        %add3A_500 = arith.addi %mul3A_95, %add3A_499 : vector<16xi32>
        %get3A = arith.index_cast %and3A_334 : i32 to index
        %get3A_501 = arith.index_cast %add3A_498 : i32 to index
        %get3A_502 = arith.constant 0 : index
        %get3A_503 = tpu.vector_load %arg6[%get3A, %get3A_501, %get3A_502] {strides = array<i32>} : memref<2x512x32xf32, #tpu.memory_space<vmem>>, vector<16xf32>,
        %get3A_504 = arith.index_cast %and3A_334 : i32 to index
        %get3A_505 = arith.index_cast %add3A_498 : i32 to index
        %get3A_506 = arith.constant 16 : index
        %get3A_507 = tpu.vector_load %arg6[%get3A_504, %get3A_505, %get3A_506] {strides = array<i32>} : memref<2x512x32xf32, #tpu.memory_space<vmem>>, vector<16xf32>,
        %scatter3A = arith.constant 0 : i32
        %scatter3A_508 = arith.constant 0 : i32
        %scatter3A_509 = arith.constant 0 : i32
        %scatter3A_510 = tpu.memref_slice %arg7[%and3A_334, %scan3A_365, %scatter3A, %scatter3A_508, %scatter3A_509] : memref<2x4x4x8x129xf32, #tpu.memory_space<vmem>> -> memref<1x1x4x8x129xf32, #tpu.memory_space<vmem>>
        %scatter3A_511 = tpu.memref_squeeze %scatter3A_510 : memref<1x1x4x8x129xf32, #tpu.memory_space<vmem>> -> memref<4x8x129xf32, #tpu.memory_space<vmem>>
        tpu.vector_store_idx %scatter3A_511[%select_n3A_67, %select_n3A_92, %add3A_500], %get3A_503 : memref<4x8x129xf32, #tpu.memory_space<vmem>>[vector<16xi32>, vector<16xi32>, vector<16xi32>], vector<16xf32>,
        %scatter3A_512 = arith.constant 0 : i32
        %scatter3A_513 = arith.constant 0 : i32
        %scatter3A_514 = arith.constant 0 : i32
        %scatter3A_515 = tpu.memref_slice %arg7[%and3A_334, %scan3A_365, %scatter3A_512, %scatter3A_513, %scatter3A_514] : memref<2x4x4x8x129xf32, #tpu.memory_space<vmem>> -> memref<1x1x4x8x129xf32, #tpu.memory_space<vmem>>
        %scatter3A_516 = tpu.memref_squeeze %scatter3A_515 : memref<1x1x4x8x129xf32, #tpu.memory_space<vmem>> -> memref<4x8x129xf32, #tpu.memory_space<vmem>>
        tpu.vector_store_idx %scatter3A_516[%add3A_70, %select_n3A_92, %add3A_500], %get3A_507 : memref<4x8x129xf32, #tpu.memory_space<vmem>>[vector<16xi32>, vector<16xi32>, vector<16xi32>], vector<16xf32>,
        %add3A_517 = arith.constant 1 : i32
        %add3A_518 = arith.addi %scan3A_496, %add3A_517 : i32
        %scan3A_519 = arith.constant 1 : i32
        %scan3A_520 = arith.addi %scan3A_495, %scan3A_519 : i32
        %add3A_521 = arith.constant 128 : i32
        %add3A_522 = arith.addi %add3A_521, %add3A_518 : i32
        %add3A_523 = vector.broadcast %add3A_518 : i32 to vector<16xi32>
        %add3A_524 = arith.addi %mul3A_95, %add3A_523 : vector<16xi32>
        %get3A_525 = arith.index_cast %and3A_334 : i32 to index
        %get3A_526 = arith.index_cast %add3A_522 : i32 to index
        %get3A_527 = arith.constant 0 : index
        %get3A_528 = tpu.vector_load %arg6[%get3A_525, %get3A_526, %get3A_527] {strides = array<i32>} : memref<2x512x32xf32, #tpu.memory_space<vmem>>, vector<16xf32>,
        %get3A_529 = arith.index_cast %and3A_334 : i32 to index
        %get3A_530 = arith.index_cast %add3A_522 : i32 to index
        %get3A_531 = arith.constant 16 : index
        %get3A_532 = tpu.vector_load %arg6[%get3A_529, %get3A_530, %get3A_531] {strides = array<i32>} : memref<2x512x32xf32, #tpu.memory_space<vmem>>, vector<16xf32>,
        %scatter3A_533 = arith.constant 0 : i32
        %scatter3A_534 = arith.constant 0 : i32
        %scatter3A_535 = arith.constant 0 : i32
        %scatter3A_536 = tpu.memref_slice %arg7[%and3A_334, %scan3A_365, %scatter3A_533, %scatter3A_534, %scatter3A_535] : memref<2x4x4x8x129xf32, #tpu.memory_space<vmem>> -> memref<1x1x4x8x129xf32, #tpu.memory_space<vmem>>
        %scatter3A_537 = tpu.memref_squeeze %scatter3A_536 : memref<1x1x4x8x129xf32, #tpu.memory_space<vmem>> -> memref<4x8x129xf32, #tpu.memory_space<vmem>>
        tpu.vector_store_idx %scatter3A_537[%select_n3A_67, %select_n3A_92, %add3A_524], %get3A_528 : memref<4x8x129xf32, #tpu.memory_space<vmem>>[vector<16xi32>, vector<16xi32>, vector<16xi32>], vector<16xf32>,
        %scatter3A_538 = arith.constant 0 : i32
        %scatter3A_539 = arith.constant 0 : i32
        %scatter3A_540 = arith.constant 0 : i32
        %scatter3A_541 = tpu.memref_slice %arg7[%and3A_334, %scan3A_365, %scatter3A_538, %scatter3A_539, %scatter3A_540] : memref<2x4x4x8x129xf32, #tpu.memory_space<vmem>> -> memref<1x1x4x8x129xf32, #tpu.memory_space<vmem>>
        %scatter3A_542 = tpu.memref_squeeze %scatter3A_541 : memref<1x1x4x8x129xf32, #tpu.memory_space<vmem>> -> memref<4x8x129xf32, #tpu.memory_space<vmem>>
        tpu.vector_store_idx %scatter3A_542[%add3A_70, %select_n3A_92, %add3A_524], %get3A_532 : memref<4x8x129xf32, #tpu.memory_space<vmem>>[vector<16xi32>, vector<16xi32>, vector<16xi32>], vector<16xf32>,
        %add3A_543 = arith.constant 1 : i32
        %add3A_544 = arith.addi %add3A_518, %add3A_543 : i32
        %scan3A_545 = arith.constant 2 : i32
        %scan3A_546 = arith.addi %scan3A_495, %scan3A_545 : i32
        %add3A_547 = arith.constant 128 : i32
        %add3A_548 = arith.addi %add3A_547, %add3A_544 : i32
        %add3A_549 = vector.broadcast %add3A_544 : i32 to vector<16xi32>
        %add3A_550 = arith.addi %mul3A_95, %add3A_549 : vector<16xi32>
        %get3A_551 = arith.index_cast %and3A_334 : i32 to index
        %get3A_552 = arith.index_cast %add3A_548 : i32 to index
        %get3A_553 = arith.constant 0 : index
        %get3A_554 = tpu.vector_load %arg6[%get3A_551, %get3A_552, %get3A_553] {strides = array<i32>} : memref<2x512x32xf32, #tpu.memory_space<vmem>>, vector<16xf32>,
        %get3A_555 = arith.index_cast %and3A_334 : i32 to index
        %get3A_556 = arith.index_cast %add3A_548 : i32 to index
        %get3A_557 = arith.constant 16 : index
        %get3A_558 = tpu.vector_load %arg6[%get3A_555, %get3A_556, %get3A_557] {strides = array<i32>} : memref<2x512x32xf32, #tpu.memory_space<vmem>>, vector<16xf32>,
        %scatter3A_559 = arith.constant 0 : i32
        %scatter3A_560 = arith.constant 0 : i32
        %scatter3A_561 = arith.constant 0 : i32
        %scatter3A_562 = tpu.memref_slice %arg7[%and3A_334, %scan3A_365, %scatter3A_559, %scatter3A_560, %scatter3A_561] : memref<2x4x4x8x129xf32, #tpu.memory_space<vmem>> -> memref<1x1x4x8x129xf32, #tpu.memory_space<vmem>>
        %scatter3A_563 = tpu.memref_squeeze %scatter3A_562 : memref<1x1x4x8x129xf32, #tpu.memory_space<vmem>> -> memref<4x8x129xf32, #tpu.memory_space<vmem>>
        tpu.vector_store_idx %scatter3A_563[%select_n3A_67, %select_n3A_92, %add3A_550], %get3A_554 : memref<4x8x129xf32, #tpu.memory_space<vmem>>[vector<16xi32>, vector<16xi32>, vector<16xi32>], vector<16xf32>,
        %scatter3A_564 = arith.constant 0 : i32
        %scatter3A_565 = arith.constant 0 : i32
        %scatter3A_566 = arith.constant 0 : i32
        %scatter3A_567 = tpu.memref_slice %arg7[%and3A_334, %scan3A_365, %scatter3A_564, %scatter3A_565, %scatter3A_566] : memref<2x4x4x8x129xf32, #tpu.memory_space<vmem>> -> memref<1x1x4x8x129xf32, #tpu.memory_space<vmem>>
        %scatter3A_568 = tpu.memref_squeeze %scatter3A_567 : memref<1x1x4x8x129xf32, #tpu.memory_space<vmem>> -> memref<4x8x129xf32, #tpu.memory_space<vmem>>
        tpu.vector_store_idx %scatter3A_568[%add3A_70, %select_n3A_92, %add3A_550], %get3A_558 : memref<4x8x129xf32, #tpu.memory_space<vmem>>[vector<16xi32>, vector<16xi32>, vector<16xi32>], vector<16xf32>,
        %add3A_569 = arith.constant 1 : i32
        %add3A_570 = arith.addi %add3A_544, %add3A_569 : i32
        %scan3A_571 = arith.constant 3 : i32
        %scan3A_572 = arith.addi %scan3A_495, %scan3A_571 : i32
        %add3A_573 = arith.constant 128 : i32
        %add3A_574 = arith.addi %add3A_573, %add3A_570 : i32
        %add3A_575 = vector.broadcast %add3A_570 : i32 to vector<16xi32>
        %add3A_576 = arith.addi %mul3A_95, %add3A_575 : vector<16xi32>
        %get3A_577 = arith.index_cast %and3A_334 : i32 to index
        %get3A_578 = arith.index_cast %add3A_574 : i32 to index
        %get3A_579 = arith.constant 0 : index
        %get3A_580 = tpu.vector_load %arg6[%get3A_577, %get3A_578, %get3A_579] {strides = array<i32>} : memref<2x512x32xf32, #tpu.memory_space<vmem>>, vector<16xf32>,
        %get3A_581 = arith.index_cast %and3A_334 : i32 to index
        %get3A_582 = arith.index_cast %add3A_574 : i32 to index
        %get3A_583 = arith.constant 16 : index
        %get3A_584 = tpu.vector_load %arg6[%get3A_581, %get3A_582, %get3A_583] {strides = array<i32>} : memref<2x512x32xf32, #tpu.memory_space<vmem>>, vector<16xf32>,
        %scatter3A_585 = arith.constant 0 : i32
        %scatter3A_586 = arith.constant 0 : i32
        %scatter3A_587 = arith.constant 0 : i32
        %scatter3A_588 = tpu.memref_slice %arg7[%and3A_334, %scan3A_365, %scatter3A_585, %scatter3A_586, %scatter3A_587] : memref<2x4x4x8x129xf32, #tpu.memory_space<vmem>> -> memref<1x1x4x8x129xf32, #tpu.memory_space<vmem>>
        %scatter3A_589 = tpu.memref_squeeze %scatter3A_588 : memref<1x1x4x8x129xf32, #tpu.memory_space<vmem>> -> memref<4x8x129xf32, #tpu.memory_space<vmem>>
        tpu.vector_store_idx %scatter3A_589[%select_n3A_67, %select_n3A_92, %add3A_576], %get3A_580 : memref<4x8x129xf32, #tpu.memory_space<vmem>>[vector<16xi32>, vector<16xi32>, vector<16xi32>], vector<16xf32>,
        %scatter3A_590 = arith.constant 0 : i32
        %scatter3A_591 = arith.constant 0 : i32
        %scatter3A_592 = arith.constant 0 : i32
        %scatter3A_593 = tpu.memref_slice %arg7[%and3A_334, %scan3A_365, %scatter3A_590, %scatter3A_591, %scatter3A_592] : memref<2x4x4x8x129xf32, #tpu.memory_space<vmem>> -> memref<1x1x4x8x129xf32, #tpu.memory_space<vmem>>
        %scatter3A_594 = tpu.memref_squeeze %scatter3A_593 : memref<1x1x4x8x129xf32, #tpu.memory_space<vmem>> -> memref<4x8x129xf32, #tpu.memory_space<vmem>>
        tpu.vector_store_idx %scatter3A_594[%add3A_70, %select_n3A_92, %add3A_576], %get3A_584 : memref<4x8x129xf32, #tpu.memory_space<vmem>>[vector<16xi32>, vector<16xi32>, vector<16xi32>], vector<16xf32>,
        %add3A_595 = arith.constant 1 : i32
        %add3A_596 = arith.addi %add3A_570, %add3A_595 : i32
        %scan3A_597 = arith.constant 4 : i32
        %scan3A_598 = arith.addi %scan3A_495, %scan3A_597 : i32
        %add3A_599 = arith.constant 128 : i32
        %add3A_600 = arith.addi %add3A_599, %add3A_596 : i32
        %add3A_601 = vector.broadcast %add3A_596 : i32 to vector<16xi32>
        %add3A_602 = arith.addi %mul3A_95, %add3A_601 : vector<16xi32>
        %get3A_603 = arith.index_cast %and3A_334 : i32 to index
        %get3A_604 = arith.index_cast %add3A_600 : i32 to index
        %get3A_605 = arith.constant 0 : index
        %get3A_606 = tpu.vector_load %arg6[%get3A_603, %get3A_604, %get3A_605] {strides = array<i32>} : memref<2x512x32xf32, #tpu.memory_space<vmem>>, vector<16xf32>,
        %get3A_607 = arith.index_cast %and3A_334 : i32 to index
        %get3A_608 = arith.index_cast %add3A_600 : i32 to index
        %get3A_609 = arith.constant 16 : index
        %get3A_610 = tpu.vector_load %arg6[%get3A_607, %get3A_608, %get3A_609] {strides = array<i32>} : memref<2x512x32xf32, #tpu.memory_space<vmem>>, vector<16xf32>,
        %scatter3A_611 = arith.constant 0 : i32
        %scatter3A_612 = arith.constant 0 : i32
        %scatter3A_613 = arith.constant 0 : i32
        %scatter3A_614 = tpu.memref_slice %arg7[%and3A_334, %scan3A_365, %scatter3A_611, %scatter3A_612, %scatter3A_613] : memref<2x4x4x8x129xf32, #tpu.memory_space<vmem>> -> memref<1x1x4x8x129xf32, #tpu.memory_space<vmem>>
        %scatter3A_615 = tpu.memref_squeeze %scatter3A_614 : memref<1x1x4x8x129xf32, #tpu.memory_space<vmem>> -> memref<4x8x129xf32, #tpu.memory_space<vmem>>
        tpu.vector_store_idx %scatter3A_615[%select_n3A_67, %select_n3A_92, %add3A_602], %get3A_606 : memref<4x8x129xf32, #tpu.memory_space<vmem>>[vector<16xi32>, vector<16xi32>, vector<16xi32>], vector<16xf32>,
        %scatter3A_616 = arith.constant 0 : i32
        %scatter3A_617 = arith.constant 0 : i32
        %scatter3A_618 = arith.constant 0 : i32
        %scatter3A_619 = tpu.memref_slice %arg7[%and3A_334, %scan3A_365, %scatter3A_616, %scatter3A_617, %scatter3A_618] : memref<2x4x4x8x129xf32, #tpu.memory_space<vmem>> -> memref<1x1x4x8x129xf32, #tpu.memory_space<vmem>>
        %scatter3A_620 = tpu.memref_squeeze %scatter3A_619 : memref<1x1x4x8x129xf32, #tpu.memory_space<vmem>> -> memref<4x8x129xf32, #tpu.memory_space<vmem>>
        tpu.vector_store_idx %scatter3A_620[%add3A_70, %select_n3A_92, %add3A_602], %get3A_610 : memref<4x8x129xf32, #tpu.memory_space<vmem>>[vector<16xi32>, vector<16xi32>, vector<16xi32>], vector<16xf32>,
        %add3A_621 = arith.constant 1 : i32
        %add3A_622 = arith.addi %add3A_596, %add3A_621 : i32
        %scan3A_623 = arith.constant 5 : i32
        %scan3A_624 = arith.addi %scan3A_495, %scan3A_623 : i32
        %add3A_625 = arith.constant 128 : i32
        %add3A_626 = arith.addi %add3A_625, %add3A_622 : i32
        %add3A_627 = vector.broadcast %add3A_622 : i32 to vector<16xi32>
        %add3A_628 = arith.addi %mul3A_95, %add3A_627 : vector<16xi32>
        %get3A_629 = arith.index_cast %and3A_334 : i32 to index
        %get3A_630 = arith.index_cast %add3A_626 : i32 to index
        %get3A_631 = arith.constant 0 : index
        %get3A_632 = tpu.vector_load %arg6[%get3A_629, %get3A_630, %get3A_631] {strides = array<i32>} : memref<2x512x32xf32, #tpu.memory_space<vmem>>, vector<16xf32>,
        %get3A_633 = arith.index_cast %and3A_334 : i32 to index
        %get3A_634 = arith.index_cast %add3A_626 : i32 to index
        %get3A_635 = arith.constant 16 : index
        %get3A_636 = tpu.vector_load %arg6[%get3A_633, %get3A_634, %get3A_635] {strides = array<i32>} : memref<2x512x32xf32, #tpu.memory_space<vmem>>, vector<16xf32>,
        %scatter3A_637 = arith.constant 0 : i32
        %scatter3A_638 = arith.constant 0 : i32
        %scatter3A_639 = arith.constant 0 : i32
        %scatter3A_640 = tpu.memref_slice %arg7[%and3A_334, %scan3A_365, %scatter3A_637, %scatter3A_638, %scatter3A_639] : memref<2x4x4x8x129xf32, #tpu.memory_space<vmem>> -> memref<1x1x4x8x129xf32, #tpu.memory_space<vmem>>
        %scatter3A_641 = tpu.memref_squeeze %scatter3A_640 : memref<1x1x4x8x129xf32, #tpu.memory_space<vmem>> -> memref<4x8x129xf32, #tpu.memory_space<vmem>>
        tpu.vector_store_idx %scatter3A_641[%select_n3A_67, %select_n3A_92, %add3A_628], %get3A_632 : memref<4x8x129xf32, #tpu.memory_space<vmem>>[vector<16xi32>, vector<16xi32>, vector<16xi32>], vector<16xf32>,
        %scatter3A_642 = arith.constant 0 : i32
        %scatter3A_643 = arith.constant 0 : i32
        %scatter3A_644 = arith.constant 0 : i32
        %scatter3A_645 = tpu.memref_slice %arg7[%and3A_334, %scan3A_365, %scatter3A_642, %scatter3A_643, %scatter3A_644] : memref<2x4x4x8x129xf32, #tpu.memory_space<vmem>> -> memref<1x1x4x8x129xf32, #tpu.memory_space<vmem>>
        %scatter3A_646 = tpu.memref_squeeze %scatter3A_645 : memref<1x1x4x8x129xf32, #tpu.memory_space<vmem>> -> memref<4x8x129xf32, #tpu.memory_space<vmem>>
        tpu.vector_store_idx %scatter3A_646[%add3A_70, %select_n3A_92, %add3A_628], %get3A_636 : memref<4x8x129xf32, #tpu.memory_space<vmem>>[vector<16xi32>, vector<16xi32>, vector<16xi32>], vector<16xf32>,
        %add3A_647 = arith.constant 1 : i32
        %add3A_648 = arith.addi %add3A_622, %add3A_647 : i32
        %scan3A_649 = arith.constant 6 : i32
        %scan3A_650 = arith.addi %scan3A_495, %scan3A_649 : i32
        %add3A_651 = arith.constant 128 : i32
        %add3A_652 = arith.addi %add3A_651, %add3A_648 : i32
        %add3A_653 = vector.broadcast %add3A_648 : i32 to vector<16xi32>
        %add3A_654 = arith.addi %mul3A_95, %add3A_653 : vector<16xi32>
        %get3A_655 = arith.index_cast %and3A_334 : i32 to index
        %get3A_656 = arith.index_cast %add3A_652 : i32 to index
        %get3A_657 = arith.constant 0 : index
        %get3A_658 = tpu.vector_load %arg6[%get3A_655, %get3A_656, %get3A_657] {strides = array<i32>} : memref<2x512x32xf32, #tpu.memory_space<vmem>>, vector<16xf32>,
        %get3A_659 = arith.index_cast %and3A_334 : i32 to index
        %get3A_660 = arith.index_cast %add3A_652 : i32 to index
        %get3A_661 = arith.constant 16 : index
        %get3A_662 = tpu.vector_load %arg6[%get3A_659, %get3A_660, %get3A_661] {strides = array<i32>} : memref<2x512x32xf32, #tpu.memory_space<vmem>>, vector<16xf32>,
        %scatter3A_663 = arith.constant 0 : i32
        %scatter3A_664 = arith.constant 0 : i32
        %scatter3A_665 = arith.constant 0 : i32
        %scatter3A_666 = tpu.memref_slice %arg7[%and3A_334, %scan3A_365, %scatter3A_663, %scatter3A_664, %scatter3A_665] : memref<2x4x4x8x129xf32, #tpu.memory_space<vmem>> -> memref<1x1x4x8x129xf32, #tpu.memory_space<vmem>>
        %scatter3A_667 = tpu.memref_squeeze %scatter3A_666 : memref<1x1x4x8x129xf32, #tpu.memory_space<vmem>> -> memref<4x8x129xf32, #tpu.memory_space<vmem>>
        tpu.vector_store_idx %scatter3A_667[%select_n3A_67, %select_n3A_92, %add3A_654], %get3A_658 : memref<4x8x129xf32, #tpu.memory_space<vmem>>[vector<16xi32>, vector<16xi32>, vector<16xi32>], vector<16xf32>,
        %scatter3A_668 = arith.constant 0 : i32
        %scatter3A_669 = arith.constant 0 : i32
        %scatter3A_670 = arith.constant 0 : i32
        %scatter3A_671 = tpu.memref_slice %arg7[%and3A_334, %scan3A_365, %scatter3A_668, %scatter3A_669, %scatter3A_670] : memref<2x4x4x8x129xf32, #tpu.memory_space<vmem>> -> memref<1x1x4x8x129xf32, #tpu.memory_space<vmem>>
        %scatter3A_672 = tpu.memref_squeeze %scatter3A_671 : memref<1x1x4x8x129xf32, #tpu.memory_space<vmem>> -> memref<4x8x129xf32, #tpu.memory_space<vmem>>
        tpu.vector_store_idx %scatter3A_672[%add3A_70, %select_n3A_92, %add3A_654], %get3A_662 : memref<4x8x129xf32, #tpu.memory_space<vmem>>[vector<16xi32>, vector<16xi32>, vector<16xi32>], vector<16xf32>,
        %add3A_673 = arith.constant 1 : i32
        %add3A_674 = arith.addi %add3A_648, %add3A_673 : i32
        %scan3A_675 = arith.constant 7 : i32
        %scan3A_676 = arith.addi %scan3A_495, %scan3A_675 : i32
        %add3A_677 = arith.constant 128 : i32
        %add3A_678 = arith.addi %add3A_677, %add3A_674 : i32
        %add3A_679 = vector.broadcast %add3A_674 : i32 to vector<16xi32>
        %add3A_680 = arith.addi %mul3A_95, %add3A_679 : vector<16xi32>
        %get3A_681 = arith.index_cast %and3A_334 : i32 to index
        %get3A_682 = arith.index_cast %add3A_678 : i32 to index
        %get3A_683 = arith.constant 0 : index
        %get3A_684 = tpu.vector_load %arg6[%get3A_681, %get3A_682, %get3A_683] {strides = array<i32>} : memref<2x512x32xf32, #tpu.memory_space<vmem>>, vector<16xf32>,
        %get3A_685 = arith.index_cast %and3A_334 : i32 to index
        %get3A_686 = arith.index_cast %add3A_678 : i32 to index
        %get3A_687 = arith.constant 16 : index
        %get3A_688 = tpu.vector_load %arg6[%get3A_685, %get3A_686, %get3A_687] {strides = array<i32>} : memref<2x512x32xf32, #tpu.memory_space<vmem>>, vector<16xf32>,
        %scatter3A_689 = arith.constant 0 : i32
        %scatter3A_690 = arith.constant 0 : i32
        %scatter3A_691 = arith.constant 0 : i32
        %scatter3A_692 = tpu.memref_slice %arg7[%and3A_334, %scan3A_365, %scatter3A_689, %scatter3A_690, %scatter3A_691] : memref<2x4x4x8x129xf32, #tpu.memory_space<vmem>> -> memref<1x1x4x8x129xf32, #tpu.memory_space<vmem>>
        %scatter3A_693 = tpu.memref_squeeze %scatter3A_692 : memref<1x1x4x8x129xf32, #tpu.memory_space<vmem>> -> memref<4x8x129xf32, #tpu.memory_space<vmem>>
        tpu.vector_store_idx %scatter3A_693[%select_n3A_67, %select_n3A_92, %add3A_680], %get3A_684 : memref<4x8x129xf32, #tpu.memory_space<vmem>>[vector<16xi32>, vector<16xi32>, vector<16xi32>], vector<16xf32>,
        %scatter3A_694 = arith.constant 0 : i32
        %scatter3A_695 = arith.constant 0 : i32
        %scatter3A_696 = arith.constant 0 : i32
        %scatter3A_697 = tpu.memref_slice %arg7[%and3A_334, %scan3A_365, %scatter3A_694, %scatter3A_695, %scatter3A_696] : memref<2x4x4x8x129xf32, #tpu.memory_space<vmem>> -> memref<1x1x4x8x129xf32, #tpu.memory_space<vmem>>
        %scatter3A_698 = tpu.memref_squeeze %scatter3A_697 : memref<1x1x4x8x129xf32, #tpu.memory_space<vmem>> -> memref<4x8x129xf32, #tpu.memory_space<vmem>>
        tpu.vector_store_idx %scatter3A_698[%add3A_70, %select_n3A_92, %add3A_680], %get3A_688 : memref<4x8x129xf32, #tpu.memory_space<vmem>>[vector<16xi32>, vector<16xi32>, vector<16xi32>], vector<16xf32>,
        %add3A_699 = arith.constant 1 : i32
        %add3A_700 = arith.addi %add3A_674, %add3A_699 : i32
        scf.yield %add3A_700 : i32
      }
      %scan3A_372 = arith.constant 128 : i32
      %scan3A_373 = arith.constant 2 : i32
      %scan3A_374 = arith.constant 0 : i32
      %scan3A_375 = arith.constant 0 : i32
      %scan3A_376 = arith.constant 128 : i32
      %scan3A_377 = arith.addi %scan3A_375, %scan3A_376 : i32
      %scan3A_378 = arith.constant 8 : i32
      %scan3A_379 = scf.for %scan3A_495 = %scan3A_375 to %scan3A_377 step %scan3A_378 iter_args(%scan3A_496 = %scan3A_374) -> (i32)  : i32 {
        %add3A_497 = arith.constant 256 : i32
        %add3A_498 = arith.addi %add3A_497, %scan3A_496 : i32
        %add3A_499 = vector.broadcast %scan3A_496 : i32 to vector<16xi32>
        %add3A_500 = arith.addi %mul3A_95, %add3A_499 : vector<16xi32>
        %get3A = arith.index_cast %and3A_334 : i32 to index
        %get3A_501 = arith.index_cast %add3A_498 : i32 to index
        %get3A_502 = arith.constant 0 : index
        %get3A_503 = tpu.vector_load %arg6[%get3A, %get3A_501, %get3A_502] {strides = array<i32>} : memref<2x512x32xf32, #tpu.memory_space<vmem>>, vector<16xf32>,
        %get3A_504 = arith.index_cast %and3A_334 : i32 to index
        %get3A_505 = arith.index_cast %add3A_498 : i32 to index
        %get3A_506 = arith.constant 16 : index
        %get3A_507 = tpu.vector_load %arg6[%get3A_504, %get3A_505, %get3A_506] {strides = array<i32>} : memref<2x512x32xf32, #tpu.memory_space<vmem>>, vector<16xf32>,
        %scatter3A = arith.constant 0 : i32
        %scatter3A_508 = arith.constant 0 : i32
        %scatter3A_509 = arith.constant 0 : i32
        %scatter3A_510 = tpu.memref_slice %arg7[%and3A_334, %scan3A_373, %scatter3A, %scatter3A_508, %scatter3A_509] : memref<2x4x4x8x129xf32, #tpu.memory_space<vmem>> -> memref<1x1x4x8x129xf32, #tpu.memory_space<vmem>>
        %scatter3A_511 = tpu.memref_squeeze %scatter3A_510 : memref<1x1x4x8x129xf32, #tpu.memory_space<vmem>> -> memref<4x8x129xf32, #tpu.memory_space<vmem>>
        tpu.vector_store_idx %scatter3A_511[%select_n3A_67, %select_n3A_92, %add3A_500], %get3A_503 : memref<4x8x129xf32, #tpu.memory_space<vmem>>[vector<16xi32>, vector<16xi32>, vector<16xi32>], vector<16xf32>,
        %scatter3A_512 = arith.constant 0 : i32
        %scatter3A_513 = arith.constant 0 : i32
        %scatter3A_514 = arith.constant 0 : i32
        %scatter3A_515 = tpu.memref_slice %arg7[%and3A_334, %scan3A_373, %scatter3A_512, %scatter3A_513, %scatter3A_514] : memref<2x4x4x8x129xf32, #tpu.memory_space<vmem>> -> memref<1x1x4x8x129xf32, #tpu.memory_space<vmem>>
        %scatter3A_516 = tpu.memref_squeeze %scatter3A_515 : memref<1x1x4x8x129xf32, #tpu.memory_space<vmem>> -> memref<4x8x129xf32, #tpu.memory_space<vmem>>
        tpu.vector_store_idx %scatter3A_516[%add3A_70, %select_n3A_92, %add3A_500], %get3A_507 : memref<4x8x129xf32, #tpu.memory_space<vmem>>[vector<16xi32>, vector<16xi32>, vector<16xi32>], vector<16xf32>,
        %add3A_517 = arith.constant 1 : i32
        %add3A_518 = arith.addi %scan3A_496, %add3A_517 : i32
        %scan3A_519 = arith.constant 1 : i32
        %scan3A_520 = arith.addi %scan3A_495, %scan3A_519 : i32
        %add3A_521 = arith.constant 256 : i32
        %add3A_522 = arith.addi %add3A_521, %add3A_518 : i32
        %add3A_523 = vector.broadcast %add3A_518 : i32 to vector<16xi32>
        %add3A_524 = arith.addi %mul3A_95, %add3A_523 : vector<16xi32>
        %get3A_525 = arith.index_cast %and3A_334 : i32 to index
        %get3A_526 = arith.index_cast %add3A_522 : i32 to index
        %get3A_527 = arith.constant 0 : index
        %get3A_528 = tpu.vector_load %arg6[%get3A_525, %get3A_526, %get3A_527] {strides = array<i32>} : memref<2x512x32xf32, #tpu.memory_space<vmem>>, vector<16xf32>,
        %get3A_529 = arith.index_cast %and3A_334 : i32 to index
        %get3A_530 = arith.index_cast %add3A_522 : i32 to index
        %get3A_531 = arith.constant 16 : index
        %get3A_532 = tpu.vector_load %arg6[%get3A_529, %get3A_530, %get3A_531] {strides = array<i32>} : memref<2x512x32xf32, #tpu.memory_space<vmem>>, vector<16xf32>,
        %scatter3A_533 = arith.constant 0 : i32
        %scatter3A_534 = arith.constant 0 : i32
        %scatter3A_535 = arith.constant 0 : i32
        %scatter3A_536 = tpu.memref_slice %arg7[%and3A_334, %scan3A_373, %scatter3A_533, %scatter3A_534, %scatter3A_535] : memref<2x4x4x8x129xf32, #tpu.memory_space<vmem>> -> memref<1x1x4x8x129xf32, #tpu.memory_space<vmem>>
        %scatter3A_537 = tpu.memref_squeeze %scatter3A_536 : memref<1x1x4x8x129xf32, #tpu.memory_space<vmem>> -> memref<4x8x129xf32, #tpu.memory_space<vmem>>
        tpu.vector_store_idx %scatter3A_537[%select_n3A_67, %select_n3A_92, %add3A_524], %get3A_528 : memref<4x8x129xf32, #tpu.memory_space<vmem>>[vector<16xi32>, vector<16xi32>, vector<16xi32>], vector<16xf32>,
        %scatter3A_538 = arith.constant 0 : i32
        %scatter3A_539 = arith.constant 0 : i32
        %scatter3A_540 = arith.constant 0 : i32
        %scatter3A_541 = tpu.memref_slice %arg7[%and3A_334, %scan3A_373, %scatter3A_538, %scatter3A_539, %scatter3A_540] : memref<2x4x4x8x129xf32, #tpu.memory_space<vmem>> -> memref<1x1x4x8x129xf32, #tpu.memory_space<vmem>>
        %scatter3A_542 = tpu.memref_squeeze %scatter3A_541 : memref<1x1x4x8x129xf32, #tpu.memory_space<vmem>> -> memref<4x8x129xf32, #tpu.memory_space<vmem>>
        tpu.vector_store_idx %scatter3A_542[%add3A_70, %select_n3A_92, %add3A_524], %get3A_532 : memref<4x8x129xf32, #tpu.memory_space<vmem>>[vector<16xi32>, vector<16xi32>, vector<16xi32>], vector<16xf32>,
        %add3A_543 = arith.constant 1 : i32
        %add3A_544 = arith.addi %add3A_518, %add3A_543 : i32
        %scan3A_545 = arith.constant 2 : i32
        %scan3A_546 = arith.addi %scan3A_495, %scan3A_545 : i32
        %add3A_547 = arith.constant 256 : i32
        %add3A_548 = arith.addi %add3A_547, %add3A_544 : i32
        %add3A_549 = vector.broadcast %add3A_544 : i32 to vector<16xi32>
        %add3A_550 = arith.addi %mul3A_95, %add3A_549 : vector<16xi32>
        %get3A_551 = arith.index_cast %and3A_334 : i32 to index
        %get3A_552 = arith.index_cast %add3A_548 : i32 to index
        %get3A_553 = arith.constant 0 : index
        %get3A_554 = tpu.vector_load %arg6[%get3A_551, %get3A_552, %get3A_553] {strides = array<i32>} : memref<2x512x32xf32, #tpu.memory_space<vmem>>, vector<16xf32>,
        %get3A_555 = arith.index_cast %and3A_334 : i32 to index
        %get3A_556 = arith.index_cast %add3A_548 : i32 to index
        %get3A_557 = arith.constant 16 : index
        %get3A_558 = tpu.vector_load %arg6[%get3A_555, %get3A_556, %get3A_557] {strides = array<i32>} : memref<2x512x32xf32, #tpu.memory_space<vmem>>, vector<16xf32>,
        %scatter3A_559 = arith.constant 0 : i32
        %scatter3A_560 = arith.constant 0 : i32
        %scatter3A_561 = arith.constant 0 : i32
        %scatter3A_562 = tpu.memref_slice %arg7[%and3A_334, %scan3A_373, %scatter3A_559, %scatter3A_560, %scatter3A_561] : memref<2x4x4x8x129xf32, #tpu.memory_space<vmem>> -> memref<1x1x4x8x129xf32, #tpu.memory_space<vmem>>
        %scatter3A_563 = tpu.memref_squeeze %scatter3A_562 : memref<1x1x4x8x129xf32, #tpu.memory_space<vmem>> -> memref<4x8x129xf32, #tpu.memory_space<vmem>>
        tpu.vector_store_idx %scatter3A_563[%select_n3A_67, %select_n3A_92, %add3A_550], %get3A_554 : memref<4x8x129xf32, #tpu.memory_space<vmem>>[vector<16xi32>, vector<16xi32>, vector<16xi32>], vector<16xf32>,
        %scatter3A_564 = arith.constant 0 : i32
        %scatter3A_565 = arith.constant 0 : i32
        %scatter3A_566 = arith.constant 0 : i32
        %scatter3A_567 = tpu.memref_slice %arg7[%and3A_334, %scan3A_373, %scatter3A_564, %scatter3A_565, %scatter3A_566] : memref<2x4x4x8x129xf32, #tpu.memory_space<vmem>> -> memref<1x1x4x8x129xf32, #tpu.memory_space<vmem>>
        %scatter3A_568 = tpu.memref_squeeze %scatter3A_567 : memref<1x1x4x8x129xf32, #tpu.memory_space<vmem>> -> memref<4x8x129xf32, #tpu.memory_space<vmem>>
        tpu.vector_store_idx %scatter3A_568[%add3A_70, %select_n3A_92, %add3A_550], %get3A_558 : memref<4x8x129xf32, #tpu.memory_space<vmem>>[vector<16xi32>, vector<16xi32>, vector<16xi32>], vector<16xf32>,
        %add3A_569 = arith.constant 1 : i32
        %add3A_570 = arith.addi %add3A_544, %add3A_569 : i32
        %scan3A_571 = arith.constant 3 : i32
        %scan3A_572 = arith.addi %scan3A_495, %scan3A_571 : i32
        %add3A_573 = arith.constant 256 : i32
        %add3A_574 = arith.addi %add3A_573, %add3A_570 : i32
        %add3A_575 = vector.broadcast %add3A_570 : i32 to vector<16xi32>
        %add3A_576 = arith.addi %mul3A_95, %add3A_575 : vector<16xi32>
        %get3A_577 = arith.index_cast %and3A_334 : i32 to index
        %get3A_578 = arith.index_cast %add3A_574 : i32 to index
        %get3A_579 = arith.constant 0 : index
        %get3A_580 = tpu.vector_load %arg6[%get3A_577, %get3A_578, %get3A_579] {strides = array<i32>} : memref<2x512x32xf32, #tpu.memory_space<vmem>>, vector<16xf32>,
        %get3A_581 = arith.index_cast %and3A_334 : i32 to index
        %get3A_582 = arith.index_cast %add3A_574 : i32 to index
        %get3A_583 = arith.constant 16 : index
        %get3A_584 = tpu.vector_load %arg6[%get3A_581, %get3A_582, %get3A_583] {strides = array<i32>} : memref<2x512x32xf32, #tpu.memory_space<vmem>>, vector<16xf32>,
        %scatter3A_585 = arith.constant 0 : i32
        %scatter3A_586 = arith.constant 0 : i32
        %scatter3A_587 = arith.constant 0 : i32
        %scatter3A_588 = tpu.memref_slice %arg7[%and3A_334, %scan3A_373, %scatter3A_585, %scatter3A_586, %scatter3A_587] : memref<2x4x4x8x129xf32, #tpu.memory_space<vmem>> -> memref<1x1x4x8x129xf32, #tpu.memory_space<vmem>>
        %scatter3A_589 = tpu.memref_squeeze %scatter3A_588 : memref<1x1x4x8x129xf32, #tpu.memory_space<vmem>> -> memref<4x8x129xf32, #tpu.memory_space<vmem>>
        tpu.vector_store_idx %scatter3A_589[%select_n3A_67, %select_n3A_92, %add3A_576], %get3A_580 : memref<4x8x129xf32, #tpu.memory_space<vmem>>[vector<16xi32>, vector<16xi32>, vector<16xi32>], vector<16xf32>,
        %scatter3A_590 = arith.constant 0 : i32
        %scatter3A_591 = arith.constant 0 : i32
        %scatter3A_592 = arith.constant 0 : i32
        %scatter3A_593 = tpu.memref_slice %arg7[%and3A_334, %scan3A_373, %scatter3A_590, %scatter3A_591, %scatter3A_592] : memref<2x4x4x8x129xf32, #tpu.memory_space<vmem>> -> memref<1x1x4x8x129xf32, #tpu.memory_space<vmem>>
        %scatter3A_594 = tpu.memref_squeeze %scatter3A_593 : memref<1x1x4x8x129xf32, #tpu.memory_space<vmem>> -> memref<4x8x129xf32, #tpu.memory_space<vmem>>
        tpu.vector_store_idx %scatter3A_594[%add3A_70, %select_n3A_92, %add3A_576], %get3A_584 : memref<4x8x129xf32, #tpu.memory_space<vmem>>[vector<16xi32>, vector<16xi32>, vector<16xi32>], vector<16xf32>,
        %add3A_595 = arith.constant 1 : i32
        %add3A_596 = arith.addi %add3A_570, %add3A_595 : i32
        %scan3A_597 = arith.constant 4 : i32
        %scan3A_598 = arith.addi %scan3A_495, %scan3A_597 : i32
        %add3A_599 = arith.constant 256 : i32
        %add3A_600 = arith.addi %add3A_599, %add3A_596 : i32
        %add3A_601 = vector.broadcast %add3A_596 : i32 to vector<16xi32>
        %add3A_602 = arith.addi %mul3A_95, %add3A_601 : vector<16xi32>
        %get3A_603 = arith.index_cast %and3A_334 : i32 to index
        %get3A_604 = arith.index_cast %add3A_600 : i32 to index
        %get3A_605 = arith.constant 0 : index
        %get3A_606 = tpu.vector_load %arg6[%get3A_603, %get3A_604, %get3A_605] {strides = array<i32>} : memref<2x512x32xf32, #tpu.memory_space<vmem>>, vector<16xf32>,
        %get3A_607 = arith.index_cast %and3A_334 : i32 to index
        %get3A_608 = arith.index_cast %add3A_600 : i32 to index
        %get3A_609 = arith.constant 16 : index
        %get3A_610 = tpu.vector_load %arg6[%get3A_607, %get3A_608, %get3A_609] {strides = array<i32>} : memref<2x512x32xf32, #tpu.memory_space<vmem>>, vector<16xf32>,
        %scatter3A_611 = arith.constant 0 : i32
        %scatter3A_612 = arith.constant 0 : i32
        %scatter3A_613 = arith.constant 0 : i32
        %scatter3A_614 = tpu.memref_slice %arg7[%and3A_334, %scan3A_373, %scatter3A_611, %scatter3A_612, %scatter3A_613] : memref<2x4x4x8x129xf32, #tpu.memory_space<vmem>> -> memref<1x1x4x8x129xf32, #tpu.memory_space<vmem>>
        %scatter3A_615 = tpu.memref_squeeze %scatter3A_614 : memref<1x1x4x8x129xf32, #tpu.memory_space<vmem>> -> memref<4x8x129xf32, #tpu.memory_space<vmem>>
        tpu.vector_store_idx %scatter3A_615[%select_n3A_67, %select_n3A_92, %add3A_602], %get3A_606 : memref<4x8x129xf32, #tpu.memory_space<vmem>>[vector<16xi32>, vector<16xi32>, vector<16xi32>], vector<16xf32>,
        %scatter3A_616 = arith.constant 0 : i32
        %scatter3A_617 = arith.constant 0 : i32
        %scatter3A_618 = arith.constant 0 : i32
        %scatter3A_619 = tpu.memref_slice %arg7[%and3A_334, %scan3A_373, %scatter3A_616, %scatter3A_617, %scatter3A_618] : memref<2x4x4x8x129xf32, #tpu.memory_space<vmem>> -> memref<1x1x4x8x129xf32, #tpu.memory_space<vmem>>
        %scatter3A_620 = tpu.memref_squeeze %scatter3A_619 : memref<1x1x4x8x129xf32, #tpu.memory_space<vmem>> -> memref<4x8x129xf32, #tpu.memory_space<vmem>>
        tpu.vector_store_idx %scatter3A_620[%add3A_70, %select_n3A_92, %add3A_602], %get3A_610 : memref<4x8x129xf32, #tpu.memory_space<vmem>>[vector<16xi32>, vector<16xi32>, vector<16xi32>], vector<16xf32>,
        %add3A_621 = arith.constant 1 : i32
        %add3A_622 = arith.addi %add3A_596, %add3A_621 : i32
        %scan3A_623 = arith.constant 5 : i32
        %scan3A_624 = arith.addi %scan3A_495, %scan3A_623 : i32
        %add3A_625 = arith.constant 256 : i32
        %add3A_626 = arith.addi %add3A_625, %add3A_622 : i32
        %add3A_627 = vector.broadcast %add3A_622 : i32 to vector<16xi32>
        %add3A_628 = arith.addi %mul3A_95, %add3A_627 : vector<16xi32>
        %get3A_629 = arith.index_cast %and3A_334 : i32 to index
        %get3A_630 = arith.index_cast %add3A_626 : i32 to index
        %get3A_631 = arith.constant 0 : index
        %get3A_632 = tpu.vector_load %arg6[%get3A_629, %get3A_630, %get3A_631] {strides = array<i32>} : memref<2x512x32xf32, #tpu.memory_space<vmem>>, vector<16xf32>,
        %get3A_633 = arith.index_cast %and3A_334 : i32 to index
        %get3A_634 = arith.index_cast %add3A_626 : i32 to index
        %get3A_635 = arith.constant 16 : index
        %get3A_636 = tpu.vector_load %arg6[%get3A_633, %get3A_634, %get3A_635] {strides = array<i32>} : memref<2x512x32xf32, #tpu.memory_space<vmem>>, vector<16xf32>,
        %scatter3A_637 = arith.constant 0 : i32
        %scatter3A_638 = arith.constant 0 : i32
        %scatter3A_639 = arith.constant 0 : i32
        %scatter3A_640 = tpu.memref_slice %arg7[%and3A_334, %scan3A_373, %scatter3A_637, %scatter3A_638, %scatter3A_639] : memref<2x4x4x8x129xf32, #tpu.memory_space<vmem>> -> memref<1x1x4x8x129xf32, #tpu.memory_space<vmem>>
        %scatter3A_641 = tpu.memref_squeeze %scatter3A_640 : memref<1x1x4x8x129xf32, #tpu.memory_space<vmem>> -> memref<4x8x129xf32, #tpu.memory_space<vmem>>
        tpu.vector_store_idx %scatter3A_641[%select_n3A_67, %select_n3A_92, %add3A_628], %get3A_632 : memref<4x8x129xf32, #tpu.memory_space<vmem>>[vector<16xi32>, vector<16xi32>, vector<16xi32>], vector<16xf32>,
        %scatter3A_642 = arith.constant 0 : i32
        %scatter3A_643 = arith.constant 0 : i32
        %scatter3A_644 = arith.constant 0 : i32
        %scatter3A_645 = tpu.memref_slice %arg7[%and3A_334, %scan3A_373, %scatter3A_642, %scatter3A_643, %scatter3A_644] : memref<2x4x4x8x129xf32, #tpu.memory_space<vmem>> -> memref<1x1x4x8x129xf32, #tpu.memory_space<vmem>>
        %scatter3A_646 = tpu.memref_squeeze %scatter3A_645 : memref<1x1x4x8x129xf32, #tpu.memory_space<vmem>> -> memref<4x8x129xf32, #tpu.memory_space<vmem>>
        tpu.vector_store_idx %scatter3A_646[%add3A_70, %select_n3A_92, %add3A_628], %get3A_636 : memref<4x8x129xf32, #tpu.memory_space<vmem>>[vector<16xi32>, vector<16xi32>, vector<16xi32>], vector<16xf32>,
        %add3A_647 = arith.constant 1 : i32
        %add3A_648 = arith.addi %add3A_622, %add3A_647 : i32
        %scan3A_649 = arith.constant 6 : i32
        %scan3A_650 = arith.addi %scan3A_495, %scan3A_649 : i32
        %add3A_651 = arith.constant 256 : i32
        %add3A_652 = arith.addi %add3A_651, %add3A_648 : i32
        %add3A_653 = vector.broadcast %add3A_648 : i32 to vector<16xi32>
        %add3A_654 = arith.addi %mul3A_95, %add3A_653 : vector<16xi32>
        %get3A_655 = arith.index_cast %and3A_334 : i32 to index
        %get3A_656 = arith.index_cast %add3A_652 : i32 to index
        %get3A_657 = arith.constant 0 : index
        %get3A_658 = tpu.vector_load %arg6[%get3A_655, %get3A_656, %get3A_657] {strides = array<i32>} : memref<2x512x32xf32, #tpu.memory_space<vmem>>, vector<16xf32>,
        %get3A_659 = arith.index_cast %and3A_334 : i32 to index
        %get3A_660 = arith.index_cast %add3A_652 : i32 to index
        %get3A_661 = arith.constant 16 : index
        %get3A_662 = tpu.vector_load %arg6[%get3A_659, %get3A_660, %get3A_661] {strides = array<i32>} : memref<2x512x32xf32, #tpu.memory_space<vmem>>, vector<16xf32>,
        %scatter3A_663 = arith.constant 0 : i32
        %scatter3A_664 = arith.constant 0 : i32
        %scatter3A_665 = arith.constant 0 : i32
        %scatter3A_666 = tpu.memref_slice %arg7[%and3A_334, %scan3A_373, %scatter3A_663, %scatter3A_664, %scatter3A_665] : memref<2x4x4x8x129xf32, #tpu.memory_space<vmem>> -> memref<1x1x4x8x129xf32, #tpu.memory_space<vmem>>
        %scatter3A_667 = tpu.memref_squeeze %scatter3A_666 : memref<1x1x4x8x129xf32, #tpu.memory_space<vmem>> -> memref<4x8x129xf32, #tpu.memory_space<vmem>>
        tpu.vector_store_idx %scatter3A_667[%select_n3A_67, %select_n3A_92, %add3A_654], %get3A_658 : memref<4x8x129xf32, #tpu.memory_space<vmem>>[vector<16xi32>, vector<16xi32>, vector<16xi32>], vector<16xf32>,
        %scatter3A_668 = arith.constant 0 : i32
        %scatter3A_669 = arith.constant 0 : i32
        %scatter3A_670 = arith.constant 0 : i32
        %scatter3A_671 = tpu.memref_slice %arg7[%and3A_334, %scan3A_373, %scatter3A_668, %scatter3A_669, %scatter3A_670] : memref<2x4x4x8x129xf32, #tpu.memory_space<vmem>> -> memref<1x1x4x8x129xf32, #tpu.memory_space<vmem>>
        %scatter3A_672 = tpu.memref_squeeze %scatter3A_671 : memref<1x1x4x8x129xf32, #tpu.memory_space<vmem>> -> memref<4x8x129xf32, #tpu.memory_space<vmem>>
        tpu.vector_store_idx %scatter3A_672[%add3A_70, %select_n3A_92, %add3A_654], %get3A_662 : memref<4x8x129xf32, #tpu.memory_space<vmem>>[vector<16xi32>, vector<16xi32>, vector<16xi32>], vector<16xf32>,
        %add3A_673 = arith.constant 1 : i32
        %add3A_674 = arith.addi %add3A_648, %add3A_673 : i32
        %scan3A_675 = arith.constant 7 : i32
        %scan3A_676 = arith.addi %scan3A_495, %scan3A_675 : i32
        %add3A_677 = arith.constant 256 : i32
        %add3A_678 = arith.addi %add3A_677, %add3A_674 : i32
        %add3A_679 = vector.broadcast %add3A_674 : i32 to vector<16xi32>
        %add3A_680 = arith.addi %mul3A_95, %add3A_679 : vector<16xi32>
        %get3A_681 = arith.index_cast %and3A_334 : i32 to index
        %get3A_682 = arith.index_cast %add3A_678 : i32 to index
        %get3A_683 = arith.constant 0 : index
        %get3A_684 = tpu.vector_load %arg6[%get3A_681, %get3A_682, %get3A_683] {strides = array<i32>} : memref<2x512x32xf32, #tpu.memory_space<vmem>>, vector<16xf32>,
        %get3A_685 = arith.index_cast %and3A_334 : i32 to index
        %get3A_686 = arith.index_cast %add3A_678 : i32 to index
        %get3A_687 = arith.constant 16 : index
        %get3A_688 = tpu.vector_load %arg6[%get3A_685, %get3A_686, %get3A_687] {strides = array<i32>} : memref<2x512x32xf32, #tpu.memory_space<vmem>>, vector<16xf32>,
        %scatter3A_689 = arith.constant 0 : i32
        %scatter3A_690 = arith.constant 0 : i32
        %scatter3A_691 = arith.constant 0 : i32
        %scatter3A_692 = tpu.memref_slice %arg7[%and3A_334, %scan3A_373, %scatter3A_689, %scatter3A_690, %scatter3A_691] : memref<2x4x4x8x129xf32, #tpu.memory_space<vmem>> -> memref<1x1x4x8x129xf32, #tpu.memory_space<vmem>>
        %scatter3A_693 = tpu.memref_squeeze %scatter3A_692 : memref<1x1x4x8x129xf32, #tpu.memory_space<vmem>> -> memref<4x8x129xf32, #tpu.memory_space<vmem>>
        tpu.vector_store_idx %scatter3A_693[%select_n3A_67, %select_n3A_92, %add3A_680], %get3A_684 : memref<4x8x129xf32, #tpu.memory_space<vmem>>[vector<16xi32>, vector<16xi32>, vector<16xi32>], vector<16xf32>,
        %scatter3A_694 = arith.constant 0 : i32
        %scatter3A_695 = arith.constant 0 : i32
        %scatter3A_696 = arith.constant 0 : i32
        %scatter3A_697 = tpu.memref_slice %arg7[%and3A_334, %scan3A_373, %scatter3A_694, %scatter3A_695, %scatter3A_696] : memref<2x4x4x8x129xf32, #tpu.memory_space<vmem>> -> memref<1x1x4x8x129xf32, #tpu.memory_space<vmem>>
        %scatter3A_698 = tpu.memref_squeeze %scatter3A_697 : memref<1x1x4x8x129xf32, #tpu.memory_space<vmem>> -> memref<4x8x129xf32, #tpu.memory_space<vmem>>
        tpu.vector_store_idx %scatter3A_698[%add3A_70, %select_n3A_92, %add3A_680], %get3A_688 : memref<4x8x129xf32, #tpu.memory_space<vmem>>[vector<16xi32>, vector<16xi32>, vector<16xi32>], vector<16xf32>,
        %add3A_699 = arith.constant 1 : i32
        %add3A_700 = arith.addi %add3A_674, %add3A_699 : i32
        scf.yield %add3A_700 : i32
      }
      %scan3A_380 = arith.constant 128 : i32
      %scan3A_381 = arith.constant 3 : i32
      %scan3A_382 = arith.constant 0 : i32
      %scan3A_383 = arith.constant 0 : i32
      %scan3A_384 = arith.constant 128 : i32
      %scan3A_385 = arith.addi %scan3A_383, %scan3A_384 : i32
      %scan3A_386 = arith.constant 8 : i32
      %scan3A_387 = scf.for %scan3A_495 = %scan3A_383 to %scan3A_385 step %scan3A_386 iter_args(%scan3A_496 = %scan3A_382) -> (i32)  : i32 {
        %add3A_497 = arith.constant 384 : i32
        %add3A_498 = arith.addi %add3A_497, %scan3A_496 : i32
        %add3A_499 = vector.broadcast %scan3A_496 : i32 to vector<16xi32>
        %add3A_500 = arith.addi %mul3A_95, %add3A_499 : vector<16xi32>
        %get3A = arith.index_cast %and3A_334 : i32 to index
        %get3A_501 = arith.index_cast %add3A_498 : i32 to index
        %get3A_502 = arith.constant 0 : index
        %get3A_503 = tpu.vector_load %arg6[%get3A, %get3A_501, %get3A_502] {strides = array<i32>} : memref<2x512x32xf32, #tpu.memory_space<vmem>>, vector<16xf32>,
        %get3A_504 = arith.index_cast %and3A_334 : i32 to index
        %get3A_505 = arith.index_cast %add3A_498 : i32 to index
        %get3A_506 = arith.constant 16 : index
        %get3A_507 = tpu.vector_load %arg6[%get3A_504, %get3A_505, %get3A_506] {strides = array<i32>} : memref<2x512x32xf32, #tpu.memory_space<vmem>>, vector<16xf32>,
        %scatter3A = arith.constant 0 : i32
        %scatter3A_508 = arith.constant 0 : i32
        %scatter3A_509 = arith.constant 0 : i32
        %scatter3A_510 = tpu.memref_slice %arg7[%and3A_334, %scan3A_381, %scatter3A, %scatter3A_508, %scatter3A_509] : memref<2x4x4x8x129xf32, #tpu.memory_space<vmem>> -> memref<1x1x4x8x129xf32, #tpu.memory_space<vmem>>
        %scatter3A_511 = tpu.memref_squeeze %scatter3A_510 : memref<1x1x4x8x129xf32, #tpu.memory_space<vmem>> -> memref<4x8x129xf32, #tpu.memory_space<vmem>>
        tpu.vector_store_idx %scatter3A_511[%select_n3A_67, %select_n3A_92, %add3A_500], %get3A_503 : memref<4x8x129xf32, #tpu.memory_space<vmem>>[vector<16xi32>, vector<16xi32>, vector<16xi32>], vector<16xf32>,
        %scatter3A_512 = arith.constant 0 : i32
        %scatter3A_513 = arith.constant 0 : i32
        %scatter3A_514 = arith.constant 0 : i32
        %scatter3A_515 = tpu.memref_slice %arg7[%and3A_334, %scan3A_381, %scatter3A_512, %scatter3A_513, %scatter3A_514] : memref<2x4x4x8x129xf32, #tpu.memory_space<vmem>> -> memref<1x1x4x8x129xf32, #tpu.memory_space<vmem>>
        %scatter3A_516 = tpu.memref_squeeze %scatter3A_515 : memref<1x1x4x8x129xf32, #tpu.memory_space<vmem>> -> memref<4x8x129xf32, #tpu.memory_space<vmem>>
        tpu.vector_store_idx %scatter3A_516[%add3A_70, %select_n3A_92, %add3A_500], %get3A_507 : memref<4x8x129xf32, #tpu.memory_space<vmem>>[vector<16xi32>, vector<16xi32>, vector<16xi32>], vector<16xf32>,
        %add3A_517 = arith.constant 1 : i32
        %add3A_518 = arith.addi %scan3A_496, %add3A_517 : i32
        %scan3A_519 = arith.constant 1 : i32
        %scan3A_520 = arith.addi %scan3A_495, %scan3A_519 : i32
        %add3A_521 = arith.constant 384 : i32
        %add3A_522 = arith.addi %add3A_521, %add3A_518 : i32
        %add3A_523 = vector.broadcast %add3A_518 : i32 to vector<16xi32>
        %add3A_524 = arith.addi %mul3A_95, %add3A_523 : vector<16xi32>
        %get3A_525 = arith.index_cast %and3A_334 : i32 to index
        %get3A_526 = arith.index_cast %add3A_522 : i32 to index
        %get3A_527 = arith.constant 0 : index
        %get3A_528 = tpu.vector_load %arg6[%get3A_525, %get3A_526, %get3A_527] {strides = array<i32>} : memref<2x512x32xf32, #tpu.memory_space<vmem>>, vector<16xf32>,
        %get3A_529 = arith.index_cast %and3A_334 : i32 to index
        %get3A_530 = arith.index_cast %add3A_522 : i32 to index
        %get3A_531 = arith.constant 16 : index
        %get3A_532 = tpu.vector_load %arg6[%get3A_529, %get3A_530, %get3A_531] {strides = array<i32>} : memref<2x512x32xf32, #tpu.memory_space<vmem>>, vector<16xf32>,
        %scatter3A_533 = arith.constant 0 : i32
        %scatter3A_534 = arith.constant 0 : i32
        %scatter3A_535 = arith.constant 0 : i32
        %scatter3A_536 = tpu.memref_slice %arg7[%and3A_334, %scan3A_381, %scatter3A_533, %scatter3A_534, %scatter3A_535] : memref<2x4x4x8x129xf32, #tpu.memory_space<vmem>> -> memref<1x1x4x8x129xf32, #tpu.memory_space<vmem>>
        %scatter3A_537 = tpu.memref_squeeze %scatter3A_536 : memref<1x1x4x8x129xf32, #tpu.memory_space<vmem>> -> memref<4x8x129xf32, #tpu.memory_space<vmem>>
        tpu.vector_store_idx %scatter3A_537[%select_n3A_67, %select_n3A_92, %add3A_524], %get3A_528 : memref<4x8x129xf32, #tpu.memory_space<vmem>>[vector<16xi32>, vector<16xi32>, vector<16xi32>], vector<16xf32>,
        %scatter3A_538 = arith.constant 0 : i32
        %scatter3A_539 = arith.constant 0 : i32
        %scatter3A_540 = arith.constant 0 : i32
        %scatter3A_541 = tpu.memref_slice %arg7[%and3A_334, %scan3A_381, %scatter3A_538, %scatter3A_539, %scatter3A_540] : memref<2x4x4x8x129xf32, #tpu.memory_space<vmem>> -> memref<1x1x4x8x129xf32, #tpu.memory_space<vmem>>
        %scatter3A_542 = tpu.memref_squeeze %scatter3A_541 : memref<1x1x4x8x129xf32, #tpu.memory_space<vmem>> -> memref<4x8x129xf32, #tpu.memory_space<vmem>>
        tpu.vector_store_idx %scatter3A_542[%add3A_70, %select_n3A_92, %add3A_524], %get3A_532 : memref<4x8x129xf32, #tpu.memory_space<vmem>>[vector<16xi32>, vector<16xi32>, vector<16xi32>], vector<16xf32>,
        %add3A_543 = arith.constant 1 : i32
        %add3A_544 = arith.addi %add3A_518, %add3A_543 : i32
        %scan3A_545 = arith.constant 2 : i32
        %scan3A_546 = arith.addi %scan3A_495, %scan3A_545 : i32
        %add3A_547 = arith.constant 384 : i32
        %add3A_548 = arith.addi %add3A_547, %add3A_544 : i32
        %add3A_549 = vector.broadcast %add3A_544 : i32 to vector<16xi32>
        %add3A_550 = arith.addi %mul3A_95, %add3A_549 : vector<16xi32>
        %get3A_551 = arith.index_cast %and3A_334 : i32 to index
        %get3A_552 = arith.index_cast %add3A_548 : i32 to index
        %get3A_553 = arith.constant 0 : index
        %get3A_554 = tpu.vector_load %arg6[%get3A_551, %get3A_552, %get3A_553] {strides = array<i32>} : memref<2x512x32xf32, #tpu.memory_space<vmem>>, vector<16xf32>,
        %get3A_555 = arith.index_cast %and3A_334 : i32 to index
        %get3A_556 = arith.index_cast %add3A_548 : i32 to index
        %get3A_557 = arith.constant 16 : index
        %get3A_558 = tpu.vector_load %arg6[%get3A_555, %get3A_556, %get3A_557] {strides = array<i32>} : memref<2x512x32xf32, #tpu.memory_space<vmem>>, vector<16xf32>,
        %scatter3A_559 = arith.constant 0 : i32
        %scatter3A_560 = arith.constant 0 : i32
        %scatter3A_561 = arith.constant 0 : i32
        %scatter3A_562 = tpu.memref_slice %arg7[%and3A_334, %scan3A_381, %scatter3A_559, %scatter3A_560, %scatter3A_561] : memref<2x4x4x8x129xf32, #tpu.memory_space<vmem>> -> memref<1x1x4x8x129xf32, #tpu.memory_space<vmem>>
        %scatter3A_563 = tpu.memref_squeeze %scatter3A_562 : memref<1x1x4x8x129xf32, #tpu.memory_space<vmem>> -> memref<4x8x129xf32, #tpu.memory_space<vmem>>
        tpu.vector_store_idx %scatter3A_563[%select_n3A_67, %select_n3A_92, %add3A_550], %get3A_554 : memref<4x8x129xf32, #tpu.memory_space<vmem>>[vector<16xi32>, vector<16xi32>, vector<16xi32>], vector<16xf32>,
        %scatter3A_564 = arith.constant 0 : i32
        %scatter3A_565 = arith.constant 0 : i32
        %scatter3A_566 = arith.constant 0 : i32
        %scatter3A_567 = tpu.memref_slice %arg7[%and3A_334, %scan3A_381, %scatter3A_564, %scatter3A_565, %scatter3A_566] : memref<2x4x4x8x129xf32, #tpu.memory_space<vmem>> -> memref<1x1x4x8x129xf32, #tpu.memory_space<vmem>>
        %scatter3A_568 = tpu.memref_squeeze %scatter3A_567 : memref<1x1x4x8x129xf32, #tpu.memory_space<vmem>> -> memref<4x8x129xf32, #tpu.memory_space<vmem>>
        tpu.vector_store_idx %scatter3A_568[%add3A_70, %select_n3A_92, %add3A_550], %get3A_558 : memref<4x8x129xf32, #tpu.memory_space<vmem>>[vector<16xi32>, vector<16xi32>, vector<16xi32>], vector<16xf32>,
        %add3A_569 = arith.constant 1 : i32
        %add3A_570 = arith.addi %add3A_544, %add3A_569 : i32
        %scan3A_571 = arith.constant 3 : i32
        %scan3A_572 = arith.addi %scan3A_495, %scan3A_571 : i32
        %add3A_573 = arith.constant 384 : i32
        %add3A_574 = arith.addi %add3A_573, %add3A_570 : i32
        %add3A_575 = vector.broadcast %add3A_570 : i32 to vector<16xi32>
        %add3A_576 = arith.addi %mul3A_95, %add3A_575 : vector<16xi32>
        %get3A_577 = arith.index_cast %and3A_334 : i32 to index
        %get3A_578 = arith.index_cast %add3A_574 : i32 to index
        %get3A_579 = arith.constant 0 : index
        %get3A_580 = tpu.vector_load %arg6[%get3A_577, %get3A_578, %get3A_579] {strides = array<i32>} : memref<2x512x32xf32, #tpu.memory_space<vmem>>, vector<16xf32>,
        %get3A_581 = arith.index_cast %and3A_334 : i32 to index
        %get3A_582 = arith.index_cast %add3A_574 : i32 to index
        %get3A_583 = arith.constant 16 : index
        %get3A_584 = tpu.vector_load %arg6[%get3A_581, %get3A_582, %get3A_583] {strides = array<i32>} : memref<2x512x32xf32, #tpu.memory_space<vmem>>, vector<16xf32>,
        %scatter3A_585 = arith.constant 0 : i32
        %scatter3A_586 = arith.constant 0 : i32
        %scatter3A_587 = arith.constant 0 : i32
        %scatter3A_588 = tpu.memref_slice %arg7[%and3A_334, %scan3A_381, %scatter3A_585, %scatter3A_586, %scatter3A_587] : memref<2x4x4x8x129xf32, #tpu.memory_space<vmem>> -> memref<1x1x4x8x129xf32, #tpu.memory_space<vmem>>
        %scatter3A_589 = tpu.memref_squeeze %scatter3A_588 : memref<1x1x4x8x129xf32, #tpu.memory_space<vmem>> -> memref<4x8x129xf32, #tpu.memory_space<vmem>>
        tpu.vector_store_idx %scatter3A_589[%select_n3A_67, %select_n3A_92, %add3A_576], %get3A_580 : memref<4x8x129xf32, #tpu.memory_space<vmem>>[vector<16xi32>, vector<16xi32>, vector<16xi32>], vector<16xf32>,
        %scatter3A_590 = arith.constant 0 : i32
        %scatter3A_591 = arith.constant 0 : i32
        %scatter3A_592 = arith.constant 0 : i32
        %scatter3A_593 = tpu.memref_slice %arg7[%and3A_334, %scan3A_381, %scatter3A_590, %scatter3A_591, %scatter3A_592] : memref<2x4x4x8x129xf32, #tpu.memory_space<vmem>> -> memref<1x1x4x8x129xf32, #tpu.memory_space<vmem>>
        %scatter3A_594 = tpu.memref_squeeze %scatter3A_593 : memref<1x1x4x8x129xf32, #tpu.memory_space<vmem>> -> memref<4x8x129xf32, #tpu.memory_space<vmem>>
        tpu.vector_store_idx %scatter3A_594[%add3A_70, %select_n3A_92, %add3A_576], %get3A_584 : memref<4x8x129xf32, #tpu.memory_space<vmem>>[vector<16xi32>, vector<16xi32>, vector<16xi32>], vector<16xf32>,
        %add3A_595 = arith.constant 1 : i32
        %add3A_596 = arith.addi %add3A_570, %add3A_595 : i32
        %scan3A_597 = arith.constant 4 : i32
        %scan3A_598 = arith.addi %scan3A_495, %scan3A_597 : i32
        %add3A_599 = arith.constant 384 : i32
        %add3A_600 = arith.addi %add3A_599, %add3A_596 : i32
        %add3A_601 = vector.broadcast %add3A_596 : i32 to vector<16xi32>
        %add3A_602 = arith.addi %mul3A_95, %add3A_601 : vector<16xi32>
        %get3A_603 = arith.index_cast %and3A_334 : i32 to index
        %get3A_604 = arith.index_cast %add3A_600 : i32 to index
        %get3A_605 = arith.constant 0 : index
        %get3A_606 = tpu.vector_load %arg6[%get3A_603, %get3A_604, %get3A_605] {strides = array<i32>} : memref<2x512x32xf32, #tpu.memory_space<vmem>>, vector<16xf32>,
        %get3A_607 = arith.index_cast %and3A_334 : i32 to index
        %get3A_608 = arith.index_cast %add3A_600 : i32 to index
        %get3A_609 = arith.constant 16 : index
        %get3A_610 = tpu.vector_load %arg6[%get3A_607, %get3A_608, %get3A_609] {strides = array<i32>} : memref<2x512x32xf32, #tpu.memory_space<vmem>>, vector<16xf32>,
        %scatter3A_611 = arith.constant 0 : i32
        %scatter3A_612 = arith.constant 0 : i32
        %scatter3A_613 = arith.constant 0 : i32
        %scatter3A_614 = tpu.memref_slice %arg7[%and3A_334, %scan3A_381, %scatter3A_611, %scatter3A_612, %scatter3A_613] : memref<2x4x4x8x129xf32, #tpu.memory_space<vmem>> -> memref<1x1x4x8x129xf32, #tpu.memory_space<vmem>>
        %scatter3A_615 = tpu.memref_squeeze %scatter3A_614 : memref<1x1x4x8x129xf32, #tpu.memory_space<vmem>> -> memref<4x8x129xf32, #tpu.memory_space<vmem>>
        tpu.vector_store_idx %scatter3A_615[%select_n3A_67, %select_n3A_92, %add3A_602], %get3A_606 : memref<4x8x129xf32, #tpu.memory_space<vmem>>[vector<16xi32>, vector<16xi32>, vector<16xi32>], vector<16xf32>,
        %scatter3A_616 = arith.constant 0 : i32
        %scatter3A_617 = arith.constant 0 : i32
        %scatter3A_618 = arith.constant 0 : i32
        %scatter3A_619 = tpu.memref_slice %arg7[%and3A_334, %scan3A_381, %scatter3A_616, %scatter3A_617, %scatter3A_618] : memref<2x4x4x8x129xf32, #tpu.memory_space<vmem>> -> memref<1x1x4x8x129xf32, #tpu.memory_space<vmem>>
        %scatter3A_620 = tpu.memref_squeeze %scatter3A_619 : memref<1x1x4x8x129xf32, #tpu.memory_space<vmem>> -> memref<4x8x129xf32, #tpu.memory_space<vmem>>
        tpu.vector_store_idx %scatter3A_620[%add3A_70, %select_n3A_92, %add3A_602], %get3A_610 : memref<4x8x129xf32, #tpu.memory_space<vmem>>[vector<16xi32>, vector<16xi32>, vector<16xi32>], vector<16xf32>,
        %add3A_621 = arith.constant 1 : i32
        %add3A_622 = arith.addi %add3A_596, %add3A_621 : i32
        %scan3A_623 = arith.constant 5 : i32
        %scan3A_624 = arith.addi %scan3A_495, %scan3A_623 : i32
        %add3A_625 = arith.constant 384 : i32
        %add3A_626 = arith.addi %add3A_625, %add3A_622 : i32
        %add3A_627 = vector.broadcast %add3A_622 : i32 to vector<16xi32>
        %add3A_628 = arith.addi %mul3A_95, %add3A_627 : vector<16xi32>
        %get3A_629 = arith.index_cast %and3A_334 : i32 to index
        %get3A_630 = arith.index_cast %add3A_626 : i32 to index
        %get3A_631 = arith.constant 0 : index
        %get3A_632 = tpu.vector_load %arg6[%get3A_629, %get3A_630, %get3A_631] {strides = array<i32>} : memref<2x512x32xf32, #tpu.memory_space<vmem>>, vector<16xf32>,
        %get3A_633 = arith.index_cast %and3A_334 : i32 to index
        %get3A_634 = arith.index_cast %add3A_626 : i32 to index
        %get3A_635 = arith.constant 16 : index
        %get3A_636 = tpu.vector_load %arg6[%get3A_633, %get3A_634, %get3A_635] {strides = array<i32>} : memref<2x512x32xf32, #tpu.memory_space<vmem>>, vector<16xf32>,
        %scatter3A_637 = arith.constant 0 : i32
        %scatter3A_638 = arith.constant 0 : i32
        %scatter3A_639 = arith.constant 0 : i32
        %scatter3A_640 = tpu.memref_slice %arg7[%and3A_334, %scan3A_381, %scatter3A_637, %scatter3A_638, %scatter3A_639] : memref<2x4x4x8x129xf32, #tpu.memory_space<vmem>> -> memref<1x1x4x8x129xf32, #tpu.memory_space<vmem>>
        %scatter3A_641 = tpu.memref_squeeze %scatter3A_640 : memref<1x1x4x8x129xf32, #tpu.memory_space<vmem>> -> memref<4x8x129xf32, #tpu.memory_space<vmem>>
        tpu.vector_store_idx %scatter3A_641[%select_n3A_67, %select_n3A_92, %add3A_628], %get3A_632 : memref<4x8x129xf32, #tpu.memory_space<vmem>>[vector<16xi32>, vector<16xi32>, vector<16xi32>], vector<16xf32>,
        %scatter3A_642 = arith.constant 0 : i32
        %scatter3A_643 = arith.constant 0 : i32
        %scatter3A_644 = arith.constant 0 : i32
        %scatter3A_645 = tpu.memref_slice %arg7[%and3A_334, %scan3A_381, %scatter3A_642, %scatter3A_643, %scatter3A_644] : memref<2x4x4x8x129xf32, #tpu.memory_space<vmem>> -> memref<1x1x4x8x129xf32, #tpu.memory_space<vmem>>
        %scatter3A_646 = tpu.memref_squeeze %scatter3A_645 : memref<1x1x4x8x129xf32, #tpu.memory_space<vmem>> -> memref<4x8x129xf32, #tpu.memory_space<vmem>>
        tpu.vector_store_idx %scatter3A_646[%add3A_70, %select_n3A_92, %add3A_628], %get3A_636 : memref<4x8x129xf32, #tpu.memory_space<vmem>>[vector<16xi32>, vector<16xi32>, vector<16xi32>], vector<16xf32>,
        %add3A_647 = arith.constant 1 : i32
        %add3A_648 = arith.addi %add3A_622, %add3A_647 : i32
        %scan3A_649 = arith.constant 6 : i32
        %scan3A_650 = arith.addi %scan3A_495, %scan3A_649 : i32
        %add3A_651 = arith.constant 384 : i32
        %add3A_652 = arith.addi %add3A_651, %add3A_648 : i32
        %add3A_653 = vector.broadcast %add3A_648 : i32 to vector<16xi32>
        %add3A_654 = arith.addi %mul3A_95, %add3A_653 : vector<16xi32>
        %get3A_655 = arith.index_cast %and3A_334 : i32 to index
        %get3A_656 = arith.index_cast %add3A_652 : i32 to index
        %get3A_657 = arith.constant 0 : index
        %get3A_658 = tpu.vector_load %arg6[%get3A_655, %get3A_656, %get3A_657] {strides = array<i32>} : memref<2x512x32xf32, #tpu.memory_space<vmem>>, vector<16xf32>,
        %get3A_659 = arith.index_cast %and3A_334 : i32 to index
        %get3A_660 = arith.index_cast %add3A_652 : i32 to index
        %get3A_661 = arith.constant 16 : index
        %get3A_662 = tpu.vector_load %arg6[%get3A_659, %get3A_660, %get3A_661] {strides = array<i32>} : memref<2x512x32xf32, #tpu.memory_space<vmem>>, vector<16xf32>,
        %scatter3A_663 = arith.constant 0 : i32
        %scatter3A_664 = arith.constant 0 : i32
        %scatter3A_665 = arith.constant 0 : i32
        %scatter3A_666 = tpu.memref_slice %arg7[%and3A_334, %scan3A_381, %scatter3A_663, %scatter3A_664, %scatter3A_665] : memref<2x4x4x8x129xf32, #tpu.memory_space<vmem>> -> memref<1x1x4x8x129xf32, #tpu.memory_space<vmem>>
        %scatter3A_667 = tpu.memref_squeeze %scatter3A_666 : memref<1x1x4x8x129xf32, #tpu.memory_space<vmem>> -> memref<4x8x129xf32, #tpu.memory_space<vmem>>
        tpu.vector_store_idx %scatter3A_667[%select_n3A_67, %select_n3A_92, %add3A_654], %get3A_658 : memref<4x8x129xf32, #tpu.memory_space<vmem>>[vector<16xi32>, vector<16xi32>, vector<16xi32>], vector<16xf32>,
        %scatter3A_668 = arith.constant 0 : i32
        %scatter3A_669 = arith.constant 0 : i32
        %scatter3A_670 = arith.constant 0 : i32
        %scatter3A_671 = tpu.memref_slice %arg7[%and3A_334, %scan3A_381, %scatter3A_668, %scatter3A_669, %scatter3A_670] : memref<2x4x4x8x129xf32, #tpu.memory_space<vmem>> -> memref<1x1x4x8x129xf32, #tpu.memory_space<vmem>>
        %scatter3A_672 = tpu.memref_squeeze %scatter3A_671 : memref<1x1x4x8x129xf32, #tpu.memory_space<vmem>> -> memref<4x8x129xf32, #tpu.memory_space<vmem>>
        tpu.vector_store_idx %scatter3A_672[%add3A_70, %select_n3A_92, %add3A_654], %get3A_662 : memref<4x8x129xf32, #tpu.memory_space<vmem>>[vector<16xi32>, vector<16xi32>, vector<16xi32>], vector<16xf32>,
        %add3A_673 = arith.constant 1 : i32
        %add3A_674 = arith.addi %add3A_648, %add3A_673 : i32
        %scan3A_675 = arith.constant 7 : i32
        %scan3A_676 = arith.addi %scan3A_495, %scan3A_675 : i32
        %add3A_677 = arith.constant 384 : i32
        %add3A_678 = arith.addi %add3A_677, %add3A_674 : i32
        %add3A_679 = vector.broadcast %add3A_674 : i32 to vector<16xi32>
        %add3A_680 = arith.addi %mul3A_95, %add3A_679 : vector<16xi32>
        %get3A_681 = arith.index_cast %and3A_334 : i32 to index
        %get3A_682 = arith.index_cast %add3A_678 : i32 to index
        %get3A_683 = arith.constant 0 : index
        %get3A_684 = tpu.vector_load %arg6[%get3A_681, %get3A_682, %get3A_683] {strides = array<i32>} : memref<2x512x32xf32, #tpu.memory_space<vmem>>, vector<16xf32>,
        %get3A_685 = arith.index_cast %and3A_334 : i32 to index
        %get3A_686 = arith.index_cast %add3A_678 : i32 to index
        %get3A_687 = arith.constant 16 : index
        %get3A_688 = tpu.vector_load %arg6[%get3A_685, %get3A_686, %get3A_687] {strides = array<i32>} : memref<2x512x32xf32, #tpu.memory_space<vmem>>, vector<16xf32>,
        %scatter3A_689 = arith.constant 0 : i32
        %scatter3A_690 = arith.constant 0 : i32
        %scatter3A_691 = arith.constant 0 : i32
        %scatter3A_692 = tpu.memref_slice %arg7[%and3A_334, %scan3A_381, %scatter3A_689, %scatter3A_690, %scatter3A_691] : memref<2x4x4x8x129xf32, #tpu.memory_space<vmem>> -> memref<1x1x4x8x129xf32, #tpu.memory_space<vmem>>
        %scatter3A_693 = tpu.memref_squeeze %scatter3A_692 : memref<1x1x4x8x129xf32, #tpu.memory_space<vmem>> -> memref<4x8x129xf32, #tpu.memory_space<vmem>>
        tpu.vector_store_idx %scatter3A_693[%select_n3A_67, %select_n3A_92, %add3A_680], %get3A_684 : memref<4x8x129xf32, #tpu.memory_space<vmem>>[vector<16xi32>, vector<16xi32>, vector<16xi32>], vector<16xf32>,
        %scatter3A_694 = arith.constant 0 : i32
        %scatter3A_695 = arith.constant 0 : i32
        %scatter3A_696 = arith.constant 0 : i32
        %scatter3A_697 = tpu.memref_slice %arg7[%and3A_334, %scan3A_381, %scatter3A_694, %scatter3A_695, %scatter3A_696] : memref<2x4x4x8x129xf32, #tpu.memory_space<vmem>> -> memref<1x1x4x8x129xf32, #tpu.memory_space<vmem>>
        %scatter3A_698 = tpu.memref_squeeze %scatter3A_697 : memref<1x1x4x8x129xf32, #tpu.memory_space<vmem>> -> memref<4x8x129xf32, #tpu.memory_space<vmem>>
        tpu.vector_store_idx %scatter3A_698[%add3A_70, %select_n3A_92, %add3A_680], %get3A_688 : memref<4x8x129xf32, #tpu.memory_space<vmem>>[vector<16xi32>, vector<16xi32>, vector<16xi32>], vector<16xf32>,
        %add3A_699 = arith.constant 1 : i32
        %add3A_700 = arith.addi %add3A_674, %add3A_699 : i32
        scf.yield %add3A_700 : i32
      }
      %scan3A_388 = arith.constant 128 : i32
      %add3A_389 = arith.addi %mul3A_32, %scan3A_332 : i32
      %add3A_390 = arith.constant 0 : i32
      %add3A_391 = arith.addi %mul3A_36, %add3A_390 : i32
      %dma_start3A_392 = arith.constant 0 : i32
      %dma_start3A_393 = arith.constant 0 : i32
      %dma_start3A_394 = arith.constant 0 : i32
      %dma_start3A_395 = arith.constant 0 : i32
      %dma_start3A_396 = tpu.memref_slice %arg7[%and3A_334, %dma_start3A_392, %dma_start3A_393, %dma_start3A_394, %dma_start3A_395] : memref<2x4x4x8x129xf32, #tpu.memory_space<vmem>> -> memref<1x1x4x8x128xf32, #tpu.memory_space<vmem>>
      %dma_start3A_397 = tpu.memref_squeeze %dma_start3A_396 : memref<1x1x4x8x128xf32, #tpu.memory_space<vmem>> -> memref<4x8x128xf32, #tpu.memory_space<vmem>>
      %dma_start3A_398 = arith.constant 0 : i32
      %dma_start3A_399 = arith.constant 0 : i32
      %dma_start3A_400 = arith.constant 0 : i32
      %dma_start3A_401 = tpu.memref_slice %arg4[%add3A_389, %dma_start3A_398, %add3A_391, %dma_start3A_399, %dma_start3A_400] : memref<200x4x32x8x128xf32, #tpu.memory_space<hbm>> -> memref<1x4x1x8x128xf32, #tpu.memory_space<hbm>>
      %dma_start3A_402 = tpu.memref_squeeze %dma_start3A_401 : memref<1x4x1x8x128xf32, #tpu.memory_space<hbm>> -> memref<4x8x128xf32, #tpu.memory_space<hbm>>
      %dma_start3A_403 = tpu.memref_slice %arg9[%and3A_334] : memref<2x!tpu.dma_semaphore, #tpu.memory_space<semaphore_mem>> -> memref<1x!tpu.dma_semaphore, #tpu.memory_space<semaphore_mem>>
      %dma_start3A_404 = tpu.memref_squeeze %dma_start3A_403 : memref<1x!tpu.dma_semaphore, #tpu.memory_space<semaphore_mem>> -> memref<!tpu.dma_semaphore, #tpu.memory_space<semaphore_mem>>
      %dma_start3A_405 = arith.constant 0 : i32
      %dma_start3A_406 = arith.constant 0 : i32
      %dma_start3A_407 = arith.constant 0 : i32
      %dma_start3A_408 = tpu.memref_slice %arg4[%add3A_389, %dma_start3A_405, %add3A_391, %dma_start3A_406, %dma_start3A_407] : memref<200x4x32x8x128xf32, #tpu.memory_space<hbm>> -> memref<1x4x1x8x128xf32, #tpu.memory_space<hbm>>
      %dma_start3A_409 = tpu.memref_squeeze %dma_start3A_408 : memref<1x4x1x8x128xf32, #tpu.memory_space<hbm>> -> memref<4x8x128xf32, #tpu.memory_space<hbm>>
      %dma_start3A_410 = arith.constant 0 : i32
      %dma_start3A_411 = arith.constant 0 : i32
      %dma_start3A_412 = arith.constant 0 : i32
      %dma_start3A_413 = tpu.memref_slice %arg7[%and3A_334, %dma_start3A_392, %dma_start3A_410, %dma_start3A_411, %dma_start3A_412] : memref<2x4x4x8x129xf32, #tpu.memory_space<vmem>> -> memref<1x1x4x8x128xf32, #tpu.memory_space<vmem>>
      %dma_start3A_414 = tpu.memref_squeeze %dma_start3A_413 : memref<1x1x4x8x128xf32, #tpu.memory_space<vmem>> -> memref<4x8x128xf32, #tpu.memory_space<vmem>>
      tpu.enqueue_dma source(%dma_start3A_414 : memref<4x8x128xf32, #tpu.memory_space<vmem>>) target(%dma_start3A_409 : memref<4x8x128xf32, #tpu.memory_space<hbm>>) target_semaphore(%dma_start3A_404 : memref<!tpu.dma_semaphore, #tpu.memory_space<semaphore_mem>>)
      %add3A_415 = arith.addi %mul3A_32, %scan3A_332 : i32
      %add3A_416 = arith.constant 1 : i32
      %add3A_417 = arith.addi %mul3A_36, %add3A_416 : i32
      %dma_start3A_418 = arith.constant 1 : i32
      %dma_start3A_419 = arith.constant 0 : i32
      %dma_start3A_420 = arith.constant 0 : i32
      %dma_start3A_421 = arith.constant 0 : i32
      %dma_start3A_422 = tpu.memref_slice %arg7[%and3A_334, %dma_start3A_418, %dma_start3A_419, %dma_start3A_420, %dma_start3A_421] : memref<2x4x4x8x129xf32, #tpu.memory_space<vmem>> -> memref<1x1x4x8x128xf32, #tpu.memory_space<vmem>>
      %dma_start3A_423 = tpu.memref_squeeze %dma_start3A_422 : memref<1x1x4x8x128xf32, #tpu.memory_space<vmem>> -> memref<4x8x128xf32, #tpu.memory_space<vmem>>
      %dma_start3A_424 = arith.constant 0 : i32
      %dma_start3A_425 = arith.constant 0 : i32
      %dma_start3A_426 = arith.constant 0 : i32
      %dma_start3A_427 = tpu.memref_slice %arg4[%add3A_415, %dma_start3A_424, %add3A_417, %dma_start3A_425, %dma_start3A_426] : memref<200x4x32x8x128xf32, #tpu.memory_space<hbm>> -> memref<1x4x1x8x128xf32, #tpu.memory_space<hbm>>
      %dma_start3A_428 = tpu.memref_squeeze %dma_start3A_427 : memref<1x4x1x8x128xf32, #tpu.memory_space<hbm>> -> memref<4x8x128xf32, #tpu.memory_space<hbm>>
      %dma_start3A_429 = tpu.memref_slice %arg9[%and3A_334] : memref<2x!tpu.dma_semaphore, #tpu.memory_space<semaphore_mem>> -> memref<1x!tpu.dma_semaphore, #tpu.memory_space<semaphore_mem>>
      %dma_start3A_430 = tpu.memref_squeeze %dma_start3A_429 : memref<1x!tpu.dma_semaphore, #tpu.memory_space<semaphore_mem>> -> memref<!tpu.dma_semaphore, #tpu.memory_space<semaphore_mem>>
      %dma_start3A_431 = arith.constant 0 : i32
      %dma_start3A_432 = arith.constant 0 : i32
      %dma_start3A_433 = arith.constant 0 : i32
      %dma_start3A_434 = tpu.memref_slice %arg4[%add3A_415, %dma_start3A_431, %add3A_417, %dma_start3A_432, %dma_start3A_433] : memref<200x4x32x8x128xf32, #tpu.memory_space<hbm>> -> memref<1x4x1x8x128xf32, #tpu.memory_space<hbm>>
      %dma_start3A_435 = tpu.memref_squeeze %dma_start3A_434 : memref<1x4x1x8x128xf32, #tpu.memory_space<hbm>> -> memref<4x8x128xf32, #tpu.memory_space<hbm>>
      %dma_start3A_436 = arith.constant 0 : i32
      %dma_start3A_437 = arith.constant 0 : i32
      %dma_start3A_438 = arith.constant 0 : i32
      %dma_start3A_439 = tpu.memref_slice %arg7[%and3A_334, %dma_start3A_418, %dma_start3A_436, %dma_start3A_437, %dma_start3A_438] : memref<2x4x4x8x129xf32, #tpu.memory_space<vmem>> -> memref<1x1x4x8x128xf32, #tpu.memory_space<vmem>>
      %dma_start3A_440 = tpu.memref_squeeze %dma_start3A_439 : memref<1x1x4x8x128xf32, #tpu.memory_space<vmem>> -> memref<4x8x128xf32, #tpu.memory_space<vmem>>
      tpu.enqueue_dma source(%dma_start3A_440 : memref<4x8x128xf32, #tpu.memory_space<vmem>>) target(%dma_start3A_435 : memref<4x8x128xf32, #tpu.memory_space<hbm>>) target_semaphore(%dma_start3A_430 : memref<!tpu.dma_semaphore, #tpu.memory_space<semaphore_mem>>)
      %add3A_441 = arith.addi %mul3A_32, %scan3A_332 : i32
      %add3A_442 = arith.constant 2 : i32
      %add3A_443 = arith.addi %mul3A_36, %add3A_442 : i32
      %dma_start3A_444 = arith.constant 2 : i32
      %dma_start3A_445 = arith.constant 0 : i32
      %dma_start3A_446 = arith.constant 0 : i32
      %dma_start3A_447 = arith.constant 0 : i32
      %dma_start3A_448 = tpu.memref_slice %arg7[%and3A_334, %dma_start3A_444, %dma_start3A_445, %dma_start3A_446, %dma_start3A_447] : memref<2x4x4x8x129xf32, #tpu.memory_space<vmem>> -> memref<1x1x4x8x128xf32, #tpu.memory_space<vmem>>
      %dma_start3A_449 = tpu.memref_squeeze %dma_start3A_448 : memref<1x1x4x8x128xf32, #tpu.memory_space<vmem>> -> memref<4x8x128xf32, #tpu.memory_space<vmem>>
      %dma_start3A_450 = arith.constant 0 : i32
      %dma_start3A_451 = arith.constant 0 : i32
      %dma_start3A_452 = arith.constant 0 : i32
      %dma_start3A_453 = tpu.memref_slice %arg4[%add3A_441, %dma_start3A_450, %add3A_443, %dma_start3A_451, %dma_start3A_452] : memref<200x4x32x8x128xf32, #tpu.memory_space<hbm>> -> memref<1x4x1x8x128xf32, #tpu.memory_space<hbm>>
      %dma_start3A_454 = tpu.memref_squeeze %dma_start3A_453 : memref<1x4x1x8x128xf32, #tpu.memory_space<hbm>> -> memref<4x8x128xf32, #tpu.memory_space<hbm>>
      %dma_start3A_455 = tpu.memref_slice %arg9[%and3A_334] : memref<2x!tpu.dma_semaphore, #tpu.memory_space<semaphore_mem>> -> memref<1x!tpu.dma_semaphore, #tpu.memory_space<semaphore_mem>>
      %dma_start3A_456 = tpu.memref_squeeze %dma_start3A_455 : memref<1x!tpu.dma_semaphore, #tpu.memory_space<semaphore_mem>> -> memref<!tpu.dma_semaphore, #tpu.memory_space<semaphore_mem>>
      %dma_start3A_457 = arith.constant 0 : i32
      %dma_start3A_458 = arith.constant 0 : i32
      %dma_start3A_459 = arith.constant 0 : i32
      %dma_start3A_460 = tpu.memref_slice %arg4[%add3A_441, %dma_start3A_457, %add3A_443, %dma_start3A_458, %dma_start3A_459] : memref<200x4x32x8x128xf32, #tpu.memory_space<hbm>> -> memref<1x4x1x8x128xf32, #tpu.memory_space<hbm>>
      %dma_start3A_461 = tpu.memref_squeeze %dma_start3A_460 : memref<1x4x1x8x128xf32, #tpu.memory_space<hbm>> -> memref<4x8x128xf32, #tpu.memory_space<hbm>>
      %dma_start3A_462 = arith.constant 0 : i32
      %dma_start3A_463 = arith.constant 0 : i32
      %dma_start3A_464 = arith.constant 0 : i32
      %dma_start3A_465 = tpu.memref_slice %arg7[%and3A_334, %dma_start3A_444, %dma_start3A_462, %dma_start3A_463, %dma_start3A_464] : memref<2x4x4x8x129xf32, #tpu.memory_space<vmem>> -> memref<1x1x4x8x128xf32, #tpu.memory_space<vmem>>
      %dma_start3A_466 = tpu.memref_squeeze %dma_start3A_465 : memref<1x1x4x8x128xf32, #tpu.memory_space<vmem>> -> memref<4x8x128xf32, #tpu.memory_space<vmem>>
      tpu.enqueue_dma source(%dma_start3A_466 : memref<4x8x128xf32, #tpu.memory_space<vmem>>) target(%dma_start3A_461 : memref<4x8x128xf32, #tpu.memory_space<hbm>>) target_semaphore(%dma_start3A_456 : memref<!tpu.dma_semaphore, #tpu.memory_space<semaphore_mem>>)
      %add3A_467 = arith.addi %mul3A_32, %scan3A_332 : i32
      %add3A_468 = arith.constant 3 : i32
      %add3A_469 = arith.addi %mul3A_36, %add3A_468 : i32
      %dma_start3A_470 = arith.constant 3 : i32
      %dma_start3A_471 = arith.constant 0 : i32
      %dma_start3A_472 = arith.constant 0 : i32
      %dma_start3A_473 = arith.constant 0 : i32
      %dma_start3A_474 = tpu.memref_slice %arg7[%and3A_334, %dma_start3A_470, %dma_start3A_471, %dma_start3A_472, %dma_start3A_473] : memref<2x4x4x8x129xf32, #tpu.memory_space<vmem>> -> memref<1x1x4x8x128xf32, #tpu.memory_space<vmem>>
      %dma_start3A_475 = tpu.memref_squeeze %dma_start3A_474 : memref<1x1x4x8x128xf32, #tpu.memory_space<vmem>> -> memref<4x8x128xf32, #tpu.memory_space<vmem>>
      %dma_start3A_476 = arith.constant 0 : i32
      %dma_start3A_477 = arith.constant 0 : i32
      %dma_start3A_478 = arith.constant 0 : i32
      %dma_start3A_479 = tpu.memref_slice %arg4[%add3A_467, %dma_start3A_476, %add3A_469, %dma_start3A_477, %dma_start3A_478] : memref<200x4x32x8x128xf32, #tpu.memory_space<hbm>> -> memref<1x4x1x8x128xf32, #tpu.memory_space<hbm>>
      %dma_start3A_480 = tpu.memref_squeeze %dma_start3A_479 : memref<1x4x1x8x128xf32, #tpu.memory_space<hbm>> -> memref<4x8x128xf32, #tpu.memory_space<hbm>>
      %dma_start3A_481 = tpu.memref_slice %arg9[%and3A_334] : memref<2x!tpu.dma_semaphore, #tpu.memory_space<semaphore_mem>> -> memref<1x!tpu.dma_semaphore, #tpu.memory_space<semaphore_mem>>
      %dma_start3A_482 = tpu.memref_squeeze %dma_start3A_481 : memref<1x!tpu.dma_semaphore, #tpu.memory_space<semaphore_mem>> -> memref<!tpu.dma_semaphore, #tpu.memory_space<semaphore_mem>>
      %dma_start3A_483 = arith.constant 0 : i32
      %dma_start3A_484 = arith.constant 0 : i32
      %dma_start3A_485 = arith.constant 0 : i32
      %dma_start3A_486 = tpu.memref_slice %arg4[%add3A_467, %dma_start3A_483, %add3A_469, %dma_start3A_484, %dma_start3A_485] : memref<200x4x32x8x128xf32, #tpu.memory_space<hbm>> -> memref<1x4x1x8x128xf32, #tpu.memory_space<hbm>>
      %dma_start3A_487 = tpu.memref_squeeze %dma_start3A_486 : memref<1x4x1x8x128xf32, #tpu.memory_space<hbm>> -> memref<4x8x128xf32, #tpu.memory_space<hbm>>
      %dma_start3A_488 = arith.constant 0 : i32
      %dma_start3A_489 = arith.constant 0 : i32
      %dma_start3A_490 = arith.constant 0 : i32
      %dma_start3A_491 = tpu.memref_slice %arg7[%and3A_334, %dma_start3A_470, %dma_start3A_488, %dma_start3A_489, %dma_start3A_490] : memref<2x4x4x8x129xf32, #tpu.memory_space<vmem>> -> memref<1x1x4x8x128xf32, #tpu.memory_space<vmem>>
      %dma_start3A_492 = tpu.memref_squeeze %dma_start3A_491 : memref<1x1x4x8x128xf32, #tpu.memory_space<vmem>> -> memref<4x8x128xf32, #tpu.memory_space<vmem>>
      tpu.enqueue_dma source(%dma_start3A_492 : memref<4x8x128xf32, #tpu.memory_space<vmem>>) target(%dma_start3A_487 : memref<4x8x128xf32, #tpu.memory_space<hbm>>) target_semaphore(%dma_start3A_482 : memref<!tpu.dma_semaphore, #tpu.memory_space<semaphore_mem>>)
      %add3A_493 = arith.constant 1 : i32
      %add3A_494 = arith.addi %scan3A_332, %add3A_493 : i32
      scf.yield %add3A_494 : i32
    }
    %scan3A_115 = arith.constant 50 : i32
    %dma_wait3A = arith.constant 0 : i32
    %dma_wait3A_116 = arith.constant 0 : i32
    %dma_wait3A_117 = arith.constant 0 : i32
    %dma_wait3A_118 = arith.constant 0 : i32
    %dma_wait3A_119 = arith.constant 0 : i32
    %dma_wait3A_120 = arith.constant 0 : i32
    %dma_wait3A_121 = arith.constant 0 : i32
    %dma_wait3A_122 = arith.constant 0 : i32
    %dma_wait3A_123 = tpu.memref_slice %arg7[%dma_wait3A, %dma_wait3A_116, %dma_wait3A_120, %dma_wait3A_121, %dma_wait3A_122] : memref<2x4x4x8x129xf32, #tpu.memory_space<vmem>> -> memref<1x1x4x8x128xf32, #tpu.memory_space<vmem>>
    %dma_wait3A_124 = tpu.memref_squeeze %dma_wait3A_123 : memref<1x1x4x8x128xf32, #tpu.memory_space<vmem>> -> memref<4x8x128xf32, #tpu.memory_space<vmem>>
    %dma_wait3A_125 = arith.constant 0 : i32
    %dma_wait3A_126 = arith.constant 0 : i32
    %dma_wait3A_127 = arith.constant 0 : i32
    %dma_wait3A_128 = tpu.memref_slice %arg4[%dma_wait3A_117, %dma_wait3A_125, %dma_wait3A_118, %dma_wait3A_126, %dma_wait3A_127] : memref<200x4x32x8x128xf32, #tpu.memory_space<hbm>> -> memref<1x4x1x8x128xf32, #tpu.memory_space<hbm>>
    %dma_wait3A_129 = tpu.memref_squeeze %dma_wait3A_128 : memref<1x4x1x8x128xf32, #tpu.memory_space<hbm>> -> memref<4x8x128xf32, #tpu.memory_space<hbm>>
    %dma_wait3A_130 = tpu.memref_slice %arg9[%dma_wait3A_119] : memref<2x!tpu.dma_semaphore, #tpu.memory_space<semaphore_mem>> -> memref<1x!tpu.dma_semaphore, #tpu.memory_space<semaphore_mem>>
    %dma_wait3A_131 = tpu.memref_squeeze %dma_wait3A_130 : memref<1x!tpu.dma_semaphore, #tpu.memory_space<semaphore_mem>> -> memref<!tpu.dma_semaphore, #tpu.memory_space<semaphore_mem>>
    %dma_wait3A_132 = arith.constant 0 : i32
    %dma_wait3A_133 = arith.constant 0 : i32
    %dma_wait3A_134 = arith.constant 0 : i32
    %dma_wait3A_135 = tpu.memref_slice %arg4[%dma_wait3A_117, %dma_wait3A_132, %dma_wait3A_118, %dma_wait3A_133, %dma_wait3A_134] : memref<200x4x32x8x128xf32, #tpu.memory_space<hbm>> -> memref<1x4x1x8x128xf32, #tpu.memory_space<hbm>>
    %dma_wait3A_136 = tpu.memref_squeeze %dma_wait3A_135 : memref<1x4x1x8x128xf32, #tpu.memory_space<hbm>> -> memref<4x8x128xf32, #tpu.memory_space<hbm>>
    %dma_wait3A_137 = arith.constant 0 : i32
    %dma_wait3A_138 = arith.constant 0 : i32
    %dma_wait3A_139 = arith.constant 0 : i32
    %dma_wait3A_140 = tpu.memref_slice %arg7[%dma_wait3A, %dma_wait3A_116, %dma_wait3A_137, %dma_wait3A_138, %dma_wait3A_139] : memref<2x4x4x8x129xf32, #tpu.memory_space<vmem>> -> memref<1x1x4x8x128xf32, #tpu.memory_space<vmem>>
    %dma_wait3A_141 = tpu.memref_squeeze %dma_wait3A_140 : memref<1x1x4x8x128xf32, #tpu.memory_space<vmem>> -> memref<4x8x128xf32, #tpu.memory_space<vmem>>
    tpu.wait_dma2 semaphore(%dma_wait3A_131 : memref<!tpu.dma_semaphore, #tpu.memory_space<semaphore_mem>>) src(%dma_wait3A_141 : memref<4x8x128xf32, #tpu.memory_space<vmem>>) dst(%dma_wait3A_136 : memref<4x8x128xf32, #tpu.memory_space<hbm>>)
    %dma_wait3A_142 = arith.constant 0 : i32
    %dma_wait3A_143 = arith.constant 1 : i32
    %dma_wait3A_144 = arith.constant 0 : i32
    %dma_wait3A_145 = arith.constant 1 : i32
    %dma_wait3A_146 = arith.constant 0 : i32
    %dma_wait3A_147 = arith.constant 0 : i32
    %dma_wait3A_148 = arith.constant 0 : i32
    %dma_wait3A_149 = arith.constant 0 : i32
    %dma_wait3A_150 = tpu.memref_slice %arg7[%dma_wait3A_142, %dma_wait3A_143, %dma_wait3A_147, %dma_wait3A_148, %dma_wait3A_149] : memref<2x4x4x8x129xf32, #tpu.memory_space<vmem>> -> memref<1x1x4x8x128xf32, #tpu.memory_space<vmem>>
    %dma_wait3A_151 = tpu.memref_squeeze %dma_wait3A_150 : memref<1x1x4x8x128xf32, #tpu.memory_space<vmem>> -> memref<4x8x128xf32, #tpu.memory_space<vmem>>
    %dma_wait3A_152 = arith.constant 0 : i32
    %dma_wait3A_153 = arith.constant 0 : i32
    %dma_wait3A_154 = arith.constant 0 : i32
    %dma_wait3A_155 = tpu.memref_slice %arg4[%dma_wait3A_144, %dma_wait3A_152, %dma_wait3A_145, %dma_wait3A_153, %dma_wait3A_154] : memref<200x4x32x8x128xf32, #tpu.memory_space<hbm>> -> memref<1x4x1x8x128xf32, #tpu.memory_space<hbm>>
    %dma_wait3A_156 = tpu.memref_squeeze %dma_wait3A_155 : memref<1x4x1x8x128xf32, #tpu.memory_space<hbm>> -> memref<4x8x128xf32, #tpu.memory_space<hbm>>
    %dma_wait3A_157 = tpu.memref_slice %arg9[%dma_wait3A_146] : memref<2x!tpu.dma_semaphore, #tpu.memory_space<semaphore_mem>> -> memref<1x!tpu.dma_semaphore, #tpu.memory_space<semaphore_mem>>
    %dma_wait3A_158 = tpu.memref_squeeze %dma_wait3A_157 : memref<1x!tpu.dma_semaphore, #tpu.memory_space<semaphore_mem>> -> memref<!tpu.dma_semaphore, #tpu.memory_space<semaphore_mem>>
    %dma_wait3A_159 = arith.constant 0 : i32
    %dma_wait3A_160 = arith.constant 0 : i32
    %dma_wait3A_161 = arith.constant 0 : i32
    %dma_wait3A_162 = tpu.memref_slice %arg4[%dma_wait3A_144, %dma_wait3A_159, %dma_wait3A_145, %dma_wait3A_160, %dma_wait3A_161] : memref<200x4x32x8x128xf32, #tpu.memory_space<hbm>> -> memref<1x4x1x8x128xf32, #tpu.memory_space<hbm>>
    %dma_wait3A_163 = tpu.memref_squeeze %dma_wait3A_162 : memref<1x4x1x8x128xf32, #tpu.memory_space<hbm>> -> memref<4x8x128xf32, #tpu.memory_space<hbm>>
    %dma_wait3A_164 = arith.constant 0 : i32
    %dma_wait3A_165 = arith.constant 0 : i32
    %dma_wait3A_166 = arith.constant 0 : i32
    %dma_wait3A_167 = tpu.memref_slice %arg7[%dma_wait3A_142, %dma_wait3A_143, %dma_wait3A_164, %dma_wait3A_165, %dma_wait3A_166] : memref<2x4x4x8x129xf32, #tpu.memory_space<vmem>> -> memref<1x1x4x8x128xf32, #tpu.memory_space<vmem>>
    %dma_wait3A_168 = tpu.memref_squeeze %dma_wait3A_167 : memref<1x1x4x8x128xf32, #tpu.memory_space<vmem>> -> memref<4x8x128xf32, #tpu.memory_space<vmem>>
    tpu.wait_dma2 semaphore(%dma_wait3A_158 : memref<!tpu.dma_semaphore, #tpu.memory_space<semaphore_mem>>) src(%dma_wait3A_168 : memref<4x8x128xf32, #tpu.memory_space<vmem>>) dst(%dma_wait3A_163 : memref<4x8x128xf32, #tpu.memory_space<hbm>>)
    %dma_wait3A_169 = arith.constant 0 : i32
    %dma_wait3A_170 = arith.constant 2 : i32
    %dma_wait3A_171 = arith.constant 0 : i32
    %dma_wait3A_172 = arith.constant 2 : i32
    %dma_wait3A_173 = arith.constant 0 : i32
    %dma_wait3A_174 = arith.constant 0 : i32
    %dma_wait3A_175 = arith.constant 0 : i32
    %dma_wait3A_176 = arith.constant 0 : i32
    %dma_wait3A_177 = tpu.memref_slice %arg7[%dma_wait3A_169, %dma_wait3A_170, %dma_wait3A_174, %dma_wait3A_175, %dma_wait3A_176] : memref<2x4x4x8x129xf32, #tpu.memory_space<vmem>> -> memref<1x1x4x8x128xf32, #tpu.memory_space<vmem>>
    %dma_wait3A_178 = tpu.memref_squeeze %dma_wait3A_177 : memref<1x1x4x8x128xf32, #tpu.memory_space<vmem>> -> memref<4x8x128xf32, #tpu.memory_space<vmem>>
    %dma_wait3A_179 = arith.constant 0 : i32
    %dma_wait3A_180 = arith.constant 0 : i32
    %dma_wait3A_181 = arith.constant 0 : i32
    %dma_wait3A_182 = tpu.memref_slice %arg4[%dma_wait3A_171, %dma_wait3A_179, %dma_wait3A_172, %dma_wait3A_180, %dma_wait3A_181] : memref<200x4x32x8x128xf32, #tpu.memory_space<hbm>> -> memref<1x4x1x8x128xf32, #tpu.memory_space<hbm>>
    %dma_wait3A_183 = tpu.memref_squeeze %dma_wait3A_182 : memref<1x4x1x8x128xf32, #tpu.memory_space<hbm>> -> memref<4x8x128xf32, #tpu.memory_space<hbm>>
    %dma_wait3A_184 = tpu.memref_slice %arg9[%dma_wait3A_173] : memref<2x!tpu.dma_semaphore, #tpu.memory_space<semaphore_mem>> -> memref<1x!tpu.dma_semaphore, #tpu.memory_space<semaphore_mem>>
    %dma_wait3A_185 = tpu.memref_squeeze %dma_wait3A_184 : memref<1x!tpu.dma_semaphore, #tpu.memory_space<semaphore_mem>> -> memref<!tpu.dma_semaphore, #tpu.memory_space<semaphore_mem>>
    %dma_wait3A_186 = arith.constant 0 : i32
    %dma_wait3A_187 = arith.constant 0 : i32
    %dma_wait3A_188 = arith.constant 0 : i32
    %dma_wait3A_189 = tpu.memref_slice %arg4[%dma_wait3A_171, %dma_wait3A_186, %dma_wait3A_172, %dma_wait3A_187, %dma_wait3A_188] : memref<200x4x32x8x128xf32, #tpu.memory_space<hbm>> -> memref<1x4x1x8x128xf32, #tpu.memory_space<hbm>>
    %dma_wait3A_190 = tpu.memref_squeeze %dma_wait3A_189 : memref<1x4x1x8x128xf32, #tpu.memory_space<hbm>> -> memref<4x8x128xf32, #tpu.memory_space<hbm>>
    %dma_wait3A_191 = arith.constant 0 : i32
    %dma_wait3A_192 = arith.constant 0 : i32
    %dma_wait3A_193 = arith.constant 0 : i32
    %dma_wait3A_194 = tpu.memref_slice %arg7[%dma_wait3A_169, %dma_wait3A_170, %dma_wait3A_191, %dma_wait3A_192, %dma_wait3A_193] : memref<2x4x4x8x129xf32, #tpu.memory_space<vmem>> -> memref<1x1x4x8x128xf32, #tpu.memory_space<vmem>>
    %dma_wait3A_195 = tpu.memref_squeeze %dma_wait3A_194 : memref<1x1x4x8x128xf32, #tpu.memory_space<vmem>> -> memref<4x8x128xf32, #tpu.memory_space<vmem>>
    tpu.wait_dma2 semaphore(%dma_wait3A_185 : memref<!tpu.dma_semaphore, #tpu.memory_space<semaphore_mem>>) src(%dma_wait3A_195 : memref<4x8x128xf32, #tpu.memory_space<vmem>>) dst(%dma_wait3A_190 : memref<4x8x128xf32, #tpu.memory_space<hbm>>)
    %dma_wait3A_196 = arith.constant 0 : i32
    %dma_wait3A_197 = arith.constant 3 : i32
    %dma_wait3A_198 = arith.constant 0 : i32
    %dma_wait3A_199 = arith.constant 3 : i32
    %dma_wait3A_200 = arith.constant 0 : i32
    %dma_wait3A_201 = arith.constant 0 : i32
    %dma_wait3A_202 = arith.constant 0 : i32
    %dma_wait3A_203 = arith.constant 0 : i32
    %dma_wait3A_204 = tpu.memref_slice %arg7[%dma_wait3A_196, %dma_wait3A_197, %dma_wait3A_201, %dma_wait3A_202, %dma_wait3A_203] : memref<2x4x4x8x129xf32, #tpu.memory_space<vmem>> -> memref<1x1x4x8x128xf32, #tpu.memory_space<vmem>>
    %dma_wait3A_205 = tpu.memref_squeeze %dma_wait3A_204 : memref<1x1x4x8x128xf32, #tpu.memory_space<vmem>> -> memref<4x8x128xf32, #tpu.memory_space<vmem>>
    %dma_wait3A_206 = arith.constant 0 : i32
    %dma_wait3A_207 = arith.constant 0 : i32
    %dma_wait3A_208 = arith.constant 0 : i32
    %dma_wait3A_209 = tpu.memref_slice %arg4[%dma_wait3A_198, %dma_wait3A_206, %dma_wait3A_199, %dma_wait3A_207, %dma_wait3A_208] : memref<200x4x32x8x128xf32, #tpu.memory_space<hbm>> -> memref<1x4x1x8x128xf32, #tpu.memory_space<hbm>>
    %dma_wait3A_210 = tpu.memref_squeeze %dma_wait3A_209 : memref<1x4x1x8x128xf32, #tpu.memory_space<hbm>> -> memref<4x8x128xf32, #tpu.memory_space<hbm>>
    %dma_wait3A_211 = tpu.memref_slice %arg9[%dma_wait3A_200] : memref<2x!tpu.dma_semaphore, #tpu.memory_space<semaphore_mem>> -> memref<1x!tpu.dma_semaphore, #tpu.memory_space<semaphore_mem>>
    %dma_wait3A_212 = tpu.memref_squeeze %dma_wait3A_211 : memref<1x!tpu.dma_semaphore, #tpu.memory_space<semaphore_mem>> -> memref<!tpu.dma_semaphore, #tpu.memory_space<semaphore_mem>>
    %dma_wait3A_213 = arith.constant 0 : i32
    %dma_wait3A_214 = arith.constant 0 : i32
    %dma_wait3A_215 = arith.constant 0 : i32
    %dma_wait3A_216 = tpu.memref_slice %arg4[%dma_wait3A_198, %dma_wait3A_213, %dma_wait3A_199, %dma_wait3A_214, %dma_wait3A_215] : memref<200x4x32x8x128xf32, #tpu.memory_space<hbm>> -> memref<1x4x1x8x128xf32, #tpu.memory_space<hbm>>
    %dma_wait3A_217 = tpu.memref_squeeze %dma_wait3A_216 : memref<1x4x1x8x128xf32, #tpu.memory_space<hbm>> -> memref<4x8x128xf32, #tpu.memory_space<hbm>>
    %dma_wait3A_218 = arith.constant 0 : i32
    %dma_wait3A_219 = arith.constant 0 : i32
    %dma_wait3A_220 = arith.constant 0 : i32
    %dma_wait3A_221 = tpu.memref_slice %arg7[%dma_wait3A_196, %dma_wait3A_197, %dma_wait3A_218, %dma_wait3A_219, %dma_wait3A_220] : memref<2x4x4x8x129xf32, #tpu.memory_space<vmem>> -> memref<1x1x4x8x128xf32, #tpu.memory_space<vmem>>
    %dma_wait3A_222 = tpu.memref_squeeze %dma_wait3A_221 : memref<1x1x4x8x128xf32, #tpu.memory_space<vmem>> -> memref<4x8x128xf32, #tpu.memory_space<vmem>>
    tpu.wait_dma2 semaphore(%dma_wait3A_212 : memref<!tpu.dma_semaphore, #tpu.memory_space<semaphore_mem>>) src(%dma_wait3A_222 : memref<4x8x128xf32, #tpu.memory_space<vmem>>) dst(%dma_wait3A_217 : memref<4x8x128xf32, #tpu.memory_space<hbm>>)
    %dma_wait3A_223 = arith.constant 1 : i32
    %dma_wait3A_224 = arith.constant 0 : i32
    %dma_wait3A_225 = arith.constant 0 : i32
    %dma_wait3A_226 = arith.constant 0 : i32
    %dma_wait3A_227 = arith.constant 1 : i32
    %dma_wait3A_228 = arith.constant 0 : i32
    %dma_wait3A_229 = arith.constant 0 : i32
    %dma_wait3A_230 = arith.constant 0 : i32
    %dma_wait3A_231 = tpu.memref_slice %arg7[%dma_wait3A_223, %dma_wait3A_224, %dma_wait3A_228, %dma_wait3A_229, %dma_wait3A_230] : memref<2x4x4x8x129xf32, #tpu.memory_space<vmem>> -> memref<1x1x4x8x128xf32, #tpu.memory_space<vmem>>
    %dma_wait3A_232 = tpu.memref_squeeze %dma_wait3A_231 : memref<1x1x4x8x128xf32, #tpu.memory_space<vmem>> -> memref<4x8x128xf32, #tpu.memory_space<vmem>>
    %dma_wait3A_233 = arith.constant 0 : i32
    %dma_wait3A_234 = arith.constant 0 : i32
    %dma_wait3A_235 = arith.constant 0 : i32
    %dma_wait3A_236 = tpu.memref_slice %arg4[%dma_wait3A_225, %dma_wait3A_233, %dma_wait3A_226, %dma_wait3A_234, %dma_wait3A_235] : memref<200x4x32x8x128xf32, #tpu.memory_space<hbm>> -> memref<1x4x1x8x128xf32, #tpu.memory_space<hbm>>
    %dma_wait3A_237 = tpu.memref_squeeze %dma_wait3A_236 : memref<1x4x1x8x128xf32, #tpu.memory_space<hbm>> -> memref<4x8x128xf32, #tpu.memory_space<hbm>>
    %dma_wait3A_238 = tpu.memref_slice %arg9[%dma_wait3A_227] : memref<2x!tpu.dma_semaphore, #tpu.memory_space<semaphore_mem>> -> memref<1x!tpu.dma_semaphore, #tpu.memory_space<semaphore_mem>>
    %dma_wait3A_239 = tpu.memref_squeeze %dma_wait3A_238 : memref<1x!tpu.dma_semaphore, #tpu.memory_space<semaphore_mem>> -> memref<!tpu.dma_semaphore, #tpu.memory_space<semaphore_mem>>
    %dma_wait3A_240 = arith.constant 0 : i32
    %dma_wait3A_241 = arith.constant 0 : i32
    %dma_wait3A_242 = arith.constant 0 : i32
    %dma_wait3A_243 = tpu.memref_slice %arg4[%dma_wait3A_225, %dma_wait3A_240, %dma_wait3A_226, %dma_wait3A_241, %dma_wait3A_242] : memref<200x4x32x8x128xf32, #tpu.memory_space<hbm>> -> memref<1x4x1x8x128xf32, #tpu.memory_space<hbm>>
    %dma_wait3A_244 = tpu.memref_squeeze %dma_wait3A_243 : memref<1x4x1x8x128xf32, #tpu.memory_space<hbm>> -> memref<4x8x128xf32, #tpu.memory_space<hbm>>
    %dma_wait3A_245 = arith.constant 0 : i32
    %dma_wait3A_246 = arith.constant 0 : i32
    %dma_wait3A_247 = arith.constant 0 : i32
    %dma_wait3A_248 = tpu.memref_slice %arg7[%dma_wait3A_223, %dma_wait3A_224, %dma_wait3A_245, %dma_wait3A_246, %dma_wait3A_247] : memref<2x4x4x8x129xf32, #tpu.memory_space<vmem>> -> memref<1x1x4x8x128xf32, #tpu.memory_space<vmem>>
    %dma_wait3A_249 = tpu.memref_squeeze %dma_wait3A_248 : memref<1x1x4x8x128xf32, #tpu.memory_space<vmem>> -> memref<4x8x128xf32, #tpu.memory_space<vmem>>
    tpu.wait_dma2 semaphore(%dma_wait3A_239 : memref<!tpu.dma_semaphore, #tpu.memory_space<semaphore_mem>>) src(%dma_wait3A_249 : memref<4x8x128xf32, #tpu.memory_space<vmem>>) dst(%dma_wait3A_244 : memref<4x8x128xf32, #tpu.memory_space<hbm>>)
    %dma_wait3A_250 = arith.constant 1 : i32
    %dma_wait3A_251 = arith.constant 1 : i32
    %dma_wait3A_252 = arith.constant 0 : i32
    %dma_wait3A_253 = arith.constant 1 : i32
    %dma_wait3A_254 = arith.constant 1 : i32
    %dma_wait3A_255 = arith.constant 0 : i32
    %dma_wait3A_256 = arith.constant 0 : i32
    %dma_wait3A_257 = arith.constant 0 : i32
    %dma_wait3A_258 = tpu.memref_slice %arg7[%dma_wait3A_250, %dma_wait3A_251, %dma_wait3A_255, %dma_wait3A_256, %dma_wait3A_257] : memref<2x4x4x8x129xf32, #tpu.memory_space<vmem>> -> memref<1x1x4x8x128xf32, #tpu.memory_space<vmem>>
    %dma_wait3A_259 = tpu.memref_squeeze %dma_wait3A_258 : memref<1x1x4x8x128xf32, #tpu.memory_space<vmem>> -> memref<4x8x128xf32, #tpu.memory_space<vmem>>
    %dma_wait3A_260 = arith.constant 0 : i32
    %dma_wait3A_261 = arith.constant 0 : i32
    %dma_wait3A_262 = arith.constant 0 : i32
    %dma_wait3A_263 = tpu.memref_slice %arg4[%dma_wait3A_252, %dma_wait3A_260, %dma_wait3A_253, %dma_wait3A_261, %dma_wait3A_262] : memref<200x4x32x8x128xf32, #tpu.memory_space<hbm>> -> memref<1x4x1x8x128xf32, #tpu.memory_space<hbm>>
    %dma_wait3A_264 = tpu.memref_squeeze %dma_wait3A_263 : memref<1x4x1x8x128xf32, #tpu.memory_space<hbm>> -> memref<4x8x128xf32, #tpu.memory_space<hbm>>
    %dma_wait3A_265 = tpu.memref_slice %arg9[%dma_wait3A_254] : memref<2x!tpu.dma_semaphore, #tpu.memory_space<semaphore_mem>> -> memref<1x!tpu.dma_semaphore, #tpu.memory_space<semaphore_mem>>
    %dma_wait3A_266 = tpu.memref_squeeze %dma_wait3A_265 : memref<1x!tpu.dma_semaphore, #tpu.memory_space<semaphore_mem>> -> memref<!tpu.dma_semaphore, #tpu.memory_space<semaphore_mem>>
    %dma_wait3A_267 = arith.constant 0 : i32
    %dma_wait3A_268 = arith.constant 0 : i32
    %dma_wait3A_269 = arith.constant 0 : i32
    %dma_wait3A_270 = tpu.memref_slice %arg4[%dma_wait3A_252, %dma_wait3A_267, %dma_wait3A_253, %dma_wait3A_268, %dma_wait3A_269] : memref<200x4x32x8x128xf32, #tpu.memory_space<hbm>> -> memref<1x4x1x8x128xf32, #tpu.memory_space<hbm>>
    %dma_wait3A_271 = tpu.memref_squeeze %dma_wait3A_270 : memref<1x4x1x8x128xf32, #tpu.memory_space<hbm>> -> memref<4x8x128xf32, #tpu.memory_space<hbm>>
    %dma_wait3A_272 = arith.constant 0 : i32
    %dma_wait3A_273 = arith.constant 0 : i32
    %dma_wait3A_274 = arith.constant 0 : i32
    %dma_wait3A_275 = tpu.memref_slice %arg7[%dma_wait3A_250, %dma_wait3A_251, %dma_wait3A_272, %dma_wait3A_273, %dma_wait3A_274] : memref<2x4x4x8x129xf32, #tpu.memory_space<vmem>> -> memref<1x1x4x8x128xf32, #tpu.memory_space<vmem>>
    %dma_wait3A_276 = tpu.memref_squeeze %dma_wait3A_275 : memref<1x1x4x8x128xf32, #tpu.memory_space<vmem>> -> memref<4x8x128xf32, #tpu.memory_space<vmem>>
    tpu.wait_dma2 semaphore(%dma_wait3A_266 : memref<!tpu.dma_semaphore, #tpu.memory_space<semaphore_mem>>) src(%dma_wait3A_276 : memref<4x8x128xf32, #tpu.memory_space<vmem>>) dst(%dma_wait3A_271 : memref<4x8x128xf32, #tpu.memory_space<hbm>>)
    %dma_wait3A_277 = arith.constant 1 : i32
    %dma_wait3A_278 = arith.constant 2 : i32
    %dma_wait3A_279 = arith.constant 0 : i32
    %dma_wait3A_280 = arith.constant 2 : i32
    %dma_wait3A_281 = arith.constant 1 : i32
    %dma_wait3A_282 = arith.constant 0 : i32
    %dma_wait3A_283 = arith.constant 0 : i32
    %dma_wait3A_284 = arith.constant 0 : i32
    %dma_wait3A_285 = tpu.memref_slice %arg7[%dma_wait3A_277, %dma_wait3A_278, %dma_wait3A_282, %dma_wait3A_283, %dma_wait3A_284] : memref<2x4x4x8x129xf32, #tpu.memory_space<vmem>> -> memref<1x1x4x8x128xf32, #tpu.memory_space<vmem>>
    %dma_wait3A_286 = tpu.memref_squeeze %dma_wait3A_285 : memref<1x1x4x8x128xf32, #tpu.memory_space<vmem>> -> memref<4x8x128xf32, #tpu.memory_space<vmem>>
    %dma_wait3A_287 = arith.constant 0 : i32
    %dma_wait3A_288 = arith.constant 0 : i32
    %dma_wait3A_289 = arith.constant 0 : i32
    %dma_wait3A_290 = tpu.memref_slice %arg4[%dma_wait3A_279, %dma_wait3A_287, %dma_wait3A_280, %dma_wait3A_288, %dma_wait3A_289] : memref<200x4x32x8x128xf32, #tpu.memory_space<hbm>> -> memref<1x4x1x8x128xf32, #tpu.memory_space<hbm>>
    %dma_wait3A_291 = tpu.memref_squeeze %dma_wait3A_290 : memref<1x4x1x8x128xf32, #tpu.memory_space<hbm>> -> memref<4x8x128xf32, #tpu.memory_space<hbm>>
    %dma_wait3A_292 = tpu.memref_slice %arg9[%dma_wait3A_281] : memref<2x!tpu.dma_semaphore, #tpu.memory_space<semaphore_mem>> -> memref<1x!tpu.dma_semaphore, #tpu.memory_space<semaphore_mem>>
    %dma_wait3A_293 = tpu.memref_squeeze %dma_wait3A_292 : memref<1x!tpu.dma_semaphore, #tpu.memory_space<semaphore_mem>> -> memref<!tpu.dma_semaphore, #tpu.memory_space<semaphore_mem>>
    %dma_wait3A_294 = arith.constant 0 : i32
    %dma_wait3A_295 = arith.constant 0 : i32
    %dma_wait3A_296 = arith.constant 0 : i32
    %dma_wait3A_297 = tpu.memref_slice %arg4[%dma_wait3A_279, %dma_wait3A_294, %dma_wait3A_280, %dma_wait3A_295, %dma_wait3A_296] : memref<200x4x32x8x128xf32, #tpu.memory_space<hbm>> -> memref<1x4x1x8x128xf32, #tpu.memory_space<hbm>>
    %dma_wait3A_298 = tpu.memref_squeeze %dma_wait3A_297 : memref<1x4x1x8x128xf32, #tpu.memory_space<hbm>> -> memref<4x8x128xf32, #tpu.memory_space<hbm>>
    %dma_wait3A_299 = arith.constant 0 : i32
    %dma_wait3A_300 = arith.constant 0 : i32
    %dma_wait3A_301 = arith.constant 0 : i32
    %dma_wait3A_302 = tpu.memref_slice %arg7[%dma_wait3A_277, %dma_wait3A_278, %dma_wait3A_299, %dma_wait3A_300, %dma_wait3A_301] : memref<2x4x4x8x129xf32, #tpu.memory_space<vmem>> -> memref<1x1x4x8x128xf32, #tpu.memory_space<vmem>>
    %dma_wait3A_303 = tpu.memref_squeeze %dma_wait3A_302 : memref<1x1x4x8x128xf32, #tpu.memory_space<vmem>> -> memref<4x8x128xf32, #tpu.memory_space<vmem>>
    tpu.wait_dma2 semaphore(%dma_wait3A_293 : memref<!tpu.dma_semaphore, #tpu.memory_space<semaphore_mem>>) src(%dma_wait3A_303 : memref<4x8x128xf32, #tpu.memory_space<vmem>>) dst(%dma_wait3A_298 : memref<4x8x128xf32, #tpu.memory_space<hbm>>)
    %dma_wait3A_304 = arith.constant 1 : i32
    %dma_wait3A_305 = arith.constant 3 : i32
    %dma_wait3A_306 = arith.constant 0 : i32
    %dma_wait3A_307 = arith.constant 3 : i32
    %dma_wait3A_308 = arith.constant 1 : i32
    %dma_wait3A_309 = arith.constant 0 : i32
    %dma_wait3A_310 = arith.constant 0 : i32
    %dma_wait3A_311 = arith.constant 0 : i32
    %dma_wait3A_312 = tpu.memref_slice %arg7[%dma_wait3A_304, %dma_wait3A_305, %dma_wait3A_309, %dma_wait3A_310, %dma_wait3A_311] : memref<2x4x4x8x129xf32, #tpu.memory_space<vmem>> -> memref<1x1x4x8x128xf32, #tpu.memory_space<vmem>>
    %dma_wait3A_313 = tpu.memref_squeeze %dma_wait3A_312 : memref<1x1x4x8x128xf32, #tpu.memory_space<vmem>> -> memref<4x8x128xf32, #tpu.memory_space<vmem>>
    %dma_wait3A_314 = arith.constant 0 : i32
    %dma_wait3A_315 = arith.constant 0 : i32
    %dma_wait3A_316 = arith.constant 0 : i32
    %dma_wait3A_317 = tpu.memref_slice %arg4[%dma_wait3A_306, %dma_wait3A_314, %dma_wait3A_307, %dma_wait3A_315, %dma_wait3A_316] : memref<200x4x32x8x128xf32, #tpu.memory_space<hbm>> -> memref<1x4x1x8x128xf32, #tpu.memory_space<hbm>>
    %dma_wait3A_318 = tpu.memref_squeeze %dma_wait3A_317 : memref<1x4x1x8x128xf32, #tpu.memory_space<hbm>> -> memref<4x8x128xf32, #tpu.memory_space<hbm>>
    %dma_wait3A_319 = tpu.memref_slice %arg9[%dma_wait3A_308] : memref<2x!tpu.dma_semaphore, #tpu.memory_space<semaphore_mem>> -> memref<1x!tpu.dma_semaphore, #tpu.memory_space<semaphore_mem>>
    %dma_wait3A_320 = tpu.memref_squeeze %dma_wait3A_319 : memref<1x!tpu.dma_semaphore, #tpu.memory_space<semaphore_mem>> -> memref<!tpu.dma_semaphore, #tpu.memory_space<semaphore_mem>>
    %dma_wait3A_321 = arith.constant 0 : i32
    %dma_wait3A_322 = arith.constant 0 : i32
    %dma_wait3A_323 = arith.constant 0 : i32
    %dma_wait3A_324 = tpu.memref_slice %arg4[%dma_wait3A_306, %dma_wait3A_321, %dma_wait3A_307, %dma_wait3A_322, %dma_wait3A_323] : memref<200x4x32x8x128xf32, #tpu.memory_space<hbm>> -> memref<1x4x1x8x128xf32, #tpu.memory_space<hbm>>
    %dma_wait3A_325 = tpu.memref_squeeze %dma_wait3A_324 : memref<1x4x1x8x128xf32, #tpu.memory_space<hbm>> -> memref<4x8x128xf32, #tpu.memory_space<hbm>>
    %dma_wait3A_326 = arith.constant 0 : i32
    %dma_wait3A_327 = arith.constant 0 : i32
    %dma_wait3A_328 = arith.constant 0 : i32
    %dma_wait3A_329 = tpu.memref_slice %arg7[%dma_wait3A_304, %dma_wait3A_305, %dma_wait3A_326, %dma_wait3A_327, %dma_wait3A_328] : memref<2x4x4x8x129xf32, #tpu.memory_space<vmem>> -> memref<1x1x4x8x128xf32, #tpu.memory_space<vmem>>
    %dma_wait3A_330 = tpu.memref_squeeze %dma_wait3A_329 : memref<1x1x4x8x128xf32, #tpu.memory_space<vmem>> -> memref<4x8x128xf32, #tpu.memory_space<vmem>>
    tpu.wait_dma2 semaphore(%dma_wait3A_320 : memref<!tpu.dma_semaphore, #tpu.memory_space<semaphore_mem>>) src(%dma_wait3A_330 : memref<4x8x128xf32, #tpu.memory_space<vmem>>) dst(%dma_wait3A_325 : memref<4x8x128xf32, #tpu.memory_space<hbm>>)
    return
  }
}

</mosaic_0001>

<sc_bundles>
// kernel: kernel.3.cloned.1.call-start
scs
__scs_entry_jumppad:
0x0: {  	(pc) =	sbr.rel $0x88, $3  }
0x1: {  	(tag) =	ssettag $0x0;
	lr =	simm.s32 $0x1  }
0x2: {  	[smem:$0x3F9F] =	sst lr;
	_ =	strace $0xD0000000  }
0x3: {  	_ = 	snop  }
0x4: {  	_ = 	snop  }
0x5: {  	_ = 	snop  }
0x6: {  	_ = 	snop  }
0x7: {  	_ = 	snop  }
__scs_overlays_trampoline_lowered:
0x8: {  	[smem:$0x3FAE] =	sst s0  }
0x9: {  	[smem:$0x3FAF] =	sst s1  }
0xa: {  	[smem:$0x3FB0] =	sst s2  }
0xb: {  	[smem:$0x3FB1] =	sst s3  }
0xc: {  	[smem:$0x3FB2] =	sst s4  }
0xd: {  	[smem:$0x3FB3] =	sst s5  }
0xe: {  	[smem:$0x3FB4] =	sst s6  }
0xf: {  	[smem:$0x3FB5] =	sst s7  }
0x10: {  	[smem:$0x3FB6] =	sst s8  }
0x11: {  	[smem:$0x3FB7] =	sst s9;
	s0 =	simm.s32 @!p0 $0x0  }
0x12: {  	s1 =	sld [smem:$0x3F9D];
	s0 =	simm.s32 @p0 $0x1  }
0x13: {  	[smem:$0x3FB8] =	sst s0;
	s0 =	simm.s32 @!p1 $0x0  }
0x14: {  	s2 =	sld [smem:$0x3F9C];
	s0 =	simm.s32 @p1 $0x1  }
0x15: {  	[smem:$0x3FB9] =	sst s0;
	s0 =	simm.s32 @!p2 $0x0  }
0x16: {  	s3 =	sld [smem:$0x3FDB];
	s0 =	simm.s32 @p2 $0x1  }
0x17: {  	s4 =	simm.s32 $0x1BF5;
	[smem:$0x3FBB] =	sst s0  }
0x18: {  	s0 =	sld [smem:$0x3F9E];
	_ =	swait.ge [sflag:s4], $0x0  }
0x19: {  	s7 =	sld [smem:$0x3F9F]  }
0x1a: {  	s8 =	sadd.s32 $0xFFFFE003, lr  }
0x1b: {  	s9 =	sadd.s32 $0xFFFFFEF7, lr;
	s5 =	simm.s32 $0xFFFFFFFF;
	p2 =	slt.u32 s8, $0xFFFFF086  }
0x1c: {  	p1 =	slt.u32 s9, $0xF7A;
	s5 =	simm.s32 @!p2 $0x0  }
0x1d: {  	s5 =	simm.s32 @p1 $0x1;
	p0 =	seq.s32 s7, s2  }
0x1e: {  	s7 =	smul.u32 @!p0 $0xF7A, s2;
	p2 =	seq.s32 @!p0 s5, $0x0  }
0x1f: {  	s9 =	smul.u32 $0xF7A, s1;
	s8 =	simm.s32 @!p0 $0x1BF5;
	p2 =	por !p2, p0  }
0x20: {  	[sflag:s8] =	ssyncset.s32 @!p0 $0xFFFFF086;
	s6 =	sadd.s32 @!p0 s3, s7;
	s7 =	simm.s32 @!p0 $0x108  }
0x21: {  	s3 =	sadd.s32 s3, s9;
	s6 =	sadd.s32 @!p0 $0x88, s6;
	s7 =	simm.s32 @p2 $0x1082  }
0x22: {  	[simem:s7], [sflag:s8] =	dma.local @!p0 [hbm:s6], $0xF7A  }
0x23: {  	s9 =	sor.u32 $0xD0000000, s2;
	s6 =	simm.s32 $0x108;
	_ =	swait.ge @!p0 [sflag:s8], $0x0  }
0x24: {  	s3 =	sadd.s32 $0x88, s3;
	s6 =	simm.s32 @!p1 $0x1082;
	[sflag:s4] =	ssyncset.s32 $0xFFFFF086  }
0x25: {  	[simem:s6], [sflag:s4] =	dma.local [hbm:s3], $0xF7A  }
0x26: {  	[smem:$0x3F9F] =	sst s1;
	(tag) =	ssettag s2;
	_ =	strace s9  }
0x27: {  	s1 =	sld [smem:$0x3FAF]  }
0x28: {  	s2 =	sld [smem:$0x3FB0]  }
0x29: {  	s4 =	sld [smem:$0x3FB2]  }
0x2a: {  	p0 =	seq.s32 s5, $0x0;
	s5 =	sld [smem:$0x3FB3]  }
0x2b: {  	s6 =	sld [smem:$0x3FB4]  }
0x2c: {  	s7 =	sld [smem:$0x3FB5]  }
0x2d: {  	s3 =	simm.s32 $0x108;
	s8 =	sld [smem:$0x3FB6]  }
0x2e: {  	s3 =	simm.s32 @!p0 $0x1082;
	s9 =	sld [smem:$0x3FB7]  }
0x2f: {  	lr =	sadd.s32 s0, s3;
	s0 =	sld [smem:$0x3FAE]  }
0x30: {  	s3 =	sld [smem:$0x3FB1]  }
0x31: {  	[smem:$0x3FBA] =	sst s10  }
0x32: {  	s10 =	sld [smem:$0x3FB8];
	_ =	sdelay $0x3  }
0x33: {  	p0 =	seq.s32 s10, $0x1;
	s10 =	sld [smem:$0x3FBA];
	_ =	sdelay $0x3  }
0x34: {  	[smem:$0x3FBA] =	sst s10  }
0x35: {  	s10 =	sld [smem:$0x3FB9];
	_ =	sdelay $0x3  }
0x36: {  	p1 =	seq.s32 s10, $0x1;
	s10 =	sld [smem:$0x3FBA];
	_ =	sdelay $0x3  }
0x37: {  	[smem:$0x3FBA] =	sst s10  }
0x38: {  	s10 =	sld [smem:$0x3FBB]  }
0x39: {  	_ = 	snop;
	(pc) =	sbr.ind lr, $3  }
0x3a: {  	_ = 	snop  }
0x3b: {  	_ = 	snop  }
0x3c: {  	p2 =	seq.s32 s10, $0x1;
	s10 =	sld [smem:$0x3FBA]  }
0x3d: {  	_ =	shalt  }
0x3e: {  	_ =	shalt  }
0x3f: {  	_ =	shalt  }
0x40: {  	_ =	shalt  }
0x41: {  	_ =	shalt  }
0x42: {  	_ =	shalt  }
0x43: {  	_ =	shalt  }
0x44: {  	_ =	shalt  }
0x45: {  	_ =	shalt  }
0x46: {  	_ =	shalt  }
0x47: {  	_ =	shalt  }
0x48: {  	_ =	shalt  }
0x49: {  	_ =	shalt  }
0x4a: {  	_ =	shalt  }
0x4b: {  	_ =	shalt  }
0x4c: {  	_ =	shalt  }
0x4d: {  	_ =	shalt  }
0x4e: {  	_ =	shalt  }
0x4f: {  	_ =	shalt  }
0x50: {  	_ =	shalt  }
0x51: {  	_ =	shalt  }
0x52: {  	_ =	shalt  }
0x53: {  	_ =	shalt  }
0x54: {  	_ =	shalt  }
0x55: {  	_ =	shalt  }
0x56: {  	_ =	shalt  }
0x57: {  	_ =	shalt  }
0x58: {  	_ =	shalt  }
0x59: {  	_ =	shalt  }
0x5a: {  	_ =	shalt  }
0x5b: {  	_ =	shalt  }
0x5c: {  	_ =	shalt  }
0x5d: {  	_ =	shalt  }
0x5e: {  	_ =	shalt  }
0x5f: {  	_ =	shalt  }
0x60: {  	_ =	shalt  }
0x61: {  	_ =	shalt  }
0x62: {  	_ =	shalt  }
0x63: {  	_ =	shalt  }
0x64: {  	_ =	shalt  }
0x65: {  	_ =	shalt  }
0x66: {  	_ =	shalt  }
0x67: {  	_ =	shalt  }
0x68: {  	_ =	shalt  }
0x69: {  	_ =	shalt  }
0x6a: {  	_ =	shalt  }
0x6b: {  	_ =	shalt  }
0x6c: {  	_ =	shalt  }
0x6d: {  	_ =	shalt  }
0x6e: {  	_ =	shalt  }
0x6f: {  	_ =	shalt  }
0x70: {  	_ =	shalt  }
0x71: {  	_ =	shalt  }
0x72: {  	_ =	shalt  }
0x73: {  	_ =	shalt  }
0x74: {  	_ =	shalt  }
0x75: {  	_ =	shalt  }
0x76: {  	_ =	shalt  }
0x77: {  	_ =	shalt  }
0x78: {  	_ =	shalt  }
0x79: {  	_ =	shalt  }
0x7a: {  	_ =	shalt  }
0x7b: {  	_ =	shalt  }
0x7c: {  	_ =	shalt  }
0x7d: {  	_ =	shalt  }
0x7e: {  	_ =	shalt  }
0x7f: {  	_ =	shalt  }
0x80: {  	_ =	shalt  }
0x81: {  	_ =	shalt  }
0x82: {  	_ =	shalt  }
0x83: {  	_ =	shalt  }
0x84: {  	_ =	shalt  }
0x85: {  	_ =	shalt  }
0x86: {  	_ =	shalt  }
0x87: {  	_ =	shalt  }
.Lfunc_end0:
.L_simem_size_0:
called_computation_lowered:
.L_overlay_start_0:
0x88: {  	s2 =	sld [smem:$0x3FD9]  }
0x89: {  	s3 =	sld [smem:$0x3FFE];
	_ =	sdelay $0x1  }
0x8a: {  	s1 =	srdreg.scid  }
0x8b: {  	s0 =	sand.u32 $0x1, s1  }
0x8c: {  	s17 =	sshll.u32 s0, $0xA;
	s2 =	sadd.s32 s3, s2  }
0x8d: {  	s2 =	sadd.s32 s2, s17  }
0x8e: {  	[smem:$0x3FC6] =	sst s2  }
0x8f: {  	_ = 	snop  }
0x90: {  	s2 =	sld [smem:$0x3FD0];
	(tm) =	ssettm $0x1  }
0x91: {  	s18 =	sld [smem:$0x3FFB];
	_ =	sdelay $0x3  }
0x92: {  	_ =	strace s18  }
0x93: {  	s3 =	sld [smem:$0x3FFC];
	_ =	sdelay $0x3  }
0x94: {  	_ =	strace s3  }
0x95: {  	s3 =	sld [smem:$0x3FFD];
	_ =	sdelay $0x3  }
0x96: {  	_ =	strace s3  }
0x97: {  	_ =	strace $0x8FFFFFFF  }
0x98: {  	s19 =	sld [smem:$0x3FDB];
	_ =	sdelay $0x1  }
0x99: {  	s4 =	simm.s32 $_scs_section_size  }
0x9a: {  	s5 =	simm.s32 $_size__tile_overlayer_lowered;
	s6 =	simm.s32 $_tile_overlayer_lowered  }
0x9b: {  	s22 =	simm.s32 $0x1BFF;
	s21 =	sshll.u32 s6, $0x1;
	s3 =	sadd.s32 s4, s19  }
0x9c: {  	s7 =	simm.s32 $0x0;
	s20 =	sshll.u32 s5, $0x1;
	s5 =	sadd.s32 s21, s3  }
0x9d: {  	[timem:s7], [sflag:s22] =	dma.local [hbm:s5], s20  }
0x9e: {  	_ =	swait.ge [sflag:s22], s20  }
0x9f: {  	s4 =	ssub.s32 $0x0, s20;
	[sflag:s22] =	ssyncset.done $0x0  }
0xa0: {  	[sflag:s22] =	ssyncadd.s32 s4;
	_ =	sdelay $0x1  }
0xa1: {  	s23 =	simm.s32 $0x1B8B  }
0xa2: {  	_ =	swait.ge [sflag:s23], $0x1  }
0xa3: {  	[sflag:s23] =	ssyncset.done $0x0  }
0xa4: {  	s25 =	simm.s32 $0x1B8E;
	s24 =	sld [smem:$0x3FFE];
	[sflag:s23] =	ssyncadd.s32 $0xFFFFFFFF  }
0xa5: {  	s26 =	simm.s32 $execute0_lowered;
	[smem:$0x3FD2] =	sst s25  }
0xa6: {  	s5 =	sshll.u32 s26, $0x1;
	_ =	strace $0x80000046;
	[dreg:$0x1] =	wrdreg $0xFFFFFFFF  }
0xa7: {  	s28 =	simm.s32 $_size_execute0_lowered;
	s3 =	sadd.s32 s3, s5;
	[dreg:$0x0] =	wrdreg $0x0  }
0xa8: {  	s5 =	sshll.u32 s28, $0x1;
	[dreg:$0x2] =	wrdreg s3  }
0xa9: {  	[dreg:$0x3] =	wrdreg s5  }
0xaa: {  	[dreg:$0x4] =	wrdreg $0xC0  }
0xab: {  	_ =	task [dreg:s7], $0x5FFFF  }
0xac: {  	[dreg:$0x1] =	wrdreg $0xFFFFFFFF  }
0xad: {  	[dreg:$0x0] =	wrdreg $0x60  }
0xae: {  	[dreg:$0x2] =	wrdreg s24  }
0xaf: {  	[dreg:$0x3] =	wrdreg s2  }
0xb0: {  	[dreg:$0x4] =	wrdreg $0x9  }
0xb1: {  	_ =	task.clear_ibuf [dreg:s7], $0x5FFFF;
	_ =	strace $0x90000046  }
0xb2: {  	s29 =	simm.s32 $0x9;
	_ =	strace $0x80000048  }
0xb3: {  	_ =	swait.ge [sflag:s29], $0x1  }
0xb4: {  	[sflag:s29] =	ssyncadd.s32 $0xFFFFFFFF  }
0xb5: {  	_ =	strace $0x90000048  }
0xb6: {  	_ =	sfence  }
0xb7: {  	s30 =	sld [smem:$0x0];
	_ =	sdelay $0x2  }
0xb8: {  	s31 =	sshll.u32 s1, $0xD;
	s1 =	sshrl.u32 s1, $0x2  }
0xb9: {  	s3 =	sand.u32 $0x4000, s31;
	s1 =	sadd.s32 s1, s30  }
0xba: {  	s0 =	sor.u32 s3, s0;
	s1 =	sshll.u32 s1, $0x11  }
0xbb: {  	s0 =	sor.u32 s1, s0  }
0xbc: {  	s0 =	sadd.s32 $0x8F2B, s0  }
0xbd: {  	[sflag:s0] =	ssyncadd.remote.s32 $0x1  }
0xbe: {  	_ =	sfence.sel $0xFFFF  }
0xbf: {  	[dreg:$0x0] =	wrdreg $0xFFFFFFFF;
	(pc) =	sbr.abs _section_cstart, $3  }
0xc0: {  	[dreg:$0x1] =	wrdreg $0xFFFFFFFF  }
0xc1: {  	_ =	task.clear_ibuf [dreg:s7], $0x2FFFF;
	_ =	strace $0x9FFFFFFF  }
0xc2: {  	(tm) =	ssettm $0x7FFFFFFF  }
0xc3: {  	_ =	shalt  }
tec
execute0_lowered:
.L_overlay_start_1:
0x0: {  	(tag) =	ssettag $0x1  }
0x1: {  	s0 =	stileid.u32  }
0x2: {  	s4 =	rddreg [dreg:$0x0];
	s1 =	srdreg.scid  }
0x3: {  	s3 =	simm.s32 $0x0;
	s10 =	simm.s32 $0x1000;
	s11 =	simm.s32 $0x5  }
0x4: {  	s12 =	simm.s32 $0x6400;
	s13 =	simm.s32 $0x3;
	s14 =	simm.s32 $0x4  }
0x5: {  	v0 =	vlaneseq.u32;
	s15 =	simm.s32 $0x0;
	s2 =	sshll.u32 s0, $0x1;
	s5 =	sand.u32 $0x1, s1  }
0x6: {  	v1 =	vimm.s32 $0x0;
	vm0 =	vcmask $0x300;
	s6 =	sshrl.u32 s0, $0x2;
	s1 =	rddreg [dreg:$0x2];
	v0 =	vmul.u32 $0x88, v0;
	s30 =	sand.u32 $0x6, s2  }
0x7: {  	[smem:$0x7FF] =	sst s3;
	v1 =	vsel vm0, $0x3, v1;
	s8 =	smul.u32 $0x32000, s6;
	s7 =	sor.u32 s5, s30  }
0x8: {  	s2 =	rddreg [dreg:$0x1];
	s5 =	ssub.s32 $0x2, s5;
	v2 =	vadd.s32 $0x880, v0;
	v3 =	vor.u32 $0x1, v0;
	v4 =	vadd.s32 $0x881, v0;
	s9 =	sshll.u32 s7, $0x9  }
0x9: {  	_ =	strace $0x80000047;
	v5 =	vor.u32 $0x2, v0;
	v6 =	vadd.s32 $0x882, v0;
	v7 =	vor.u32 $0x3, v0;
	s31 =	sshrl.u32 s5, $0x1;
	s8 =	sor.u32 s8, s9  }
0xa: {  	v8 =	vadd.s32 $0x883, v0;
	v9 =	vor.u32 $0x4, v0;
	v10 =	vadd.s32 $0x884, v0;
	s9 =	ssub.s32 s5, s31;
	s5 =	smul.u32 $0x32, s6;
	s8 =	sshrl.u32 s8, $0x3  }
0xb: {  	v11 =	vor.u32 $0x5, v0;
	v12 =	vadd.s32 $0x885, v0;
	v13 =	vor.u32 $0x6, v0;
	s6 =	sshll.u32 s7, $0xC;
	s8 =	sadd.s32 s8, s4;
	s4 =	sadd.s32 $0xF42800, s4  }
0xc: {  	v14 =	vadd.s32 $0x886, v0;
	v15 =	vor.u32 $0x7, v0;
	v16 =	vadd.s32 $0x887, v0;
	s7 =	sadd.s32 $0x400, s8;
	s8 =	smax.u32 s9, $0x1;
	s9 =	simm.s32 $0x200  }
.LBB2_1:
0xd: {  	[tilespmem:s3], [sflag:$0x5] =	stream.strided.gather [hbm4b:s7+s9], $0x6400, s10, s9, $0x38;
	[tilespmem:$0x16C00] =	vst v63  }
0xe: {  	_ =	swait.ge [sflag:s11], $0x6400  }
0xf: {  	[sflag:s11] =	ssyncset.done $0x0  }
0x10: {  	p0 =	por $0x0, $0x0;
	s16 =	simm.s32 $0x0;
	[sflag:s11] =	ssyncadd.s32 $0xFFFF9C00  }
0x11: {  	[tilespmem:s12], [sflag:$0x1] =	stream.indirect.gather [hbm4b:s4+s9], $0x20, s3, s9, $0xb8;
	[tilespmem:$0x16C00] =	vst v63  }
.LBB2_2:
0x12: {  	s18 =	sand.u32 $0x1, s16;
	p1 =	sgt.u32 s16, $0x30  }
0x13: {  	s17 =	sxor.u32 @!p1 $0x1, s18;
	s20 =	sshll.u32 @!p1 s16, $0x9;
	s21 =	simm.s32 @!p1 $0x200  }
0x14: {  	s29 =	sadd.s32 $0x1, s18;
	s19 =	sshll.u32 @!p1 s17, $0xE;
	s20 =	sand.u32 @!p1 $0x3FFFFE00, s20  }
0x15: {  	s17 =	sadd.s32 @!p1 $0x1, s17;
	s19 =	sadd.s32 @!p1 $0x6400, s19;
	s20 =	sadd.s32 @!p1 $0x200, s20  }
0x16: {  	[tilespmem:s19], [sflag:s17] =	stream.indirect.gather @!p1 [hbm4b:s4+s21], $0x20, s20, s21, $0xb8;
	[tilespmem:$0x16C00] =	vst v63  }
0x17: {  	_ =	swait.ge [sflag:s29], $0x4000  }
0x18: {  	p1 =	slt.u32 s16, $0x2;
	[sflag:s29] =	ssyncset.done $0x0  }
0x19: {  	s19 =	sadd.s32 @!p1 $0x3, s18;
	[sflag:s29] =	ssyncadd.s32 $0xFFFFC000  }
0x1a: {  	_ =	swait.ge @!p1 [sflag:s19], $0x1000  }
0x1b: {  	[sflag:s19] =	ssyncset.done @!p1 $0x0  }
0x1c: {  	[sflag:s19] =	ssyncadd.s32 @!p1 $0xFFFFF000  }
0x1d: {  	_ =	swait.ge @!p1 [sflag:s19], $0x1000  }
0x1e: {  	[sflag:s19] =	ssyncset.done @!p1 $0x0  }
0x1f: {  	[sflag:s19] =	ssyncadd.s32 @!p1 $0xFFFFF000  }
0x20: {  	s30 =	simm.s32 $0x0;
	_ =	swait.ge @!p1 [sflag:s19], $0x1000  }
0x21: {  	v17 =	vmov s30;
	[sflag:s19] =	ssyncset.done @!p1 $0x0  }
0x22: {  	v17 =	vshrl.u32 v17, $0x3;
	s17 =	simm.s32 $0x1;
	[sflag:s19] =	ssyncadd.s32 @!p1 $0xFFFFF000  }
0x23: {  	v17 =	vshll.u32 v17, v1;
	s17 =	simm.s32 @!p0 $0x0;
	_ =	swait.ge @!p1 [sflag:s19], $0x1000  }
0x24: {  	v17 =	vbroadcast v17, $0x0;
	s17 =	sshll.u32 s17, $0xE;
	[sflag:s19] =	ssyncset.done @!p1 $0x0  }
0x25: {  	s21 =	sadd.s32 $0x6480, s17;
	[sflag:s19] =	ssyncadd.s32 @!p1 $0xFFFFF000  }
0x26: {  	v19 =	vadd.s32 v0, v17;
	v18 =	vld [tilespmem:s21+$0xFFFFFF80]  }
0x27: {  	s31 =	simm.s32 $0x1;
	s24 =	smul.u32 $0x11000, s18;
	v17 =	vadd.s32 v2, v17;
	v20 =	vld [tilespmem:s21+$0xFFFFFF90]  }
0x28: {  	v21 =	vmov s31;
	s20 =	sor.u32 $0x94F0, s17  }
0x29: {  	v21 =	vshrl.u32 v21, $0x3;
	s22 =	sor.u32 $0x84F0, s17;
	s23 =	sadd.s32 $0x74F0, s17;
	s17 =	sshrl.u32 s24, $0x2  }
0x2a: {  	v21 =	vshll.u32 v21, v1;
	s19 =	sadd.s32 $0xE400, s17  }
0x2b: {  	[tilespmem:v19+s19+$0x0] =	vst.idx.msk $0xffff, v18;
	v18 =	vbroadcast v21, $0x0  }
0x2c: {  	[tilespmem:v17+s19+$0x0] =	vst.idx.msk $0xffff, v20  }
0x2d: {  	v17 =	vld [tilespmem:s21+$0xFFFFFFA0];
	v19 =	vadd.s32 v3, v18  }
0x2e: {  	s25 =	simm.s32 $0x2;
	v20 =	vld [tilespmem:s21+$0xFFFFFFB0];
	v18 =	vadd.s32 v4, v18  }
0x2f: {  	v58 =	vmov s25  }
0x30: {  	v21 =	vshrl.u32 v58, $0x3  }
0x31: {  	v21 =	vshll.u32 v21, v1  }
0x32: {  	[tilespmem:v19+s19+$0x0] =	vst.idx.msk $0xffff, v17;
	v17 =	vbroadcast v21, $0x0  }
0x33: {  	[tilespmem:v18+s19+$0x0] =	vst.idx.msk $0xffff, v20  }
0x34: {  	v18 =	vld [tilespmem:s21+$0xFFFFFFC0];
	v19 =	vadd.s32 v5, v17  }
0x35: {  	s26 =	simm.s32 $0x3;
	v20 =	vld [tilespmem:s21+$0xFFFFFFD0];
	v17 =	vadd.s32 v6, v17  }
0x36: {  	v59 =	vmov s26  }
0x37: {  	v21 =	vshrl.u32 v59, $0x3  }
0x38: {  	v21 =	vshll.u32 v21, v1  }
0x39: {  	[tilespmem:v19+s19+$0x0] =	vst.idx.msk $0xffff, v18;
	v18 =	vbroadcast v21, $0x0  }
0x3a: {  	[tilespmem:v17+s19+$0x0] =	vst.idx.msk $0xffff, v20  }
0x3b: {  	v17 =	vld [tilespmem:s21+$0xFFFFFFE0];
	v19 =	vadd.s32 v7, v18  }
0x3c: {  	s28 =	simm.s32 $0x4;
	v20 =	vld [tilespmem:s21+$0xFFFFFFF0];
	v18 =	vadd.s32 v8, v18  }
0x3d: {  	v60 =	vmov s28  }
0x3e: {  	v21 =	vshrl.u32 v60, $0x3  }
0x3f: {  	v21 =	vshll.u32 v21, v1  }
0x40: {  	[tilespmem:v19+s19+$0x0] =	vst.idx.msk $0xffff, v17;
	v17 =	vbroadcast v21, $0x0  }
0x41: {  	[tilespmem:v18+s19+$0x0] =	vst.idx.msk $0xffff, v20  }
0x42: {  	v18 =	vld [tilespmem:s21+$0x0];
	v19 =	vadd.s32 v9, v17  }
0x43: {  	s29 =	simm.s32 $0x5;
	v20 =	vld [tilespmem:s21+$0x10];
	v17 =	vadd.s32 v10, v17  }
0x44: {  	v61 =	vmov s29  }
0x45: {  	v21 =	vshrl.u32 v61, $0x3  }
0x46: {  	v21 =	vshll.u32 v21, v1  }
0x47: {  	[tilespmem:v19+s19+$0x0] =	vst.idx.msk $0xffff, v18;
	v18 =	vbroadcast v21, $0x0  }
0x48: {  	[tilespmem:v17+s19+$0x0] =	vst.idx.msk $0xffff, v20  }
0x49: {  	v17 =	vld [tilespmem:s21+$0x20];
	v19 =	vadd.s32 v11, v18  }
0x4a: {  	s30 =	simm.s32 $0x6;
	v20 =	vld [tilespmem:s21+$0x30];
	v18 =	vadd.s32 v12, v18  }
0x4b: {  	v62 =	vmov s30  }
0x4c: {  	v21 =	vshrl.u32 v62, $0x3  }
0x4d: {  	v21 =	vshll.u32 v21, v1  }
0x4e: {  	[tilespmem:v19+s19+$0x0] =	vst.idx.msk $0xffff, v17;
	v17 =	vbroadcast v21, $0x0  }
0x4f: {  	[tilespmem:v18+s19+$0x0] =	vst.idx.msk $0xffff, v20  }
0x50: {  	v18 =	vld [tilespmem:s21+$0x40];
	v19 =	vadd.s32 v13, v17  }
0x51: {  	s31 =	simm.s32 $0x7;
	v20 =	vld [tilespmem:s21+$0x50];
	v17 =	vadd.s32 v14, v17  }
0x52: {  	v63 =	vmov s31  }
0x53: {  	v21 =	vshrl.u32 v63, $0x3  }
0x54: {  	v21 =	vshll.u32 v21, v1  }
0x55: {  	[tilespmem:v19+s19+$0x0] =	vst.idx.msk $0xffff, v18;
	v19 =	vbroadcast v21, $0x0  }
0x56: {  	[tilespmem:v17+s19+$0x0] =	vst.idx.msk $0xffff, v20  }
0x57: {  	v20 =	vld [tilespmem:s21+$0x60];
	v21 =	vadd.s32 v15, v19  }
0x58: {  	s24 =	simm.s32 $0x8  }
0x59: {  	v17 =	vmov s24;
	v18 =	vld [tilespmem:s21+$0x70];
	v19 =	vadd.s32 v16, v19  }
0x5a: {  	v17 =	vshrl.u32 v17, $0x3  }
0x5b: {  	v17 =	vshll.u32 v17, v1  }
0x5c: {  	s25 =	simm.s32 $0x10;
	v17 =	vbroadcast v17, $0x0;
	[tilespmem:v21+s19+$0x0] =	vst.idx.msk $0xffff, v20  }
.LBB2_3:
0x5d: {  	p1 =	slt.u32 s25, $0x78  }
0x5e: {  	[tilespmem:v19+s19+$0x0] =	vst.idx.msk $0xffff, v18;
	s21 =	sadd.s32 $0x100, s21;
	s26 =	smov.u32 s25;
	s25 =	sadd.s32 $0x8, s25  }
0x5f: {  	v18 =	vld [tilespmem:s21+$0xFFFFFF80];
	v19 =	vadd.s32 v0, v17  }
0x60: {  	s28 =	sadd.s32 $0x1, s24;
	v17 =	vadd.s32 v2, v17;
	v20 =	vld [tilespmem:s21+$0xFFFFFF90]  }
0x61: {  	v21 =	vmov s28  }
0x62: {  	v21 =	vshrl.u32 v21, $0x3  }
0x63: {  	v21 =	vshll.u32 v21, v1  }
0x64: {  	[tilespmem:v19+s19+$0x0] =	vst.idx.msk $0xffff, v18;
	v18 =	vbroadcast v21, $0x0  }
0x65: {  	[tilespmem:v17+s19+$0x0] =	vst.idx.msk $0xffff, v20  }
0x66: {  	v17 =	vld [tilespmem:s21+$0xFFFFFFA0];
	v19 =	vadd.s32 v3, v18  }
0x67: {  	s28 =	sadd.s32 $0x2, s24;
	v18 =	vadd.s32 v4, v18;
	v20 =	vld [tilespmem:s21+$0xFFFFFFB0]  }
0x68: {  	v21 =	vmov s28  }
0x69: {  	v21 =	vshrl.u32 v21, $0x3  }
0x6a: {  	v21 =	vshll.u32 v21, v1  }
0x6b: {  	[tilespmem:v19+s19+$0x0] =	vst.idx.msk $0xffff, v17;
	v17 =	vbroadcast v21, $0x0  }
0x6c: {  	[tilespmem:v18+s19+$0x0] =	vst.idx.msk $0xffff, v20  }
0x6d: {  	v18 =	vld [tilespmem:s21+$0xFFFFFFC0];
	v19 =	vadd.s32 v5, v17  }
0x6e: {  	s28 =	sadd.s32 $0x3, s24;
	v17 =	vadd.s32 v6, v17;
	v20 =	vld [tilespmem:s21+$0xFFFFFFD0]  }
0x6f: {  	v21 =	vmov s28  }
0x70: {  	v21 =	vshrl.u32 v21, $0x3  }
0x71: {  	v21 =	vshll.u32 v21, v1  }
0x72: {  	[tilespmem:v19+s19+$0x0] =	vst.idx.msk $0xffff, v18;
	v18 =	vbroadcast v21, $0x0  }
0x73: {  	[tilespmem:v17+s19+$0x0] =	vst.idx.msk $0xffff, v20  }
0x74: {  	v17 =	vld [tilespmem:s21+$0xFFFFFFE0];
	v19 =	vadd.s32 v7, v18  }
0x75: {  	s28 =	sadd.s32 $0x4, s24;
	v18 =	vadd.s32 v8, v18;
	v20 =	vld [tilespmem:s21+$0xFFFFFFF0]  }
0x76: {  	v21 =	vmov s28  }
0x77: {  	v21 =	vshrl.u32 v21, $0x3  }
0x78: {  	v21 =	vshll.u32 v21, v1  }
0x79: {  	[tilespmem:v19+s19+$0x0] =	vst.idx.msk $0xffff, v17;
	v17 =	vbroadcast v21, $0x0  }
0x7a: {  	[tilespmem:v18+s19+$0x0] =	vst.idx.msk $0xffff, v20  }
0x7b: {  	v18 =	vld [tilespmem:s21+$0x0];
	v19 =	vadd.s32 v9, v17  }
0x7c: {  	s28 =	sadd.s32 $0x5, s24;
	v17 =	vadd.s32 v10, v17;
	v20 =	vld [tilespmem:s21+$0x10]  }
0x7d: {  	v21 =	vmov s28  }
0x7e: {  	v21 =	vshrl.u32 v21, $0x3  }
0x7f: {  	v21 =	vshll.u32 v21, v1  }
0x80: {  	[tilespmem:v19+s19+$0x0] =	vst.idx.msk $0xffff, v18;
	v18 =	vbroadcast v21, $0x0  }
0x81: {  	[tilespmem:v17+s19+$0x0] =	vst.idx.msk $0xffff, v20  }
0x82: {  	v17 =	vld [tilespmem:s21+$0x20];
	v19 =	vadd.s32 v11, v18  }
0x83: {  	s28 =	sadd.s32 $0x6, s24;
	v18 =	vadd.s32 v12, v18;
	v20 =	vld [tilespmem:s21+$0x30]  }
0x84: {  	v21 =	vmov s28  }
0x85: {  	v21 =	vshrl.u32 v21, $0x3  }
0x86: {  	v21 =	vshll.u32 v21, v1  }
0x87: {  	[tilespmem:v19+s19+$0x0] =	vst.idx.msk $0xffff, v17;
	v17 =	vbroadcast v21, $0x0  }
0x88: {  	[tilespmem:v18+s19+$0x0] =	vst.idx.msk $0xffff, v20  }
0x89: {  	v18 =	vld [tilespmem:s21+$0x40];
	v19 =	vadd.s32 v13, v17  }
0x8a: {  	s28 =	sadd.s32 $0x7, s24;
	s24 =	smov.u32 s26;
	v17 =	vadd.s32 v14, v17;
	v20 =	vld [tilespmem:s21+$0x50]  }
0x8b: {  	v21 =	vmov s28  }
0x8c: {  	v21 =	vshrl.u32 v21, $0x3  }
0x8d: {  	v21 =	vshll.u32 v21, v1  }
0x8e: {  	[tilespmem:v19+s19+$0x0] =	vst.idx.msk $0xffff, v18;
	v19 =	vbroadcast v21, $0x0  }
0x8f: {  	[tilespmem:v17+s19+$0x0] =	vst.idx.msk $0xffff, v20  }
0x90: {  	v20 =	vld [tilespmem:s21+$0x60];
	v21 =	vadd.s32 v15, v19  }
.Ltmp0:
0x91: {  	v19 =	vadd.s32 v16, v19;
	v18 =	vld [tilespmem:s21+$0x70];
	(pc) =	sbr.rel @p1 .LBB2_3-.Ltmp0, $4  }
0x92: {  	v17 =	vmov s24  }
0x93: {  	v17 =	vshrl.u32 v17, $0x3  }
0x94: {  	v17 =	vshll.u32 v17, v1  }
0x95: {  	v17 =	vbroadcast v17, $0x0;
	[tilespmem:v21+s19+$0x0] =	vst.idx.msk $0xffff, v20  }
0x96: {  	_ =	sdelay $0x3  }
0x97: {  	[tilespmem:v19+s19+$0x0] =	vst.idx.msk $0xffff, v18;
	s21 =	sadd.s32 $0x100, s21  }
0x98: {  	v18 =	vld [tilespmem:s21+$0xFFFFFF80];
	v19 =	vadd.s32 v0, v17  }
0x99: {  	s25 =	sadd.s32 $0x1, s24;
	v20 =	vld [tilespmem:s21+$0xFFFFFF90];
	v17 =	vadd.s32 v2, v17  }
0x9a: {  	v21 =	vmov s25  }
0x9b: {  	v21 =	vshrl.u32 v21, $0x3  }
0x9c: {  	v21 =	vshll.u32 v21, v1  }
0x9d: {  	[tilespmem:v19+s19+$0x0] =	vst.idx.msk $0xffff, v18;
	v18 =	vbroadcast v21, $0x0  }
0x9e: {  	[tilespmem:v17+s19+$0x0] =	vst.idx.msk $0xffff, v20  }
0x9f: {  	v17 =	vld [tilespmem:s21+$0xFFFFFFA0];
	v19 =	vadd.s32 v3, v18  }
0xa0: {  	s29 =	sadd.s32 $0x2, s24;
	v20 =	vld [tilespmem:s21+$0xFFFFFFB0];
	v18 =	vadd.s32 v4, v18  }
0xa1: {  	v50 =	vmov s29  }
0xa2: {  	v21 =	vshrl.u32 v50, $0x3  }
0xa3: {  	v21 =	vshll.u32 v21, v1  }
0xa4: {  	[tilespmem:v19+s19+$0x0] =	vst.idx.msk $0xffff, v17;
	v17 =	vbroadcast v21, $0x0  }
0xa5: {  	[tilespmem:v18+s19+$0x0] =	vst.idx.msk $0xffff, v20  }
0xa6: {  	v18 =	vld [tilespmem:s21+$0xFFFFFFC0];
	v19 =	vadd.s32 v5, v17  }
0xa7: {  	s30 =	sadd.s32 $0x3, s24;
	v20 =	vld [tilespmem:s21+$0xFFFFFFD0];
	v17 =	vadd.s32 v6, v17  }
0xa8: {  	v51 =	vmov s30  }
0xa9: {  	v21 =	vshrl.u32 v51, $0x3  }
0xaa: {  	v21 =	vshll.u32 v21, v1  }
0xab: {  	[tilespmem:v19+s19+$0x0] =	vst.idx.msk $0xffff, v18;
	v18 =	vbroadcast v21, $0x0  }
0xac: {  	[tilespmem:v17+s19+$0x0] =	vst.idx.msk $0xffff, v20  }
0xad: {  	v17 =	vld [tilespmem:s21+$0xFFFFFFE0];
	v19 =	vadd.s32 v7, v18  }
0xae: {  	s31 =	sadd.s32 $0x4, s24;
	v20 =	vld [tilespmem:s21+$0xFFFFFFF0];
	v18 =	vadd.s32 v8, v18  }
0xaf: {  	v52 =	vmov s31  }
0xb0: {  	v21 =	vshrl.u32 v52, $0x3  }
0xb1: {  	v21 =	vshll.u32 v21, v1  }
0xb2: {  	[tilespmem:v19+s19+$0x0] =	vst.idx.msk $0xffff, v17;
	v17 =	vbroadcast v21, $0x0  }
0xb3: {  	[tilespmem:v18+s19+$0x0] =	vst.idx.msk $0xffff, v20  }
0xb4: {  	v18 =	vld [tilespmem:s21+$0x0];
	v19 =	vadd.s32 v9, v17  }
0xb5: {  	s26 =	sadd.s32 $0x5, s24;
	v20 =	vld [tilespmem:s21+$0x10];
	v17 =	vadd.s32 v10, v17  }
0xb6: {  	v53 =	vmov s26  }
0xb7: {  	v21 =	vshrl.u32 v53, $0x3  }
0xb8: {  	v21 =	vshll.u32 v21, v1  }
0xb9: {  	[tilespmem:v19+s19+$0x0] =	vst.idx.msk $0xffff, v18;
	v18 =	vbroadcast v21, $0x0  }
0xba: {  	[tilespmem:v17+s19+$0x0] =	vst.idx.msk $0xffff, v20  }
0xbb: {  	v17 =	vld [tilespmem:s21+$0x20];
	v19 =	vadd.s32 v11, v18  }
0xbc: {  	s28 =	sadd.s32 $0x6, s24;
	v20 =	vld [tilespmem:s21+$0x30];
	v18 =	vadd.s32 v12, v18  }
0xbd: {  	v54 =	vmov s28  }
0xbe: {  	v21 =	vshrl.u32 v54, $0x3  }
0xbf: {  	v21 =	vshll.u32 v21, v1  }
0xc0: {  	[tilespmem:v19+s19+$0x0] =	vst.idx.msk $0xffff, v17;
	v17 =	vbroadcast v21, $0x0  }
0xc1: {  	[tilespmem:v18+s19+$0x0] =	vst.idx.msk $0xffff, v20  }
0xc2: {  	v18 =	vld [tilespmem:s21+$0x40];
	v19 =	vadd.s32 v13, v17  }
0xc3: {  	s29 =	sadd.s32 $0x7, s24;
	v20 =	vld [tilespmem:s21+$0x50];
	v17 =	vadd.s32 v14, v17  }
0xc4: {  	v55 =	vmov s29  }
0xc5: {  	v21 =	vshrl.u32 v55, $0x3  }
0xc6: {  	v21 =	vshll.u32 v21, v1  }
0xc7: {  	[tilespmem:v19+s19+$0x0] =	vst.idx.msk $0xffff, v18;
	v18 =	vbroadcast v21, $0x0  }
0xc8: {  	[tilespmem:v17+s19+$0x0] =	vst.idx.msk $0xffff, v20  }
0xc9: {  	v17 =	vld [tilespmem:s21+$0x60];
	v19 =	vadd.s32 v15, v18;
	_ =	sdelay $0x3  }
0xca: {  	s30 =	simm.s32 $0x0;
	v20 =	vld [tilespmem:s21+$0x70];
	v18 =	vadd.s32 v16, v18  }
0xcb: {  	[tilespmem:v19+s19+$0x0] =	vst.idx.msk $0xffff, v17;
	v17 =	vmov s30  }
0xcc: {  	v17 =	vshrl.u32 v17, $0x3  }
0xcd: {  	v17 =	vshll.u32 v17, $0x3  }
0xce: {  	v17 =	vbroadcast v17, $0x0  }
0xcf: {  	[tilespmem:v18+s19+$0x0] =	vst.idx.msk $0xffff, v20  }
0xd0: {  	v18 =	vld [tilespmem:s23+$0xFFFFFF10];
	v19 =	vadd.s32 v0, v17  }
0xd1: {  	v20 =	vld [tilespmem:s23+$0xFFFFFF20];
	v56 =	vadd.s32 v2, v17;
	_ =	sdelay $0x2  }
0xd2: {  	s21 =	sadd.s32 $0xF500, s17  }
0xd3: {  	[tilespmem:v19+s21+$0x0] =	vst.idx.msk $0xffff, v18  }
0xd4: {  	[tilespmem:v56+s21+$0x0] =	vst.idx.msk $0xffff, v20  }
0xd5: {  	v19 =	vadd.s32 v3, v17;
	v18 =	vld [tilespmem:s23+$0xFFFFFF30]  }
0xd6: {  	v57 =	vadd.s32 v4, v17;
	v20 =	vld [tilespmem:s23+$0xFFFFFF40];
	_ =	sdelay $0x3  }
0xd7: {  	[tilespmem:v19+s21+$0x0] =	vst.idx.msk $0xffff, v18  }
0xd8: {  	[tilespmem:v57+s21+$0x0] =	vst.idx.msk $0xffff, v20  }
0xd9: {  	v19 =	vadd.s32 v5, v17;
	v18 =	vld [tilespmem:s23+$0xFFFFFF50]  }
0xda: {  	v58 =	vadd.s32 v6, v17;
	v20 =	vld [tilespmem:s23+$0xFFFFFF60];
	_ =	sdelay $0x3  }
0xdb: {  	[tilespmem:v19+s21+$0x0] =	vst.idx.msk $0xffff, v18  }
0xdc: {  	[tilespmem:v58+s21+$0x0] =	vst.idx.msk $0xffff, v20  }
0xdd: {  	v19 =	vadd.s32 v7, v17;
	v18 =	vld [tilespmem:s23+$0xFFFFFF70]  }
0xde: {  	v59 =	vadd.s32 v8, v17;
	v20 =	vld [tilespmem:s23+$0xFFFFFF80];
	_ =	sdelay $0x3  }
0xdf: {  	[tilespmem:v19+s21+$0x0] =	vst.idx.msk $0xffff, v18  }
0xe0: {  	[tilespmem:v59+s21+$0x0] =	vst.idx.msk $0xffff, v20  }
0xe1: {  	v19 =	vadd.s32 v9, v17;
	v18 =	vld [tilespmem:s23+$0xFFFFFF90]  }
0xe2: {  	v60 =	vadd.s32 v10, v17;
	v20 =	vld [tilespmem:s23+$0xFFFFFFA0];
	_ =	sdelay $0x3  }
0xe3: {  	[tilespmem:v19+s21+$0x0] =	vst.idx.msk $0xffff, v18  }
0xe4: {  	[tilespmem:v60+s21+$0x0] =	vst.idx.msk $0xffff, v20  }
0xe5: {  	v19 =	vadd.s32 v11, v17;
	v18 =	vld [tilespmem:s23+$0xFFFFFFB0]  }
0xe6: {  	v61 =	vadd.s32 v12, v17;
	v20 =	vld [tilespmem:s23+$0xFFFFFFC0];
	_ =	sdelay $0x3  }
0xe7: {  	[tilespmem:v19+s21+$0x0] =	vst.idx.msk $0xffff, v18  }
0xe8: {  	[tilespmem:v61+s21+$0x0] =	vst.idx.msk $0xffff, v20  }
0xe9: {  	v19 =	vadd.s32 v13, v17;
	v18 =	vld [tilespmem:s23+$0xFFFFFFD0]  }
0xea: {  	v62 =	vadd.s32 v14, v17;
	v20 =	vld [tilespmem:s23+$0xFFFFFFE0];
	_ =	sdelay $0x3  }
0xeb: {  	[tilespmem:v19+s21+$0x0] =	vst.idx.msk $0xffff, v18  }
0xec: {  	s31 =	simm.s32 $0x8;
	[tilespmem:v62+s21+$0x0] =	vst.idx.msk $0xffff, v20  }
0xed: {  	v63 =	vadd.s32 v15, v17;
	v18 =	vmov s31;
	v20 =	vld [tilespmem:s23+$0xFFFFFFF0]  }
0xee: {  	v19 =	vshrl.u32 v18, $0x3  }
0xef: {  	v18 =	vld [tilespmem:s23+$0x0];
	v22 =	vshll.u32 v19, $0x3;
	v19 =	vadd.s32 v16, v17;
	_ =	sdelay $0x2  }
0xf0: {  	s24 =	simm.s32 $0x10;
	v17 =	vbroadcast v22, $0x0;
	[tilespmem:v63+s21+$0x0] =	vst.idx.msk $0xffff, v20  }
.LBB2_5:
0xf1: {  	p1 =	slt.u32 s24, $0x78  }
0xf2: {  	[tilespmem:v19+s21+$0x0] =	vst.idx.msk $0xffff, v18;
	s23 =	sadd.s32 $0x100, s23;
	s25 =	smov.u32 s24;
	s24 =	sadd.s32 $0x8, s24  }
0xf3: {  	v18 =	vld [tilespmem:s23+$0xFFFFFF10];
	v19 =	vadd.s32 v0, v17  }
0xf4: {  	v21 =	vadd.s32 v2, v17;
	v20 =	vld [tilespmem:s23+$0xFFFFFF20];
	_ =	sdelay $0x3  }
0xf5: {  	[tilespmem:v19+s21+$0x0] =	vst.idx.msk $0xffff, v18  }
0xf6: {  	[tilespmem:v21+s21+$0x0] =	vst.idx.msk $0xffff, v20  }
0xf7: {  	v19 =	vadd.s32 v3, v17;
	v18 =	vld [tilespmem:s23+$0xFFFFFF30]  }
0xf8: {  	v21 =	vadd.s32 v4, v17;
	v20 =	vld [tilespmem:s23+$0xFFFFFF40];
	_ =	sdelay $0x3  }
0xf9: {  	[tilespmem:v19+s21+$0x0] =	vst.idx.msk $0xffff, v18  }
0xfa: {  	[tilespmem:v21+s21+$0x0] =	vst.idx.msk $0xffff, v20  }
0xfb: {  	v19 =	vadd.s32 v5, v17;
	v18 =	vld [tilespmem:s23+$0xFFFFFF50]  }
0xfc: {  	v21 =	vadd.s32 v6, v17;
	v20 =	vld [tilespmem:s23+$0xFFFFFF60];
	_ =	sdelay $0x3  }
0xfd: {  	[tilespmem:v19+s21+$0x0] =	vst.idx.msk $0xffff, v18  }
0xfe: {  	[tilespmem:v21+s21+$0x0] =	vst.idx.msk $0xffff, v20  }
0xff: {  	v19 =	vadd.s32 v7, v17;
	v18 =	vld [tilespmem:s23+$0xFFFFFF70]  }
0x100: {  	v21 =	vadd.s32 v8, v17;
	v20 =	vld [tilespmem:s23+$0xFFFFFF80];
	_ =	sdelay $0x3  }
0x101: {  	[tilespmem:v19+s21+$0x0] =	vst.idx.msk $0xffff, v18  }
0x102: {  	[tilespmem:v21+s21+$0x0] =	vst.idx.msk $0xffff, v20  }
0x103: {  	v19 =	vadd.s32 v9, v17;
	v18 =	vld [tilespmem:s23+$0xFFFFFF90]  }
0x104: {  	v21 =	vadd.s32 v10, v17;
	v20 =	vld [tilespmem:s23+$0xFFFFFFA0];
	_ =	sdelay $0x3  }
0x105: {  	[tilespmem:v19+s21+$0x0] =	vst.idx.msk $0xffff, v18  }
0x106: {  	[tilespmem:v21+s21+$0x0] =	vst.idx.msk $0xffff, v20  }
0x107: {  	v19 =	vadd.s32 v11, v17;
	v18 =	vld [tilespmem:s23+$0xFFFFFFB0]  }
0x108: {  	v21 =	vadd.s32 v12, v17;
	v20 =	vld [tilespmem:s23+$0xFFFFFFC0];
	_ =	sdelay $0x3  }
0x109: {  	[tilespmem:v19+s21+$0x0] =	vst.idx.msk $0xffff, v18  }
0x10a: {  	[tilespmem:v21+s21+$0x0] =	vst.idx.msk $0xffff, v20  }
0x10b: {  	v19 =	vadd.s32 v13, v17;
	v18 =	vld [tilespmem:s23+$0xFFFFFFD0]  }
0x10c: {  	v21 =	vadd.s32 v14, v17;
	v20 =	vld [tilespmem:s23+$0xFFFFFFE0];
	_ =	sdelay $0x3  }
0x10d: {  	[tilespmem:v19+s21+$0x0] =	vst.idx.msk $0xffff, v18  }
0x10e: {  	[tilespmem:v21+s21+$0x0] =	vst.idx.msk $0xffff, v20  }
0x10f: {  	v21 =	vadd.s32 v15, v17;
	v20 =	vld [tilespmem:s23+$0xFFFFFFF0]  }
.Ltmp1:
0x110: {  	v19 =	vadd.s32 v16, v17;
	v18 =	vld [tilespmem:s23+$0x0];
	(pc) =	sbr.rel @p1 .LBB2_5-.Ltmp1, $4  }
0x111: {  	v17 =	vmov s25  }
0x112: {  	v17 =	vshrl.u32 v17, $0x3  }
0x113: {  	v17 =	vshll.u32 v17, $0x3  }
0x114: {  	v17 =	vbroadcast v17, $0x0;
	[tilespmem:v21+s21+$0x0] =	vst.idx.msk $0xffff, v20  }
0x115: {  	_ =	sdelay $0x3  }
0x116: {  	[tilespmem:v19+s21+$0x0] =	vst.idx.msk $0xffff, v18;
	s23 =	sadd.s32 $0x100, s23  }
0x117: {  	v18 =	vld [tilespmem:s23+$0xFFFFFF10];
	v19 =	vadd.s32 v0, v17  }
0x118: {  	v20 =	vld [tilespmem:s23+$0xFFFFFF20];
	v21 =	vadd.s32 v2, v17;
	_ =	sdelay $0x3  }
0x119: {  	[tilespmem:v19+s21+$0x0] =	vst.idx.msk $0xffff, v18  }
0x11a: {  	[tilespmem:v21+s21+$0x0] =	vst.idx.msk $0xffff, v20  }
0x11b: {  	v19 =	vadd.s32 v3, v17;
	v18 =	vld [tilespmem:s23+$0xFFFFFF30]  }
0x11c: {  	v50 =	vadd.s32 v4, v17;
	v20 =	vld [tilespmem:s23+$0xFFFFFF40];
	_ =	sdelay $0x3  }
0x11d: {  	[tilespmem:v19+s21+$0x0] =	vst.idx.msk $0xffff, v18  }
0x11e: {  	[tilespmem:v50+s21+$0x0] =	vst.idx.msk $0xffff, v20  }
0x11f: {  	v19 =	vadd.s32 v5, v17;
	v18 =	vld [tilespmem:s23+$0xFFFFFF50]  }
0x120: {  	v51 =	vadd.s32 v6, v17;
	v20 =	vld [tilespmem:s23+$0xFFFFFF60];
	_ =	sdelay $0x3  }
0x121: {  	[tilespmem:v19+s21+$0x0] =	vst.idx.msk $0xffff, v18  }
0x122: {  	[tilespmem:v51+s21+$0x0] =	vst.idx.msk $0xffff, v20  }
0x123: {  	v19 =	vadd.s32 v7, v17;
	v18 =	vld [tilespmem:s23+$0xFFFFFF70]  }
0x124: {  	v52 =	vadd.s32 v8, v17;
	v20 =	vld [tilespmem:s23+$0xFFFFFF80];
	_ =	sdelay $0x3  }
0x125: {  	[tilespmem:v19+s21+$0x0] =	vst.idx.msk $0xffff, v18  }
0x126: {  	[tilespmem:v52+s21+$0x0] =	vst.idx.msk $0xffff, v20  }
0x127: {  	v19 =	vadd.s32 v9, v17;
	v18 =	vld [tilespmem:s23+$0xFFFFFF90]  }
0x128: {  	v53 =	vadd.s32 v10, v17;
	v20 =	vld [tilespmem:s23+$0xFFFFFFA0];
	_ =	sdelay $0x3  }
0x129: {  	[tilespmem:v19+s21+$0x0] =	vst.idx.msk $0xffff, v18  }
0x12a: {  	[tilespmem:v53+s21+$0x0] =	vst.idx.msk $0xffff, v20  }
0x12b: {  	v19 =	vadd.s32 v11, v17;
	v18 =	vld [tilespmem:s23+$0xFFFFFFB0]  }
0x12c: {  	v54 =	vadd.s32 v12, v17;
	v20 =	vld [tilespmem:s23+$0xFFFFFFC0];
	_ =	sdelay $0x3  }
0x12d: {  	[tilespmem:v19+s21+$0x0] =	vst.idx.msk $0xffff, v18  }
0x12e: {  	[tilespmem:v54+s21+$0x0] =	vst.idx.msk $0xffff, v20  }
0x12f: {  	v19 =	vadd.s32 v13, v17;
	v18 =	vld [tilespmem:s23+$0xFFFFFFD0]  }
0x130: {  	v55 =	vadd.s32 v14, v17;
	v20 =	vld [tilespmem:s23+$0xFFFFFFE0];
	_ =	sdelay $0x3  }
0x131: {  	[tilespmem:v19+s21+$0x0] =	vst.idx.msk $0xffff, v18  }
0x132: {  	[tilespmem:v55+s21+$0x0] =	vst.idx.msk $0xffff, v20  }
0x133: {  	v19 =	vadd.s32 v15, v17;
	v18 =	vld [tilespmem:s23+$0xFFFFFFF0]  }
0x134: {  	v17 =	vadd.s32 v16, v17;
	v20 =	vld [tilespmem:s23+$0x0];
	_ =	sdelay $0x3  }
0x135: {  	s24 =	simm.s32 $0x0;
	[tilespmem:v19+s21+$0x0] =	vst.idx.msk $0xffff, v18  }
0x136: {  	[tilespmem:v17+s21+$0x0] =	vst.idx.msk $0xffff, v20;
	v17 =	vmov s24  }
0x137: {  	v17 =	vshrl.u32 v17, $0x3  }
0x138: {  	v17 =	vshll.u32 v17, $0x3  }
0x139: {  	v17 =	vbroadcast v17, $0x0;
	_ =	sdelay $0x1  }
0x13a: {  	v18 =	vld [tilespmem:s22+$0xFFFFFF10];
	v19 =	vadd.s32 v0, v17  }
0x13b: {  	v20 =	vld [tilespmem:s22+$0xFFFFFF20];
	v56 =	vadd.s32 v2, v17;
	_ =	sdelay $0x2  }
0x13c: {  	s23 =	sadd.s32 $0x10600, s17  }
0x13d: {  	[tilespmem:v19+s23+$0x0] =	vst.idx.msk $0xffff, v18  }
0x13e: {  	[tilespmem:v56+s23+$0x0] =	vst.idx.msk $0xffff, v20  }
0x13f: {  	v19 =	vadd.s32 v3, v17;
	v18 =	vld [tilespmem:s22+$0xFFFFFF30]  }
0x140: {  	v57 =	vadd.s32 v4, v17;
	v20 =	vld [tilespmem:s22+$0xFFFFFF40];
	_ =	sdelay $0x3  }
0x141: {  	[tilespmem:v19+s23+$0x0] =	vst.idx.msk $0xffff, v18  }
0x142: {  	[tilespmem:v57+s23+$0x0] =	vst.idx.msk $0xffff, v20  }
0x143: {  	v19 =	vadd.s32 v5, v17;
	v18 =	vld [tilespmem:s22+$0xFFFFFF50]  }
0x144: {  	v58 =	vadd.s32 v6, v17;
	v20 =	vld [tilespmem:s22+$0xFFFFFF60];
	_ =	sdelay $0x3  }
0x145: {  	[tilespmem:v19+s23+$0x0] =	vst.idx.msk $0xffff, v18  }
0x146: {  	[tilespmem:v58+s23+$0x0] =	vst.idx.msk $0xffff, v20  }
0x147: {  	v19 =	vadd.s32 v7, v17;
	v18 =	vld [tilespmem:s22+$0xFFFFFF70]  }
0x148: {  	v59 =	vadd.s32 v8, v17;
	v20 =	vld [tilespmem:s22+$0xFFFFFF80];
	_ =	sdelay $0x3  }
0x149: {  	[tilespmem:v19+s23+$0x0] =	vst.idx.msk $0xffff, v18  }
0x14a: {  	[tilespmem:v59+s23+$0x0] =	vst.idx.msk $0xffff, v20  }
0x14b: {  	v19 =	vadd.s32 v9, v17;
	v18 =	vld [tilespmem:s22+$0xFFFFFF90]  }
0x14c: {  	v60 =	vadd.s32 v10, v17;
	v20 =	vld [tilespmem:s22+$0xFFFFFFA0];
	_ =	sdelay $0x3  }
0x14d: {  	[tilespmem:v19+s23+$0x0] =	vst.idx.msk $0xffff, v18  }
0x14e: {  	[tilespmem:v60+s23+$0x0] =	vst.idx.msk $0xffff, v20  }
0x14f: {  	v19 =	vadd.s32 v11, v17;
	v18 =	vld [tilespmem:s22+$0xFFFFFFB0]  }
0x150: {  	v61 =	vadd.s32 v12, v17;
	v20 =	vld [tilespmem:s22+$0xFFFFFFC0];
	_ =	sdelay $0x3  }
0x151: {  	[tilespmem:v19+s23+$0x0] =	vst.idx.msk $0xffff, v18  }
0x152: {  	[tilespmem:v61+s23+$0x0] =	vst.idx.msk $0xffff, v20  }
0x153: {  	v19 =	vadd.s32 v13, v17;
	v18 =	vld [tilespmem:s22+$0xFFFFFFD0]  }
0x154: {  	v62 =	vadd.s32 v14, v17;
	v20 =	vld [tilespmem:s22+$0xFFFFFFE0];
	_ =	sdelay $0x3  }
0x155: {  	[tilespmem:v19+s23+$0x0] =	vst.idx.msk $0xffff, v18  }
0x156: {  	s31 =	simm.s32 $0x8;
	[tilespmem:v62+s23+$0x0] =	vst.idx.msk $0xffff, v20  }
0x157: {  	v63 =	vadd.s32 v15, v17;
	v18 =	vmov s31;
	v20 =	vld [tilespmem:s22+$0xFFFFFFF0]  }
0x158: {  	v19 =	vshrl.u32 v18, $0x3  }
0x159: {  	v18 =	vld [tilespmem:s22+$0x0];
	v22 =	vshll.u32 v19, $0x3;
	v19 =	vadd.s32 v16, v17;
	_ =	sdelay $0x2  }
0x15a: {  	s24 =	simm.s32 $0x10;
	v17 =	vbroadcast v22, $0x0;
	[tilespmem:v63+s23+$0x0] =	vst.idx.msk $0xffff, v20  }
.LBB2_7:
0x15b: {  	p1 =	slt.u32 s24, $0x78  }
0x15c: {  	[tilespmem:v19+s23+$0x0] =	vst.idx.msk $0xffff, v18;
	s22 =	sadd.s32 $0x100, s22;
	s25 =	smov.u32 s24;
	s24 =	sadd.s32 $0x8, s24  }
0x15d: {  	v18 =	vld [tilespmem:s22+$0xFFFFFF10];
	v19 =	vadd.s32 v0, v17  }
0x15e: {  	v21 =	vadd.s32 v2, v17;
	v20 =	vld [tilespmem:s22+$0xFFFFFF20];
	_ =	sdelay $0x3  }
0x15f: {  	[tilespmem:v19+s23+$0x0] =	vst.idx.msk $0xffff, v18  }
0x160: {  	[tilespmem:v21+s23+$0x0] =	vst.idx.msk $0xffff, v20  }
0x161: {  	v19 =	vadd.s32 v3, v17;
	v18 =	vld [tilespmem:s22+$0xFFFFFF30]  }
0x162: {  	v21 =	vadd.s32 v4, v17;
	v20 =	vld [tilespmem:s22+$0xFFFFFF40];
	_ =	sdelay $0x3  }
0x163: {  	[tilespmem:v19+s23+$0x0] =	vst.idx.msk $0xffff, v18  }
0x164: {  	[tilespmem:v21+s23+$0x0] =	vst.idx.msk $0xffff, v20  }
0x165: {  	v19 =	vadd.s32 v5, v17;
	v18 =	vld [tilespmem:s22+$0xFFFFFF50]  }
0x166: {  	v21 =	vadd.s32 v6, v17;
	v20 =	vld [tilespmem:s22+$0xFFFFFF60];
	_ =	sdelay $0x3  }
0x167: {  	[tilespmem:v19+s23+$0x0] =	vst.idx.msk $0xffff, v18  }
0x168: {  	[tilespmem:v21+s23+$0x0] =	vst.idx.msk $0xffff, v20  }
0x169: {  	v19 =	vadd.s32 v7, v17;
	v18 =	vld [tilespmem:s22+$0xFFFFFF70]  }
0x16a: {  	v21 =	vadd.s32 v8, v17;
	v20 =	vld [tilespmem:s22+$0xFFFFFF80];
	_ =	sdelay $0x3  }
0x16b: {  	[tilespmem:v19+s23+$0x0] =	vst.idx.msk $0xffff, v18  }
0x16c: {  	[tilespmem:v21+s23+$0x0] =	vst.idx.msk $0xffff, v20  }
0x16d: {  	v19 =	vadd.s32 v9, v17;
	v18 =	vld [tilespmem:s22+$0xFFFFFF90]  }
0x16e: {  	v21 =	vadd.s32 v10, v17;
	v20 =	vld [tilespmem:s22+$0xFFFFFFA0];
	_ =	sdelay $0x3  }
0x16f: {  	[tilespmem:v19+s23+$0x0] =	vst.idx.msk $0xffff, v18  }
0x170: {  	[tilespmem:v21+s23+$0x0] =	vst.idx.msk $0xffff, v20  }
0x171: {  	v19 =	vadd.s32 v11, v17;
	v18 =	vld [tilespmem:s22+$0xFFFFFFB0]  }
0x172: {  	v21 =	vadd.s32 v12, v17;
	v20 =	vld [tilespmem:s22+$0xFFFFFFC0];
	_ =	sdelay $0x3  }
0x173: {  	[tilespmem:v19+s23+$0x0] =	vst.idx.msk $0xffff, v18  }
0x174: {  	[tilespmem:v21+s23+$0x0] =	vst.idx.msk $0xffff, v20  }
0x175: {  	v19 =	vadd.s32 v13, v17;
	v18 =	vld [tilespmem:s22+$0xFFFFFFD0]  }
0x176: {  	v21 =	vadd.s32 v14, v17;
	v20 =	vld [tilespmem:s22+$0xFFFFFFE0];
	_ =	sdelay $0x3  }
0x177: {  	[tilespmem:v19+s23+$0x0] =	vst.idx.msk $0xffff, v18  }
0x178: {  	[tilespmem:v21+s23+$0x0] =	vst.idx.msk $0xffff, v20  }
0x179: {  	v21 =	vadd.s32 v15, v17;
	v20 =	vld [tilespmem:s22+$0xFFFFFFF0]  }
.Ltmp2:
0x17a: {  	v19 =	vadd.s32 v16, v17;
	v18 =	vld [tilespmem:s22+$0x0];
	(pc) =	sbr.rel @p1 .LBB2_7-.Ltmp2, $4  }
0x17b: {  	v17 =	vmov s25  }
0x17c: {  	v17 =	vshrl.u32 v17, $0x3  }
0x17d: {  	v17 =	vshll.u32 v17, $0x3  }
0x17e: {  	v17 =	vbroadcast v17, $0x0;
	[tilespmem:v21+s23+$0x0] =	vst.idx.msk $0xffff, v20  }
0x17f: {  	_ =	sdelay $0x3  }
0x180: {  	[tilespmem:v19+s23+$0x0] =	vst.idx.msk $0xffff, v18;
	s22 =	sadd.s32 $0x100, s22  }
0x181: {  	v18 =	vld [tilespmem:s22+$0xFFFFFF10];
	v19 =	vadd.s32 v0, v17  }
0x182: {  	v20 =	vld [tilespmem:s22+$0xFFFFFF20];
	v21 =	vadd.s32 v2, v17;
	_ =	sdelay $0x3  }
0x183: {  	[tilespmem:v19+s23+$0x0] =	vst.idx.msk $0xffff, v18  }
0x184: {  	[tilespmem:v21+s23+$0x0] =	vst.idx.msk $0xffff, v20  }
0x185: {  	v19 =	vadd.s32 v3, v17;
	v18 =	vld [tilespmem:s22+$0xFFFFFF30]  }
0x186: {  	v50 =	vadd.s32 v4, v17;
	v20 =	vld [tilespmem:s22+$0xFFFFFF40];
	_ =	sdelay $0x3  }
0x187: {  	[tilespmem:v19+s23+$0x0] =	vst.idx.msk $0xffff, v18  }
0x188: {  	[tilespmem:v50+s23+$0x0] =	vst.idx.msk $0xffff, v20  }
0x189: {  	v19 =	vadd.s32 v5, v17;
	v18 =	vld [tilespmem:s22+$0xFFFFFF50]  }
0x18a: {  	v51 =	vadd.s32 v6, v17;
	v20 =	vld [tilespmem:s22+$0xFFFFFF60];
	_ =	sdelay $0x3  }
0x18b: {  	[tilespmem:v19+s23+$0x0] =	vst.idx.msk $0xffff, v18  }
0x18c: {  	[tilespmem:v51+s23+$0x0] =	vst.idx.msk $0xffff, v20  }
0x18d: {  	v19 =	vadd.s32 v7, v17;
	v18 =	vld [tilespmem:s22+$0xFFFFFF70]  }
0x18e: {  	v52 =	vadd.s32 v8, v17;
	v20 =	vld [tilespmem:s22+$0xFFFFFF80];
	_ =	sdelay $0x3  }
0x18f: {  	[tilespmem:v19+s23+$0x0] =	vst.idx.msk $0xffff, v18  }
0x190: {  	[tilespmem:v52+s23+$0x0] =	vst.idx.msk $0xffff, v20  }
0x191: {  	v19 =	vadd.s32 v9, v17;
	v18 =	vld [tilespmem:s22+$0xFFFFFF90]  }
0x192: {  	v53 =	vadd.s32 v10, v17;
	v20 =	vld [tilespmem:s22+$0xFFFFFFA0];
	_ =	sdelay $0x3  }
0x193: {  	[tilespmem:v19+s23+$0x0] =	vst.idx.msk $0xffff, v18  }
0x194: {  	[tilespmem:v53+s23+$0x0] =	vst.idx.msk $0xffff, v20  }
0x195: {  	v19 =	vadd.s32 v11, v17;
	v18 =	vld [tilespmem:s22+$0xFFFFFFB0]  }
0x196: {  	v54 =	vadd.s32 v12, v17;
	v20 =	vld [tilespmem:s22+$0xFFFFFFC0];
	_ =	sdelay $0x3  }
0x197: {  	[tilespmem:v19+s23+$0x0] =	vst.idx.msk $0xffff, v18  }
0x198: {  	[tilespmem:v54+s23+$0x0] =	vst.idx.msk $0xffff, v20  }
0x199: {  	v19 =	vadd.s32 v13, v17;
	v18 =	vld [tilespmem:s22+$0xFFFFFFD0]  }
0x19a: {  	v55 =	vadd.s32 v14, v17;
	v20 =	vld [tilespmem:s22+$0xFFFFFFE0];
	_ =	sdelay $0x3  }
0x19b: {  	[tilespmem:v19+s23+$0x0] =	vst.idx.msk $0xffff, v18  }
0x19c: {  	[tilespmem:v55+s23+$0x0] =	vst.idx.msk $0xffff, v20  }
0x19d: {  	v19 =	vadd.s32 v15, v17;
	v18 =	vld [tilespmem:s22+$0xFFFFFFF0]  }
0x19e: {  	v17 =	vadd.s32 v16, v17;
	v20 =	vld [tilespmem:s22+$0x0];
	_ =	sdelay $0x3  }
0x19f: {  	s24 =	simm.s32 $0x0;
	[tilespmem:v19+s23+$0x0] =	vst.idx.msk $0xffff, v18  }
0x1a0: {  	[tilespmem:v17+s23+$0x0] =	vst.idx.msk $0xffff, v20;
	v17 =	vmov s24  }
0x1a1: {  	v17 =	vshrl.u32 v17, $0x3  }
0x1a2: {  	v17 =	vshll.u32 v17, $0x3  }
0x1a3: {  	v17 =	vbroadcast v17, $0x0;
	_ =	sdelay $0x1  }
0x1a4: {  	v18 =	vld [tilespmem:s20+$0xFFFFFF10];
	v19 =	vadd.s32 v0, v17  }
0x1a5: {  	v20 =	vld [tilespmem:s20+$0xFFFFFF20];
	v56 =	vadd.s32 v2, v17;
	_ =	sdelay $0x2  }
0x1a6: {  	s22 =	sadd.s32 $0x11700, s17  }
0x1a7: {  	[tilespmem:v19+s22+$0x0] =	vst.idx.msk $0xffff, v18  }
0x1a8: {  	[tilespmem:v56+s22+$0x0] =	vst.idx.msk $0xffff, v20  }
0x1a9: {  	v19 =	vadd.s32 v3, v17;
	v18 =	vld [tilespmem:s20+$0xFFFFFF30]  }
0x1aa: {  	v57 =	vadd.s32 v4, v17;
	v20 =	vld [tilespmem:s20+$0xFFFFFF40];
	_ =	sdelay $0x3  }
0x1ab: {  	[tilespmem:v19+s22+$0x0] =	vst.idx.msk $0xffff, v18  }
0x1ac: {  	[tilespmem:v57+s22+$0x0] =	vst.idx.msk $0xffff, v20  }
0x1ad: {  	v19 =	vadd.s32 v5, v17;
	v18 =	vld [tilespmem:s20+$0xFFFFFF50]  }
0x1ae: {  	v58 =	vadd.s32 v6, v17;
	v20 =	vld [tilespmem:s20+$0xFFFFFF60];
	_ =	sdelay $0x3  }
0x1af: {  	[tilespmem:v19+s22+$0x0] =	vst.idx.msk $0xffff, v18  }
0x1b0: {  	[tilespmem:v58+s22+$0x0] =	vst.idx.msk $0xffff, v20  }
0x1b1: {  	v19 =	vadd.s32 v7, v17;
	v18 =	vld [tilespmem:s20+$0xFFFFFF70]  }
0x1b2: {  	v59 =	vadd.s32 v8, v17;
	v20 =	vld [tilespmem:s20+$0xFFFFFF80];
	_ =	sdelay $0x3  }
0x1b3: {  	[tilespmem:v19+s22+$0x0] =	vst.idx.msk $0xffff, v18  }
0x1b4: {  	[tilespmem:v59+s22+$0x0] =	vst.idx.msk $0xffff, v20  }
0x1b5: {  	v19 =	vadd.s32 v9, v17;
	v18 =	vld [tilespmem:s20+$0xFFFFFF90]  }
0x1b6: {  	v60 =	vadd.s32 v10, v17;
	v20 =	vld [tilespmem:s20+$0xFFFFFFA0];
	_ =	sdelay $0x3  }
0x1b7: {  	[tilespmem:v19+s22+$0x0] =	vst.idx.msk $0xffff, v18  }
0x1b8: {  	[tilespmem:v60+s22+$0x0] =	vst.idx.msk $0xffff, v20  }
0x1b9: {  	v19 =	vadd.s32 v11, v17;
	v18 =	vld [tilespmem:s20+$0xFFFFFFB0]  }
0x1ba: {  	v61 =	vadd.s32 v12, v17;
	v20 =	vld [tilespmem:s20+$0xFFFFFFC0];
	_ =	sdelay $0x3  }
0x1bb: {  	[tilespmem:v19+s22+$0x0] =	vst.idx.msk $0xffff, v18  }
0x1bc: {  	[tilespmem:v61+s22+$0x0] =	vst.idx.msk $0xffff, v20  }
0x1bd: {  	v19 =	vadd.s32 v13, v17;
	v18 =	vld [tilespmem:s20+$0xFFFFFFD0]  }
0x1be: {  	v62 =	vadd.s32 v14, v17;
	v20 =	vld [tilespmem:s20+$0xFFFFFFE0];
	_ =	sdelay $0x3  }
0x1bf: {  	[tilespmem:v19+s22+$0x0] =	vst.idx.msk $0xffff, v18  }
0x1c0: {  	s31 =	simm.s32 $0x8;
	[tilespmem:v62+s22+$0x0] =	vst.idx.msk $0xffff, v20  }
0x1c1: {  	v63 =	vadd.s32 v15, v17;
	v18 =	vmov s31;
	v20 =	vld [tilespmem:s20+$0xFFFFFFF0]  }
0x1c2: {  	v19 =	vshrl.u32 v18, $0x3  }
0x1c3: {  	v18 =	vld [tilespmem:s20+$0x0];
	v22 =	vshll.u32 v19, $0x3;
	v19 =	vadd.s32 v16, v17;
	_ =	sdelay $0x2  }
0x1c4: {  	s24 =	simm.s32 $0x10;
	v17 =	vbroadcast v22, $0x0;
	[tilespmem:v63+s22+$0x0] =	vst.idx.msk $0xffff, v20  }
.LBB2_9:
0x1c5: {  	p1 =	slt.u32 s24, $0x78  }
0x1c6: {  	[tilespmem:v19+s22+$0x0] =	vst.idx.msk $0xffff, v18;
	s20 =	sadd.s32 $0x100, s20;
	s25 =	smov.u32 s24;
	s24 =	sadd.s32 $0x8, s24  }
0x1c7: {  	v18 =	vld [tilespmem:s20+$0xFFFFFF10];
	v19 =	vadd.s32 v0, v17  }
0x1c8: {  	v21 =	vadd.s32 v2, v17;
	v20 =	vld [tilespmem:s20+$0xFFFFFF20];
	_ =	sdelay $0x3  }
0x1c9: {  	[tilespmem:v19+s22+$0x0] =	vst.idx.msk $0xffff, v18  }
0x1ca: {  	[tilespmem:v21+s22+$0x0] =	vst.idx.msk $0xffff, v20  }
0x1cb: {  	v19 =	vadd.s32 v3, v17;
	v18 =	vld [tilespmem:s20+$0xFFFFFF30]  }
0x1cc: {  	v21 =	vadd.s32 v4, v17;
	v20 =	vld [tilespmem:s20+$0xFFFFFF40];
	_ =	sdelay $0x3  }
0x1cd: {  	[tilespmem:v19+s22+$0x0] =	vst.idx.msk $0xffff, v18  }
0x1ce: {  	[tilespmem:v21+s22+$0x0] =	vst.idx.msk $0xffff, v20  }
0x1cf: {  	v19 =	vadd.s32 v5, v17;
	v18 =	vld [tilespmem:s20+$0xFFFFFF50]  }
0x1d0: {  	v21 =	vadd.s32 v6, v17;
	v20 =	vld [tilespmem:s20+$0xFFFFFF60];
	_ =	sdelay $0x3  }
0x1d1: {  	[tilespmem:v19+s22+$0x0] =	vst.idx.msk $0xffff, v18  }
0x1d2: {  	[tilespmem:v21+s22+$0x0] =	vst.idx.msk $0xffff, v20  }
0x1d3: {  	v19 =	vadd.s32 v7, v17;
	v18 =	vld [tilespmem:s20+$0xFFFFFF70]  }
0x1d4: {  	v21 =	vadd.s32 v8, v17;
	v20 =	vld [tilespmem:s20+$0xFFFFFF80];
	_ =	sdelay $0x3  }
0x1d5: {  	[tilespmem:v19+s22+$0x0] =	vst.idx.msk $0xffff, v18  }
0x1d6: {  	[tilespmem:v21+s22+$0x0] =	vst.idx.msk $0xffff, v20  }
0x1d7: {  	v19 =	vadd.s32 v9, v17;
	v18 =	vld [tilespmem:s20+$0xFFFFFF90]  }
0x1d8: {  	v21 =	vadd.s32 v10, v17;
	v20 =	vld [tilespmem:s20+$0xFFFFFFA0];
	_ =	sdelay $0x3  }
0x1d9: {  	[tilespmem:v19+s22+$0x0] =	vst.idx.msk $0xffff, v18  }
0x1da: {  	[tilespmem:v21+s22+$0x0] =	vst.idx.msk $0xffff, v20  }
0x1db: {  	v19 =	vadd.s32 v11, v17;
	v18 =	vld [tilespmem:s20+$0xFFFFFFB0]  }
0x1dc: {  	v21 =	vadd.s32 v12, v17;
	v20 =	vld [tilespmem:s20+$0xFFFFFFC0];
	_ =	sdelay $0x3  }
0x1dd: {  	[tilespmem:v19+s22+$0x0] =	vst.idx.msk $0xffff, v18  }
0x1de: {  	[tilespmem:v21+s22+$0x0] =	vst.idx.msk $0xffff, v20  }
0x1df: {  	v19 =	vadd.s32 v13, v17;
	v18 =	vld [tilespmem:s20+$0xFFFFFFD0]  }
0x1e0: {  	v21 =	vadd.s32 v14, v17;
	v20 =	vld [tilespmem:s20+$0xFFFFFFE0];
	_ =	sdelay $0x3  }
0x1e1: {  	[tilespmem:v19+s22+$0x0] =	vst.idx.msk $0xffff, v18  }
0x1e2: {  	[tilespmem:v21+s22+$0x0] =	vst.idx.msk $0xffff, v20  }
0x1e3: {  	v21 =	vadd.s32 v15, v17;
	v20 =	vld [tilespmem:s20+$0xFFFFFFF0]  }
.Ltmp3:
0x1e4: {  	v19 =	vadd.s32 v16, v17;
	v18 =	vld [tilespmem:s20+$0x0];
	(pc) =	sbr.rel @p1 .LBB2_9-.Ltmp3, $4  }
0x1e5: {  	v17 =	vmov s25  }
0x1e6: {  	v17 =	vshrl.u32 v17, $0x3  }
0x1e7: {  	v17 =	vshll.u32 v17, $0x3  }
0x1e8: {  	v17 =	vbroadcast v17, $0x0;
	[tilespmem:v21+s22+$0x0] =	vst.idx.msk $0xffff, v20  }
0x1e9: {  	_ =	sdelay $0x3  }
0x1ea: {  	[tilespmem:v19+s22+$0x0] =	vst.idx.msk $0xffff, v18;
	s20 =	sadd.s32 $0x100, s20  }
0x1eb: {  	v18 =	vld [tilespmem:s20+$0xFFFFFF10];
	v19 =	vadd.s32 v0, v17  }
0x1ec: {  	v20 =	vld [tilespmem:s20+$0xFFFFFF20];
	v21 =	vadd.s32 v2, v17;
	_ =	sdelay $0x3  }
0x1ed: {  	[tilespmem:v19+s22+$0x0] =	vst.idx.msk $0xffff, v18  }
0x1ee: {  	[tilespmem:v21+s22+$0x0] =	vst.idx.msk $0xffff, v20  }
0x1ef: {  	v19 =	vadd.s32 v3, v17;
	v18 =	vld [tilespmem:s20+$0xFFFFFF30]  }
0x1f0: {  	v58 =	vadd.s32 v4, v17;
	v20 =	vld [tilespmem:s20+$0xFFFFFF40];
	_ =	sdelay $0x3  }
0x1f1: {  	[tilespmem:v19+s22+$0x0] =	vst.idx.msk $0xffff, v18  }
0x1f2: {  	[tilespmem:v58+s22+$0x0] =	vst.idx.msk $0xffff, v20  }
0x1f3: {  	v19 =	vadd.s32 v5, v17;
	v18 =	vld [tilespmem:s20+$0xFFFFFF50]  }
0x1f4: {  	v59 =	vadd.s32 v6, v17;
	v20 =	vld [tilespmem:s20+$0xFFFFFF60];
	_ =	sdelay $0x3  }
0x1f5: {  	[tilespmem:v19+s22+$0x0] =	vst.idx.msk $0xffff, v18  }
0x1f6: {  	[tilespmem:v59+s22+$0x0] =	vst.idx.msk $0xffff, v20  }
0x1f7: {  	v19 =	vadd.s32 v7, v17;
	v18 =	vld [tilespmem:s20+$0xFFFFFF70]  }
0x1f8: {  	v60 =	vadd.s32 v8, v17;
	v20 =	vld [tilespmem:s20+$0xFFFFFF80];
	_ =	sdelay $0x3  }
0x1f9: {  	[tilespmem:v19+s22+$0x0] =	vst.idx.msk $0xffff, v18  }
0x1fa: {  	[tilespmem:v60+s22+$0x0] =	vst.idx.msk $0xffff, v20  }
0x1fb: {  	v19 =	vadd.s32 v9, v17;
	v18 =	vld [tilespmem:s20+$0xFFFFFF90]  }
0x1fc: {  	v61 =	vadd.s32 v10, v17;
	v20 =	vld [tilespmem:s20+$0xFFFFFFA0];
	_ =	sdelay $0x3  }
0x1fd: {  	[tilespmem:v19+s22+$0x0] =	vst.idx.msk $0xffff, v18  }
0x1fe: {  	[tilespmem:v61+s22+$0x0] =	vst.idx.msk $0xffff, v20  }
0x1ff: {  	v19 =	vadd.s32 v11, v17;
	v18 =	vld [tilespmem:s20+$0xFFFFFFB0]  }
0x200: {  	v62 =	vadd.s32 v12, v17;
	v20 =	vld [tilespmem:s20+$0xFFFFFFC0];
	_ =	sdelay $0x3  }
0x201: {  	[tilespmem:v19+s22+$0x0] =	vst.idx.msk $0xffff, v18  }
0x202: {  	[tilespmem:v62+s22+$0x0] =	vst.idx.msk $0xffff, v20  }
0x203: {  	v19 =	vadd.s32 v13, v17;
	v18 =	vld [tilespmem:s20+$0xFFFFFFD0]  }
0x204: {  	v63 =	vadd.s32 v14, v17;
	v20 =	vld [tilespmem:s20+$0xFFFFFFE0];
	_ =	sdelay $0x3  }
0x205: {  	[tilespmem:v19+s22+$0x0] =	vst.idx.msk $0xffff, v18  }
0x206: {  	[tilespmem:v63+s22+$0x0] =	vst.idx.msk $0xffff, v20  }
0x207: {  	v19 =	vadd.s32 v15, v17;
	v18 =	vld [tilespmem:s20+$0xFFFFFFF0]  }
0x208: {  	v17 =	vadd.s32 v16, v17;
	v20 =	vld [tilespmem:s20+$0x0]  }
0x209: {  	s30 =	sadd.s32 s5, s16  }
0x20a: {  	s20 =	sshll.u32 s30, $0x11  }
0x20b: {  	s20 =	sor.u32 s6, s20  }
0x20c: {  	s20 =	sshrl.u32 s20, $0x3;
	[tilespmem:v19+s22+$0x0] =	vst.idx.msk $0xffff, v18  }
0x20d: {  	s18 =	sadd.s32 $0x3, s18;
	s20 =	sadd.s32 s2, s20;
	[tilespmem:v17+s22+$0x0] =	vst.idx.msk $0xffff, v20  }
0x20e: {  	[hbm4b:s20+s3] =	stream.linear.scatter [tilespmem:s19], [sflag:s18], $0x80, $0x38;
	[tilespmem:$0x16C00] =	vst v63  }
0x20f: {  	s31 =	sadd.s32 $0xE488, s17;
	s24 =	sadd.s32 $0x10, s20  }
0x210: {  	[hbm4b:s24+s3] =	stream.linear.scatter [tilespmem:s31], [sflag:s18], $0x80, $0x38;
	[tilespmem:$0x16C00] =	vst v63  }
0x211: {  	s25 =	sadd.s32 $0xE510, s17;
	s26 =	sadd.s32 $0x20, s20  }
0x212: {  	[hbm4b:s26+s3] =	stream.linear.scatter [tilespmem:s25], [sflag:s18], $0x80, $0x38;
	[tilespmem:$0x16C00] =	vst v63  }
0x213: {  	s28 =	sadd.s32 $0xE598, s17;
	s29 =	sadd.s32 $0x30, s20  }
0x214: {  	[hbm4b:s29+s3] =	stream.linear.scatter [tilespmem:s28], [sflag:s18], $0x80, $0x38;
	[tilespmem:$0x16C00] =	vst v63  }
0x215: {  	s30 =	sadd.s32 $0xE620, s17;
	s31 =	sadd.s32 $0x40, s20  }
0x216: {  	[hbm4b:s31+s3] =	stream.linear.scatter [tilespmem:s30], [sflag:s18], $0x80, $0x38;
	[tilespmem:$0x16C00] =	vst v63  }
0x217: {  	s25 =	sadd.s32 $0xE6A8, s17;
	s26 =	sadd.s32 $0x50, s20  }
0x218: {  	[hbm4b:s26+s3] =	stream.linear.scatter [tilespmem:s25], [sflag:s18], $0x80, $0x38;
	[tilespmem:$0x16C00] =	vst v63  }
0x219: {  	s28 =	sadd.s32 $0xE730, s17;
	s29 =	sadd.s32 $0x60, s20  }
0x21a: {  	[hbm4b:s29+s3] =	stream.linear.scatter [tilespmem:s28], [sflag:s18], $0x80, $0x38;
	[tilespmem:$0x16C00] =	vst v63  }
0x21b: {  	s30 =	sadd.s32 $0xE7B8, s17;
	s31 =	sadd.s32 $0x70, s20  }
0x21c: {  	[hbm4b:s31+s3] =	stream.linear.scatter [tilespmem:s30], [sflag:s18], $0x80, $0x38;
	[tilespmem:$0x16C00] =	vst v63  }
0x21d: {  	s25 =	sadd.s32 $0xE840, s17;
	s26 =	sadd.s32 $0x1000, s20  }
0x21e: {  	[hbm4b:s26+s3] =	stream.linear.scatter [tilespmem:s25], [sflag:s18], $0x80, $0x38;
	[tilespmem:$0x16C00] =	vst v63  }
0x21f: {  	s28 =	sadd.s32 $0xE8C8, s17;
	s29 =	sadd.s32 $0x1010, s20  }
0x220: {  	[hbm4b:s29+s3] =	stream.linear.scatter [tilespmem:s28], [sflag:s18], $0x80, $0x38;
	[tilespmem:$0x16C00] =	vst v63  }
0x221: {  	s30 =	sadd.s32 $0xE950, s17;
	s31 =	sadd.s32 $0x1020, s20  }
0x222: {  	[hbm4b:s31+s3] =	stream.linear.scatter [tilespmem:s30], [sflag:s18], $0x80, $0x38;
	[tilespmem:$0x16C00] =	vst v63  }
0x223: {  	s25 =	sadd.s32 $0xE9D8, s17;
	s26 =	sadd.s32 $0x1030, s20  }
0x224: {  	[hbm4b:s26+s3] =	stream.linear.scatter [tilespmem:s25], [sflag:s18], $0x80, $0x38;
	[tilespmem:$0x16C00] =	vst v63  }
0x225: {  	s28 =	sadd.s32 $0xEA60, s17;
	s29 =	sadd.s32 $0x1040, s20  }
0x226: {  	[hbm4b:s29+s3] =	stream.linear.scatter [tilespmem:s28], [sflag:s18], $0x80, $0x38;
	[tilespmem:$0x16C00] =	vst v63  }
0x227: {  	s30 =	sadd.s32 $0xEAE8, s17;
	s31 =	sadd.s32 $0x1050, s20  }
0x228: {  	[hbm4b:s31+s3] =	stream.linear.scatter [tilespmem:s30], [sflag:s18], $0x80, $0x38;
	[tilespmem:$0x16C00] =	vst v63  }
0x229: {  	s25 =	sadd.s32 $0xEB70, s17;
	s26 =	sadd.s32 $0x1060, s20  }
0x22a: {  	[hbm4b:s26+s3] =	stream.linear.scatter [tilespmem:s25], [sflag:s18], $0x80, $0x38;
	[tilespmem:$0x16C00] =	vst v63  }
0x22b: {  	s28 =	sadd.s32 $0xEBF8, s17;
	s29 =	sadd.s32 $0x1070, s20  }
0x22c: {  	[hbm4b:s29+s3] =	stream.linear.scatter [tilespmem:s28], [sflag:s18], $0x80, $0x38;
	[tilespmem:$0x16C00] =	vst v63  }
0x22d: {  	s30 =	sadd.s32 $0xEC80, s17;
	s31 =	sadd.s32 $0x2000, s20  }
0x22e: {  	[hbm4b:s31+s3] =	stream.linear.scatter [tilespmem:s30], [sflag:s18], $0x80, $0x38;
	[tilespmem:$0x16C00] =	vst v63  }
0x22f: {  	s25 =	sadd.s32 $0xED08, s17;
	s26 =	sadd.s32 $0x2010, s20  }
0x230: {  	[hbm4b:s26+s3] =	stream.linear.scatter [tilespmem:s25], [sflag:s18], $0x80, $0x38;
	[tilespmem:$0x16C00] =	vst v63  }
0x231: {  	s28 =	sadd.s32 $0xED90, s17;
	s29 =	sadd.s32 $0x2020, s20  }
0x232: {  	[hbm4b:s29+s3] =	stream.linear.scatter [tilespmem:s28], [sflag:s18], $0x80, $0x38;
	[tilespmem:$0x16C00] =	vst v63  }
0x233: {  	s30 =	sadd.s32 $0xEE18, s17;
	s31 =	sadd.s32 $0x2030, s20  }
0x234: {  	[hbm4b:s31+s3] =	stream.linear.scatter [tilespmem:s30], [sflag:s18], $0x80, $0x38;
	[tilespmem:$0x16C00] =	vst v63  }
0x235: {  	s25 =	sadd.s32 $0xEEA0, s17;
	s26 =	sadd.s32 $0x2040, s20  }
0x236: {  	[hbm4b:s26+s3] =	stream.linear.scatter [tilespmem:s25], [sflag:s18], $0x80, $0x38;
	[tilespmem:$0x16C00] =	vst v63  }
0x237: {  	s28 =	sadd.s32 $0xEF28, s17;
	s29 =	sadd.s32 $0x2050, s20  }
0x238: {  	[hbm4b:s29+s3] =	stream.linear.scatter [tilespmem:s28], [sflag:s18], $0x80, $0x38;
	[tilespmem:$0x16C00] =	vst v63  }
0x239: {  	s30 =	sadd.s32 $0xEFB0, s17;
	s31 =	sadd.s32 $0x2060, s20  }
0x23a: {  	[hbm4b:s31+s3] =	stream.linear.scatter [tilespmem:s30], [sflag:s18], $0x80, $0x38;
	[tilespmem:$0x16C00] =	vst v63  }
0x23b: {  	s25 =	sadd.s32 $0xF038, s17;
	s26 =	sadd.s32 $0x2070, s20  }
0x23c: {  	[hbm4b:s26+s3] =	stream.linear.scatter [tilespmem:s25], [sflag:s18], $0x80, $0x38;
	[tilespmem:$0x16C00] =	vst v63  }
0x23d: {  	s28 =	sadd.s32 $0xF0C0, s17;
	s29 =	sadd.s32 $0x3000, s20  }
0x23e: {  	[hbm4b:s29+s3] =	stream.linear.scatter [tilespmem:s28], [sflag:s18], $0x80, $0x38;
	[tilespmem:$0x16C00] =	vst v63  }
0x23f: {  	s30 =	sadd.s32 $0xF148, s17;
	s31 =	sadd.s32 $0x3010, s20  }
0x240: {  	[hbm4b:s31+s3] =	stream.linear.scatter [tilespmem:s30], [sflag:s18], $0x80, $0x38;
	[tilespmem:$0x16C00] =	vst v63  }
0x241: {  	s25 =	sadd.s32 $0xF1D0, s17;
	s26 =	sadd.s32 $0x3020, s20  }
0x242: {  	[hbm4b:s26+s3] =	stream.linear.scatter [tilespmem:s25], [sflag:s18], $0x80, $0x38;
	[tilespmem:$0x16C00] =	vst v63  }
0x243: {  	s28 =	sadd.s32 $0xF258, s17;
	s29 =	sadd.s32 $0x3030, s20  }
0x244: {  	[hbm4b:s29+s3] =	stream.linear.scatter [tilespmem:s28], [sflag:s18], $0x80, $0x38;
	[tilespmem:$0x16C00] =	vst v63  }
0x245: {  	s30 =	sadd.s32 $0xF2E0, s17;
	s31 =	sadd.s32 $0x3040, s20  }
0x246: {  	[hbm4b:s31+s3] =	stream.linear.scatter [tilespmem:s30], [sflag:s18], $0x80, $0x38;
	[tilespmem:$0x16C00] =	vst v63  }
0x247: {  	s25 =	sadd.s32 $0xF368, s17;
	s26 =	sadd.s32 $0x3050, s20  }
0x248: {  	[hbm4b:s26+s3] =	stream.linear.scatter [tilespmem:s25], [sflag:s18], $0x80, $0x38;
	[tilespmem:$0x16C00] =	vst v63  }
0x249: {  	s28 =	sadd.s32 $0xF3F0, s17;
	s29 =	sadd.s32 $0x3060, s20  }
0x24a: {  	[hbm4b:s29+s3] =	stream.linear.scatter [tilespmem:s28], [sflag:s18], $0x80, $0x38;
	[tilespmem:$0x16C00] =	vst v63  }
0x24b: {  	s30 =	sadd.s32 $0xF478, s17;
	s31 =	sadd.s32 $0x3070, s20  }
0x24c: {  	[hbm4b:s31+s3] =	stream.linear.scatter [tilespmem:s30], [sflag:s18], $0x80, $0x38;
	[tilespmem:$0x16C00] =	vst v63  }
0x24d: {  	s24 =	sadd.s32 $0x80, s20  }
0x24e: {  	[hbm4b:s24+s3] =	stream.linear.scatter [tilespmem:s21], [sflag:s18], $0x80, $0x38;
	[tilespmem:$0x16C00] =	vst v63  }
0x24f: {  	s25 =	sadd.s32 $0xF588, s17;
	s26 =	sadd.s32 $0x90, s20  }
0x250: {  	[hbm4b:s26+s3] =	stream.linear.scatter [tilespmem:s25], [sflag:s18], $0x80, $0x38;
	[tilespmem:$0x16C00] =	vst v63  }
0x251: {  	s28 =	sadd.s32 $0xF610, s17;
	s29 =	sadd.s32 $0xA0, s20  }
0x252: {  	[hbm4b:s29+s3] =	stream.linear.scatter [tilespmem:s28], [sflag:s18], $0x80, $0x38;
	[tilespmem:$0x16C00] =	vst v63  }
0x253: {  	s30 =	sadd.s32 $0xF698, s17;
	s31 =	sadd.s32 $0xB0, s20  }
0x254: {  	[hbm4b:s31+s3] =	stream.linear.scatter [tilespmem:s30], [sflag:s18], $0x80, $0x38;
	[tilespmem:$0x16C00] =	vst v63  }
0x255: {  	s21 =	sadd.s32 $0xF720, s17;
	s24 =	sadd.s32 $0xC0, s20  }
0x256: {  	[hbm4b:s24+s3] =	stream.linear.scatter [tilespmem:s21], [sflag:s18], $0x80, $0x38;
	[tilespmem:$0x16C00] =	vst v63  }
0x257: {  	s25 =	sadd.s32 $0xF7A8, s17;
	s26 =	sadd.s32 $0xD0, s20  }
0x258: {  	[hbm4b:s26+s3] =	stream.linear.scatter [tilespmem:s25], [sflag:s18], $0x80, $0x38;
	[tilespmem:$0x16C00] =	vst v63  }
0x259: {  	s28 =	sadd.s32 $0xF830, s17;
	s29 =	sadd.s32 $0xE0, s20  }
0x25a: {  	[hbm4b:s29+s3] =	stream.linear.scatter [tilespmem:s28], [sflag:s18], $0x80, $0x38;
	[tilespmem:$0x16C00] =	vst v63  }
0x25b: {  	s30 =	sadd.s32 $0xF8B8, s17;
	s31 =	sadd.s32 $0xF0, s20  }
0x25c: {  	[hbm4b:s31+s3] =	stream.linear.scatter [tilespmem:s30], [sflag:s18], $0x80, $0x38;
	[tilespmem:$0x16C00] =	vst v63  }
0x25d: {  	s21 =	sadd.s32 $0xF940, s17;
	s24 =	sadd.s32 $0x1080, s20  }
0x25e: {  	[hbm4b:s24+s3] =	stream.linear.scatter [tilespmem:s21], [sflag:s18], $0x80, $0x38;
	[tilespmem:$0x16C00] =	vst v63  }
0x25f: {  	s25 =	sadd.s32 $0xF9C8, s17;
	s26 =	sadd.s32 $0x1090, s20  }
0x260: {  	[hbm4b:s26+s3] =	stream.linear.scatter [tilespmem:s25], [sflag:s18], $0x80, $0x38;
	[tilespmem:$0x16C00] =	vst v63  }
0x261: {  	s28 =	sadd.s32 $0xFA50, s17;
	s29 =	sadd.s32 $0x10A0, s20  }
0x262: {  	[hbm4b:s29+s3] =	stream.linear.scatter [tilespmem:s28], [sflag:s18], $0x80, $0x38;
	[tilespmem:$0x16C00] =	vst v63  }
0x263: {  	s30 =	sadd.s32 $0xFAD8, s17;
	s31 =	sadd.s32 $0x10B0, s20  }
0x264: {  	[hbm4b:s31+s3] =	stream.linear.scatter [tilespmem:s30], [sflag:s18], $0x80, $0x38;
	[tilespmem:$0x16C00] =	vst v63  }
0x265: {  	s21 =	sadd.s32 $0xFB60, s17;
	s24 =	sadd.s32 $0x10C0, s20  }
0x266: {  	[hbm4b:s24+s3] =	stream.linear.scatter [tilespmem:s21], [sflag:s18], $0x80, $0x38;
	[tilespmem:$0x16C00] =	vst v63  }
0x267: {  	s25 =	sadd.s32 $0xFBE8, s17;
	s26 =	sadd.s32 $0x10D0, s20  }
0x268: {  	[hbm4b:s26+s3] =	stream.linear.scatter [tilespmem:s25], [sflag:s18], $0x80, $0x38;
	[tilespmem:$0x16C00] =	vst v63  }
0x269: {  	s28 =	sadd.s32 $0xFC70, s17;
	s29 =	sadd.s32 $0x10E0, s20  }
0x26a: {  	[hbm4b:s29+s3] =	stream.linear.scatter [tilespmem:s28], [sflag:s18], $0x80, $0x38;
	[tilespmem:$0x16C00] =	vst v63  }
0x26b: {  	s30 =	sadd.s32 $0xFCF8, s17;
	s31 =	sadd.s32 $0x10F0, s20  }
0x26c: {  	[hbm4b:s31+s3] =	stream.linear.scatter [tilespmem:s30], [sflag:s18], $0x80, $0x38;
	[tilespmem:$0x16C00] =	vst v63  }
0x26d: {  	s21 =	sadd.s32 $0xFD80, s17;
	s24 =	sadd.s32 $0x2080, s20  }
0x26e: {  	[hbm4b:s24+s3] =	stream.linear.scatter [tilespmem:s21], [sflag:s18], $0x80, $0x38;
	[tilespmem:$0x16C00] =	vst v63  }
0x26f: {  	s25 =	sadd.s32 $0xFE08, s17;
	s26 =	sadd.s32 $0x2090, s20  }
0x270: {  	[hbm4b:s26+s3] =	stream.linear.scatter [tilespmem:s25], [sflag:s18], $0x80, $0x38;
	[tilespmem:$0x16C00] =	vst v63  }
0x271: {  	s28 =	sadd.s32 $0xFE90, s17;
	s29 =	sadd.s32 $0x20A0, s20  }
0x272: {  	[hbm4b:s29+s3] =	stream.linear.scatter [tilespmem:s28], [sflag:s18], $0x80, $0x38;
	[tilespmem:$0x16C00] =	vst v63  }
0x273: {  	s30 =	sadd.s32 $0xFF18, s17;
	s31 =	sadd.s32 $0x20B0, s20  }
0x274: {  	[hbm4b:s31+s3] =	stream.linear.scatter [tilespmem:s30], [sflag:s18], $0x80, $0x38;
	[tilespmem:$0x16C00] =	vst v63  }
0x275: {  	s21 =	sadd.s32 $0xFFA0, s17;
	s24 =	sadd.s32 $0x20C0, s20  }
0x276: {  	[hbm4b:s24+s3] =	stream.linear.scatter [tilespmem:s21], [sflag:s18], $0x80, $0x38;
	[tilespmem:$0x16C00] =	vst v63  }
0x277: {  	s25 =	sadd.s32 $0x10028, s17;
	s26 =	sadd.s32 $0x20D0, s20  }
0x278: {  	[hbm4b:s26+s3] =	stream.linear.scatter [tilespmem:s25], [sflag:s18], $0x80, $0x38;
	[tilespmem:$0x16C00] =	vst v63  }
0x279: {  	s28 =	sadd.s32 $0x100B0, s17;
	s29 =	sadd.s32 $0x20E0, s20  }
0x27a: {  	[hbm4b:s29+s3] =	stream.linear.scatter [tilespmem:s28], [sflag:s18], $0x80, $0x38;
	[tilespmem:$0x16C00] =	vst v63  }
0x27b: {  	s30 =	sadd.s32 $0x10138, s17;
	s31 =	sadd.s32 $0x20F0, s20  }
0x27c: {  	[hbm4b:s31+s3] =	stream.linear.scatter [tilespmem:s30], [sflag:s18], $0x80, $0x38;
	[tilespmem:$0x16C00] =	vst v63  }
0x27d: {  	s21 =	sadd.s32 $0x101C0, s17;
	s24 =	sadd.s32 $0x3080, s20  }
0x27e: {  	[hbm4b:s24+s3] =	stream.linear.scatter [tilespmem:s21], [sflag:s18], $0x80, $0x38;
	[tilespmem:$0x16C00] =	vst v63  }
0x27f: {  	s25 =	sadd.s32 $0x10248, s17;
	s26 =	sadd.s32 $0x3090, s20  }
0x280: {  	[hbm4b:s26+s3] =	stream.linear.scatter [tilespmem:s25], [sflag:s18], $0x80, $0x38;
	[tilespmem:$0x16C00] =	vst v63  }
0x281: {  	s28 =	sadd.s32 $0x102D0, s17;
	s29 =	sadd.s32 $0x30A0, s20  }
0x282: {  	[hbm4b:s29+s3] =	stream.linear.scatter [tilespmem:s28], [sflag:s18], $0x80, $0x38;
	[tilespmem:$0x16C00] =	vst v63  }
0x283: {  	s30 =	sadd.s32 $0x10358, s17;
	s31 =	sadd.s32 $0x30B0, s20  }
0x284: {  	[hbm4b:s31+s3] =	stream.linear.scatter [tilespmem:s30], [sflag:s18], $0x80, $0x38;
	[tilespmem:$0x16C00] =	vst v63  }
0x285: {  	s21 =	sadd.s32 $0x103E0, s17;
	s24 =	sadd.s32 $0x30C0, s20  }
0x286: {  	[hbm4b:s24+s3] =	stream.linear.scatter [tilespmem:s21], [sflag:s18], $0x80, $0x38;
	[tilespmem:$0x16C00] =	vst v63  }
0x287: {  	s25 =	sadd.s32 $0x10468, s17;
	s26 =	sadd.s32 $0x30D0, s20  }
0x288: {  	[hbm4b:s26+s3] =	stream.linear.scatter [tilespmem:s25], [sflag:s18], $0x80, $0x38;
	[tilespmem:$0x16C00] =	vst v63  }
0x289: {  	s28 =	sadd.s32 $0x104F0, s17;
	s29 =	sadd.s32 $0x30E0, s20  }
0x28a: {  	[hbm4b:s29+s3] =	stream.linear.scatter [tilespmem:s28], [sflag:s18], $0x80, $0x38;
	[tilespmem:$0x16C00] =	vst v63  }
0x28b: {  	s30 =	sadd.s32 $0x10578, s17;
	s31 =	sadd.s32 $0x30F0, s20  }
0x28c: {  	[hbm4b:s31+s3] =	stream.linear.scatter [tilespmem:s30], [sflag:s18], $0x80, $0x38;
	[tilespmem:$0x16C00] =	vst v63  }
0x28d: {  	s21 =	sadd.s32 $0x100, s20  }
0x28e: {  	[hbm4b:s21+s3] =	stream.linear.scatter [tilespmem:s23], [sflag:s18], $0x80, $0x38;
	[tilespmem:$0x16C00] =	vst v63  }
0x28f: {  	s24 =	sadd.s32 $0x110, s20;
	s23 =	sadd.s32 $0x10688, s17  }
0x290: {  	[hbm4b:s24+s3] =	stream.linear.scatter [tilespmem:s23], [sflag:s18], $0x80, $0x38;
	[tilespmem:$0x16C00] =	vst v63  }
0x291: {  	s25 =	sadd.s32 $0x10710, s17;
	s26 =	sadd.s32 $0x120, s20  }
0x292: {  	[hbm4b:s26+s3] =	stream.linear.scatter [tilespmem:s25], [sflag:s18], $0x80, $0x38;
	[tilespmem:$0x16C00] =	vst v63  }
0x293: {  	s28 =	sadd.s32 $0x10798, s17;
	s29 =	sadd.s32 $0x130, s20  }
0x294: {  	[hbm4b:s29+s3] =	stream.linear.scatter [tilespmem:s28], [sflag:s18], $0x80, $0x38;
	[tilespmem:$0x16C00] =	vst v63  }
0x295: {  	s30 =	sadd.s32 $0x10820, s17;
	s31 =	sadd.s32 $0x140, s20  }
0x296: {  	[hbm4b:s31+s3] =	stream.linear.scatter [tilespmem:s30], [sflag:s18], $0x80, $0x38;
	[tilespmem:$0x16C00] =	vst v63  }
0x297: {  	s23 =	sadd.s32 $0x108A8, s17;
	s24 =	sadd.s32 $0x150, s20  }
0x298: {  	[hbm4b:s24+s3] =	stream.linear.scatter [tilespmem:s23], [sflag:s18], $0x80, $0x38;
	[tilespmem:$0x16C00] =	vst v63  }
0x299: {  	s25 =	sadd.s32 $0x10930, s17;
	s26 =	sadd.s32 $0x160, s20  }
0x29a: {  	[hbm4b:s26+s3] =	stream.linear.scatter [tilespmem:s25], [sflag:s18], $0x80, $0x38;
	[tilespmem:$0x16C00] =	vst v63  }
0x29b: {  	s28 =	sadd.s32 $0x109B8, s17;
	s29 =	sadd.s32 $0x170, s20  }
0x29c: {  	[hbm4b:s29+s3] =	stream.linear.scatter [tilespmem:s28], [sflag:s18], $0x80, $0x38;
	[tilespmem:$0x16C00] =	vst v63  }
0x29d: {  	s30 =	sadd.s32 $0x10A40, s17;
	s31 =	sadd.s32 $0x1100, s20  }
0x29e: {  	[hbm4b:s31+s3] =	stream.linear.scatter [tilespmem:s30], [sflag:s18], $0x80, $0x38;
	[tilespmem:$0x16C00] =	vst v63  }
0x29f: {  	s23 =	sadd.s32 $0x10AC8, s17;
	s24 =	sadd.s32 $0x1110, s20  }
0x2a0: {  	[hbm4b:s24+s3] =	stream.linear.scatter [tilespmem:s23], [sflag:s18], $0x80, $0x38;
	[tilespmem:$0x16C00] =	vst v63  }
0x2a1: {  	s25 =	sadd.s32 $0x10B50, s17;
	s26 =	sadd.s32 $0x1120, s20  }
0x2a2: {  	[hbm4b:s26+s3] =	stream.linear.scatter [tilespmem:s25], [sflag:s18], $0x80, $0x38;
	[tilespmem:$0x16C00] =	vst v63  }
0x2a3: {  	s28 =	sadd.s32 $0x10BD8, s17;
	s29 =	sadd.s32 $0x1130, s20  }
0x2a4: {  	[hbm4b:s29+s3] =	stream.linear.scatter [tilespmem:s28], [sflag:s18], $0x80, $0x38;
	[tilespmem:$0x16C00] =	vst v63  }
0x2a5: {  	s30 =	sadd.s32 $0x10C60, s17;
	s31 =	sadd.s32 $0x1140, s20  }
0x2a6: {  	[hbm4b:s31+s3] =	stream.linear.scatter [tilespmem:s30], [sflag:s18], $0x80, $0x38;
	[tilespmem:$0x16C00] =	vst v63  }
0x2a7: {  	s23 =	sadd.s32 $0x10CE8, s17;
	s24 =	sadd.s32 $0x1150, s20  }
0x2a8: {  	[hbm4b:s24+s3] =	stream.linear.scatter [tilespmem:s23], [sflag:s18], $0x80, $0x38;
	[tilespmem:$0x16C00] =	vst v63  }
0x2a9: {  	s25 =	sadd.s32 $0x10D70, s17;
	s26 =	sadd.s32 $0x1160, s20  }
0x2aa: {  	[hbm4b:s26+s3] =	stream.linear.scatter [tilespmem:s25], [sflag:s18], $0x80, $0x38;
	[tilespmem:$0x16C00] =	vst v63  }
0x2ab: {  	s28 =	sadd.s32 $0x10DF8, s17;
	s29 =	sadd.s32 $0x1170, s20  }
0x2ac: {  	[hbm4b:s29+s3] =	stream.linear.scatter [tilespmem:s28], [sflag:s18], $0x80, $0x38;
	[tilespmem:$0x16C00] =	vst v63  }
0x2ad: {  	s30 =	sadd.s32 $0x10E80, s17;
	s31 =	sadd.s32 $0x2100, s20  }
0x2ae: {  	[hbm4b:s31+s3] =	stream.linear.scatter [tilespmem:s30], [sflag:s18], $0x80, $0x38;
	[tilespmem:$0x16C00] =	vst v63  }
0x2af: {  	s23 =	sadd.s32 $0x10F08, s17;
	s24 =	sadd.s32 $0x2110, s20  }
0x2b0: {  	[hbm4b:s24+s3] =	stream.linear.scatter [tilespmem:s23], [sflag:s18], $0x80, $0x38;
	[tilespmem:$0x16C00] =	vst v63  }
0x2b1: {  	s25 =	sadd.s32 $0x10F90, s17;
	s26 =	sadd.s32 $0x2120, s20  }
0x2b2: {  	[hbm4b:s26+s3] =	stream.linear.scatter [tilespmem:s25], [sflag:s18], $0x80, $0x38;
	[tilespmem:$0x16C00] =	vst v63  }
0x2b3: {  	s28 =	sadd.s32 $0x11018, s17;
	s29 =	sadd.s32 $0x2130, s20  }
0x2b4: {  	[hbm4b:s29+s3] =	stream.linear.scatter [tilespmem:s28], [sflag:s18], $0x80, $0x38;
	[tilespmem:$0x16C00] =	vst v63  }
0x2b5: {  	s30 =	sadd.s32 $0x110A0, s17;
	s31 =	sadd.s32 $0x2140, s20  }
0x2b6: {  	[hbm4b:s31+s3] =	stream.linear.scatter [tilespmem:s30], [sflag:s18], $0x80, $0x38;
	[tilespmem:$0x16C00] =	vst v63  }
0x2b7: {  	s23 =	sadd.s32 $0x11128, s17;
	s24 =	sadd.s32 $0x2150, s20  }
0x2b8: {  	[hbm4b:s24+s3] =	stream.linear.scatter [tilespmem:s23], [sflag:s18], $0x80, $0x38;
	[tilespmem:$0x16C00] =	vst v63  }
0x2b9: {  	s25 =	sadd.s32 $0x111B0, s17;
	s26 =	sadd.s32 $0x2160, s20  }
0x2ba: {  	[hbm4b:s26+s3] =	stream.linear.scatter [tilespmem:s25], [sflag:s18], $0x80, $0x38;
	[tilespmem:$0x16C00] =	vst v63  }
0x2bb: {  	s28 =	sadd.s32 $0x11238, s17;
	s29 =	sadd.s32 $0x2170, s20  }
0x2bc: {  	[hbm4b:s29+s3] =	stream.linear.scatter [tilespmem:s28], [sflag:s18], $0x80, $0x38;
	[tilespmem:$0x16C00] =	vst v63  }
0x2bd: {  	s30 =	sadd.s32 $0x112C0, s17;
	s31 =	sadd.s32 $0x3100, s20  }
0x2be: {  	[hbm4b:s31+s3] =	stream.linear.scatter [tilespmem:s30], [sflag:s18], $0x80, $0x38;
	[tilespmem:$0x16C00] =	vst v63  }
0x2bf: {  	s23 =	sadd.s32 $0x11348, s17;
	s24 =	sadd.s32 $0x3110, s20  }
0x2c0: {  	[hbm4b:s24+s3] =	stream.linear.scatter [tilespmem:s23], [sflag:s18], $0x80, $0x38;
	[tilespmem:$0x16C00] =	vst v63  }
0x2c1: {  	s25 =	sadd.s32 $0x113D0, s17;
	s26 =	sadd.s32 $0x3120, s20  }
0x2c2: {  	[hbm4b:s26+s3] =	stream.linear.scatter [tilespmem:s25], [sflag:s18], $0x80, $0x38;
	[tilespmem:$0x16C00] =	vst v63  }
0x2c3: {  	s28 =	sadd.s32 $0x11458, s17;
	s29 =	sadd.s32 $0x3130, s20  }
0x2c4: {  	[hbm4b:s29+s3] =	stream.linear.scatter [tilespmem:s28], [sflag:s18], $0x80, $0x38;
	[tilespmem:$0x16C00] =	vst v63  }
0x2c5: {  	s30 =	sadd.s32 $0x114E0, s17;
	s31 =	sadd.s32 $0x3140, s20  }
0x2c6: {  	[hbm4b:s31+s3] =	stream.linear.scatter [tilespmem:s30], [sflag:s18], $0x80, $0x38;
	[tilespmem:$0x16C00] =	vst v63  }
0x2c7: {  	s21 =	sadd.s32 $0x11568, s17;
	s23 =	sadd.s32 $0x3150, s20  }
0x2c8: {  	[hbm4b:s23+s3] =	stream.linear.scatter [tilespmem:s21], [sflag:s18], $0x80, $0x38;
	[tilespmem:$0x16C00] =	vst v63  }
0x2c9: {  	s24 =	sadd.s32 $0x115F0, s17;
	s25 =	sadd.s32 $0x3160, s20  }
0x2ca: {  	[hbm4b:s25+s3] =	stream.linear.scatter [tilespmem:s24], [sflag:s18], $0x80, $0x38;
	[tilespmem:$0x16C00] =	vst v63  }
0x2cb: {  	s26 =	sadd.s32 $0x11678, s17;
	s28 =	sadd.s32 $0x3170, s20  }
0x2cc: {  	[hbm4b:s28+s3] =	stream.linear.scatter [tilespmem:s26], [sflag:s18], $0x80, $0x38;
	[tilespmem:$0x16C00] =	vst v63  }
0x2cd: {  	s29 =	sadd.s32 $0x180, s20  }
0x2ce: {  	[hbm4b:s29+s3] =	stream.linear.scatter [tilespmem:s22], [sflag:s18], $0x80, $0x38;
	[tilespmem:$0x16C00] =	vst v63  }
0x2cf: {  	s30 =	sadd.s32 $0x11788, s17;
	s31 =	sadd.s32 $0x190, s20  }
0x2d0: {  	[hbm4b:s31+s3] =	stream.linear.scatter [tilespmem:s30], [sflag:s18], $0x80, $0x38;
	[tilespmem:$0x16C00] =	vst v63  }
0x2d1: {  	s21 =	sadd.s32 $0x11810, s17;
	s22 =	sadd.s32 $0x1A0, s20  }
0x2d2: {  	[hbm4b:s22+s3] =	stream.linear.scatter [tilespmem:s21], [sflag:s18], $0x80, $0x38;
	[tilespmem:$0x16C00] =	vst v63  }
0x2d3: {  	s23 =	sadd.s32 $0x11898, s17;
	s24 =	sadd.s32 $0x1B0, s20  }
0x2d4: {  	[hbm4b:s24+s3] =	stream.linear.scatter [tilespmem:s23], [sflag:s18], $0x80, $0x38;
	[tilespmem:$0x16C00] =	vst v63  }
0x2d5: {  	s25 =	sadd.s32 $0x11920, s17;
	s26 =	sadd.s32 $0x1C0, s20  }
0x2d6: {  	[hbm4b:s26+s3] =	stream.linear.scatter [tilespmem:s25], [sflag:s18], $0x80, $0x38;
	[tilespmem:$0x16C00] =	vst v63  }
0x2d7: {  	s28 =	sadd.s32 $0x119A8, s17;
	s29 =	sadd.s32 $0x1D0, s20  }
0x2d8: {  	[hbm4b:s29+s3] =	stream.linear.scatter [tilespmem:s28], [sflag:s18], $0x80, $0x38;
	[tilespmem:$0x16C00] =	vst v63  }
0x2d9: {  	s30 =	sadd.s32 $0x11A30, s17;
	s31 =	sadd.s32 $0x1E0, s20  }
0x2da: {  	[hbm4b:s31+s3] =	stream.linear.scatter [tilespmem:s30], [sflag:s18], $0x80, $0x38;
	[tilespmem:$0x16C00] =	vst v63  }
0x2db: {  	s21 =	sadd.s32 $0x11AB8, s17;
	s22 =	sadd.s32 $0x1F0, s20  }
0x2dc: {  	[hbm4b:s22+s3] =	stream.linear.scatter [tilespmem:s21], [sflag:s18], $0x80, $0x38;
	[tilespmem:$0x16C00] =	vst v63  }
0x2dd: {  	s23 =	sadd.s32 $0x11B40, s17;
	s24 =	sadd.s32 $0x1180, s20  }
0x2de: {  	[hbm4b:s24+s3] =	stream.linear.scatter [tilespmem:s23], [sflag:s18], $0x80, $0x38;
	[tilespmem:$0x16C00] =	vst v63  }
0x2df: {  	s25 =	sadd.s32 $0x11BC8, s17;
	s26 =	sadd.s32 $0x1190, s20  }
0x2e0: {  	[hbm4b:s26+s3] =	stream.linear.scatter [tilespmem:s25], [sflag:s18], $0x80, $0x38;
	[tilespmem:$0x16C00] =	vst v63  }
0x2e1: {  	s28 =	sadd.s32 $0x11C50, s17;
	s29 =	sadd.s32 $0x11A0, s20  }
0x2e2: {  	[hbm4b:s29+s3] =	stream.linear.scatter [tilespmem:s28], [sflag:s18], $0x80, $0x38;
	[tilespmem:$0x16C00] =	vst v63  }
0x2e3: {  	s30 =	sadd.s32 $0x11CD8, s17;
	s31 =	sadd.s32 $0x11B0, s20  }
0x2e4: {  	[hbm4b:s31+s3] =	stream.linear.scatter [tilespmem:s30], [sflag:s18], $0x80, $0x38;
	[tilespmem:$0x16C00] =	vst v63  }
0x2e5: {  	s21 =	sadd.s32 $0x11D60, s17;
	s22 =	sadd.s32 $0x11C0, s20  }
0x2e6: {  	[hbm4b:s22+s3] =	stream.linear.scatter [tilespmem:s21], [sflag:s18], $0x80, $0x38;
	[tilespmem:$0x16C00] =	vst v63  }
0x2e7: {  	s23 =	sadd.s32 $0x11DE8, s17;
	s24 =	sadd.s32 $0x11D0, s20  }
0x2e8: {  	[hbm4b:s24+s3] =	stream.linear.scatter [tilespmem:s23], [sflag:s18], $0x80, $0x38;
	[tilespmem:$0x16C00] =	vst v63  }
0x2e9: {  	s25 =	sadd.s32 $0x11E70, s17;
	s26 =	sadd.s32 $0x11E0, s20  }
0x2ea: {  	[hbm4b:s26+s3] =	stream.linear.scatter [tilespmem:s25], [sflag:s18], $0x80, $0x38;
	[tilespmem:$0x16C00] =	vst v63  }
0x2eb: {  	s28 =	sadd.s32 $0x11EF8, s17;
	s29 =	sadd.s32 $0x11F0, s20  }
0x2ec: {  	[hbm4b:s29+s3] =	stream.linear.scatter [tilespmem:s28], [sflag:s18], $0x80, $0x38;
	[tilespmem:$0x16C00] =	vst v63  }
0x2ed: {  	s30 =	sadd.s32 $0x11F80, s17;
	s31 =	sadd.s32 $0x2180, s20  }
0x2ee: {  	[hbm4b:s31+s3] =	stream.linear.scatter [tilespmem:s30], [sflag:s18], $0x80, $0x38;
	[tilespmem:$0x16C00] =	vst v63  }
0x2ef: {  	s21 =	sadd.s32 $0x12008, s17;
	s22 =	sadd.s32 $0x2190, s20  }
0x2f0: {  	[hbm4b:s22+s3] =	stream.linear.scatter [tilespmem:s21], [sflag:s18], $0x80, $0x38;
	[tilespmem:$0x16C00] =	vst v63  }
0x2f1: {  	s23 =	sadd.s32 $0x12090, s17;
	s24 =	sadd.s32 $0x21A0, s20  }
0x2f2: {  	[hbm4b:s24+s3] =	stream.linear.scatter [tilespmem:s23], [sflag:s18], $0x80, $0x38;
	[tilespmem:$0x16C00] =	vst v63  }
0x2f3: {  	s25 =	sadd.s32 $0x12118, s17;
	s26 =	sadd.s32 $0x21B0, s20  }
0x2f4: {  	[hbm4b:s26+s3] =	stream.linear.scatter [tilespmem:s25], [sflag:s18], $0x80, $0x38;
	[tilespmem:$0x16C00] =	vst v63  }
0x2f5: {  	s28 =	sadd.s32 $0x121A0, s17;
	s29 =	sadd.s32 $0x21C0, s20  }
0x2f6: {  	[hbm4b:s29+s3] =	stream.linear.scatter [tilespmem:s28], [sflag:s18], $0x80, $0x38;
	[tilespmem:$0x16C00] =	vst v63  }
0x2f7: {  	s30 =	sadd.s32 $0x12228, s17;
	s31 =	sadd.s32 $0x21D0, s20  }
0x2f8: {  	[hbm4b:s31+s3] =	stream.linear.scatter [tilespmem:s30], [sflag:s18], $0x80, $0x38;
	[tilespmem:$0x16C00] =	vst v63  }
0x2f9: {  	s21 =	sadd.s32 $0x122B0, s17;
	s22 =	sadd.s32 $0x21E0, s20  }
0x2fa: {  	[hbm4b:s22+s3] =	stream.linear.scatter [tilespmem:s21], [sflag:s18], $0x80, $0x38;
	[tilespmem:$0x16C00] =	vst v63  }
0x2fb: {  	s23 =	sadd.s32 $0x12338, s17;
	s24 =	sadd.s32 $0x21F0, s20  }
0x2fc: {  	[hbm4b:s24+s3] =	stream.linear.scatter [tilespmem:s23], [sflag:s18], $0x80, $0x38;
	[tilespmem:$0x16C00] =	vst v63  }
0x2fd: {  	s25 =	sadd.s32 $0x123C0, s17;
	s26 =	sadd.s32 $0x3180, s20  }
0x2fe: {  	[hbm4b:s26+s3] =	stream.linear.scatter [tilespmem:s25], [sflag:s18], $0x80, $0x38;
	[tilespmem:$0x16C00] =	vst v63  }
0x2ff: {  	s28 =	sadd.s32 $0x12448, s17;
	s29 =	sadd.s32 $0x3190, s20  }
0x300: {  	[hbm4b:s29+s3] =	stream.linear.scatter [tilespmem:s28], [sflag:s18], $0x80, $0x38;
	[tilespmem:$0x16C00] =	vst v63  }
0x301: {  	s30 =	sadd.s32 $0x124D0, s17;
	s31 =	sadd.s32 $0x31A0, s20  }
0x302: {  	[hbm4b:s31+s3] =	stream.linear.scatter [tilespmem:s30], [sflag:s18], $0x80, $0x38;
	[tilespmem:$0x16C00] =	vst v63  }
0x303: {  	s21 =	sadd.s32 $0x12558, s17;
	s22 =	sadd.s32 $0x31B0, s20  }
0x304: {  	[hbm4b:s22+s3] =	stream.linear.scatter [tilespmem:s21], [sflag:s18], $0x80, $0x38;
	[tilespmem:$0x16C00] =	vst v63  }
0x305: {  	s16 =	sadd.s32 $0x1, s16;
	s23 =	sadd.s32 $0x125E0, s17;
	s24 =	sadd.s32 $0x31C0, s20  }
0x306: {  	[hbm4b:s24+s3] =	stream.linear.scatter [tilespmem:s23], [sflag:s18], $0x80, $0x38;
	[tilespmem:$0x16C00] =	vst v63  }
0x307: {  	p1 =	sne.s32 s16, $0x32;
	s25 =	sadd.s32 $0x12668, s17;
	s26 =	sadd.s32 $0x31D0, s20  }
0x308: {  	[hbm4b:s26+s3] =	stream.linear.scatter [tilespmem:s25], [sflag:s18], $0x80, $0x38;
	[tilespmem:$0x16C00] =	vst v63  }
.Ltmp4:
0x309: {  	_ = 	snop;
	(pc) =	sbr.rel @p1 .LBB2_2-.Ltmp4, $4  }
0x30a: {  	s28 =	sadd.s32 $0x126F0, s17;
	s29 =	sadd.s32 $0x31E0, s20  }
0x30b: {  	[hbm4b:s29+s3] =	stream.linear.scatter [tilespmem:s28], [sflag:s18], $0x80, $0x38;
	[tilespmem:$0x16C00] =	vst v63  }
0x30c: {  	p0 =	por !p0, !p0;
	s30 =	sadd.s32 $0x12778, s17;
	s31 =	sadd.s32 $0x31F0, s20  }
0x30d: {  	[hbm4b:s31+s3] =	stream.linear.scatter [tilespmem:s30], [sflag:s18], $0x80, $0x38;
	[tilespmem:$0x16C00] =	vst v63  }
0x30e: {  	_ =	swait.ge [sflag:s13], $0x1000  }
0x30f: {  	[sflag:s13] =	ssyncset.done $0x0  }
0x310: {  	[sflag:s13] =	ssyncadd.s32 $0xFFFFF000  }
0x311: {  	_ =	swait.ge [sflag:s13], $0x1000  }
0x312: {  	[sflag:s13] =	ssyncset.done $0x0  }
0x313: {  	[sflag:s13] =	ssyncadd.s32 $0xFFFFF000  }
0x314: {  	_ =	swait.ge [sflag:s13], $0x1000  }
0x315: {  	[sflag:s13] =	ssyncset.done $0x0  }
0x316: {  	[sflag:s13] =	ssyncadd.s32 $0xFFFFF000  }
0x317: {  	_ =	swait.ge [sflag:s13], $0x1000  }
0x318: {  	[sflag:s13] =	ssyncset.done $0x0  }
0x319: {  	[sflag:s13] =	ssyncadd.s32 $0xFFFFF000  }
0x31a: {  	_ =	swait.ge [sflag:s14], $0x1000  }
0x31b: {  	[sflag:s14] =	ssyncset.done $0x0  }
0x31c: {  	[sflag:s14] =	ssyncadd.s32 $0xFFFFF000  }
0x31d: {  	_ =	swait.ge [sflag:s14], $0x1000  }
0x31e: {  	[sflag:s14] =	ssyncset.done $0x0  }
0x31f: {  	s15 =	sadd.s32 $0x1, s15;
	[sflag:s14] =	ssyncadd.s32 $0xFFFFF000  }
0x320: {  	p0 =	sne.s32 s15, s8;
	_ =	swait.ge [sflag:s14], $0x1000  }
.Ltmp5:
0x321: {  	[sflag:s14] =	ssyncset.done $0x0;
	(pc) =	sbr.rel @p0 .LBB2_1-.Ltmp5, $4  }
0x322: {  	[sflag:s14] =	ssyncadd.s32 $0xFFFFF000  }
0x323: {  	_ =	swait.ge [sflag:s14], $0x1000  }
0x324: {  	[sflag:s14] =	ssyncset.done $0x0  }
0x325: {  	[sflag:s14] =	ssyncadd.s32 $0xFFFFF000  }
0x326: {  	_ =	sfence.sel $0x180000  }
0x327: {  	[bflag:$0x0] =	sbarrier.arrive $0xFFFF  }
0x328: {  	p0 =	sne.s32 s0, $0x0;
	_ =	strace $0x90000047  }
0x329: {  	s0 =	sadd.s32 @!p0 $0x100000, s1;
	[bflag:$0x2] =	sbarrier.arrive $0xFFFF  }
0x32a: {  	[sflag:s0] =	ssyncadd.tile.s32 @!p0 $0x1;
	_ =	shalt  }
.Lfunc_end2:
_tile_overlayer_lowered:
.L_overlay_start_2:
0x32b: {  	(tag) =	ssettag $0x2  }
0x32c: {  	s0 =	rddreg [dreg:$0x0];
	s2 =	stileid.u32  }
0x32d: {  	s1 =	rddreg [dreg:$0x1];
	p0 =	sne.s32 s2, $0x0  }
0x32e: {  	s3 =	rddreg [dreg:$0x2];
	[bflag:$0x3] =	sbarrier.arrive $0xFFFF;
	s2 =	simm.s32 @!p0 $0x1C05  }
0x32f: {  	[timem:s3], [sflag:s2] =	dma.local @!p0 [hbm:s0], s1  }
0x330: {  	s0 =	simm.s32 @!p0 $0x5  }
0x331: {  	_ =	swait.ge @!p0 [sflag:s0], s1  }
0x332: {  	s1 =	ssub.s32 @!p0 $0x0, s1;
	[sflag:s0] =	ssyncset.done @!p0 $0x0  }
0x333: {  	[sflag:s0] =	ssyncadd.s32 @!p0 s1  }
0x334: {  	[bflag:$0x3] =	sbarrier.arrive $0xFFFF  }
0x335: {  	_ =	shalt  }

</sc_bundles>
